<compile_context>
chip_gen: v7x
topology: tpu7x:2x2x1
jax: 0.10.2.dev20260603
libtpu: 0.0.44.dev20260713+nightly
codegen_flags: <defaults>
</compile_context>

<pallas_src>
import functools

import jax
import jax.numpy as jnp
from jax import lax
from jax.experimental import pallas as pl
from jax.experimental.pallas import tpu as pltpu
from jax.experimental.pallas import tpu_sc as plsc

NBLK = 512
MBLK = 512
C_LOC = 128
C_GLB = 512

_DOT = functools.partial(
    lax.dot_general,
    preferred_element_type=jnp.float32,
)


def _mlp_body(x_ref, w1, b1, w2, b2, w3, b3, w4, b4, feat_ref, g_ref):
    nb = pl.program_id(1)
    x = x_ref[...]
    mm = lambda a, w: _DOT(a, w, (((1,), (0,)), ((), ())))
    h1 = jnp.maximum(mm(x, w1[...]) + b1[...], 0.0)
    h2 = jnp.maximum(mm(h1, w2[...]) + b2[...], 0.0)
    feat_ref[...] = h2
    h3 = jnp.maximum(mm(h2, w3[...]) + b3[...], 0.0)
    h4 = mm(h3, w4[...]) + b4[...]
    gpart = jnp.max(h4, axis=0, keepdims=True)[None]

    @pl.when(nb == 0)
    def _():
        g_ref[...] = gpart

    @pl.when(nb != 0)
    def _():
        g_ref[...] = jnp.maximum(g_ref[...], gpart)


def _knn_body(q_ref, p_ref, ids_ref, *, n_points):
    b = pl.program_id(0)
    qs = q_ref[0]
    p = p_ref[0]
    qp = lax.dot_general(qs, p, (((1,), (1,)), ((), ())),
                         preferred_element_type=jnp.float32)
    pp = jnp.sum(p * p, axis=1)[None, :]
    d2 = qp + pp
    iota = lax.broadcasted_iota(jnp.int32, d2.shape, 1)
    picks = []
    for k in range(3):
        i_k = jnp.argmin(d2, axis=1).astype(jnp.int32)
        picks.append(i_k)
        if k < 2:
            d2 = jnp.where(iota == i_k[:, None], jnp.inf, d2)
    ids = jnp.stack(picks, axis=0) + b * n_points
    ids_ref[...] = ids


def _transpose_body(pc_ref, q_ref, pt_ref, qt_ref):
    pt_ref[0] = jnp.transpose(pc_ref[0], (1, 0))
    qt_ref[0] = -2.0 * jnp.transpose(q_ref[0], (1, 0))


def _assemble_body(gcol_ref, gat_ref, out_ref):
    out_ref[0, :C_GLB, :] = jnp.broadcast_to(
        gcol_ref[0], (C_GLB, gat_ref.shape[0]))
    out_ref[0, C_GLB:, :] = jnp.transpose(gat_ref[...], (1, 0))


def _make_gather_mean(total_q, chunk, n_workers):
    perw = total_q // n_workers
    reps = perw // chunk
    n_stage = 4
    lead = 2
    mesh = plsc.VectorSubcoreMesh(
        core_axis_name="c", subcore_axis_name="s",
        num_cores=2, num_subcores=16)

    @functools.partial(
        pl.kernel,
        out_type=jax.ShapeDtypeStruct((total_q, C_LOC), jnp.float32),
        mesh=mesh,
        scratch_types=(
            [pltpu.VMEM((3, chunk, C_LOC), jnp.float32)] * n_stage
            + [pltpu.VMEM((chunk,), jnp.int32)] * (3 * n_stage)
            + [pltpu.SemaphoreType.DMA] * (3 * n_stage)
        ),
    )
    def gather_mean(ids_hbm, feat_hbm, out_hbm, *rest):
        bufs = rest[:n_stage]
        idxr = rest[n_stage:4 * n_stage]
        sem_g = rest[4 * n_stage:5 * n_stage]
        sem_o = rest[5 * n_stage:6 * n_stage]
        sem_i = rest[6 * n_stage:]
        wid = lax.axis_index("s") * 2 + lax.axis_index("c")
        base = wid * perw

        def fire(t, j):
            start = pl.multiple_of(t * chunk, chunk)
            cps = [pltpu.async_copy(
                ids_hbm.at[pl.ds(k * total_q + base + start, chunk)],
                idxr[3 * j + k], sem_i[j]) for k in range(3)]
            for cp in cps:
                cp.wait()
            for k in range(3):
                pltpu.async_copy(
                    feat_hbm.at[idxr[3 * j + k]],
                    bufs[j].at[k], sem_g[j])

        def drain_g(j):
            for k in range(3):
                pltpu.make_async_copy(
                    feat_hbm.at[pl.ds(0, chunk)], bufs[j].at[k],
                    sem_g[j]).wait()

        def drain_wb(j):
            pltpu.make_async_copy(
                feat_hbm.at[pl.ds(0, chunk)], bufs[j].at[0],
                sem_o[j]).wait()

        third = jnp.full((16,), 1.0 / 3.0, jnp.float32)

        def compute_wb(t, j):
            def qstep(qi, c2):
                for c in range(C_LOC // 16):
                    s = pl.ds(c * 16, 16)
                    bufs[j][0, qi, s] = (bufs[j][0, qi, s]
                                         + bufs[j][1, qi, s]
                                         + bufs[j][2, qi, s]) * third
                return c2

            lax.fori_loop(0, chunk, qstep, 0)
            pltpu.async_copy(bufs[j].at[0],
                             out_hbm.at[pl.ds(base + t * chunk, chunk)],
                             sem_o[j])

        for j in range(lead):
            fire(j, j)

        def body(u, carry):
            for j in range(n_stage):
                t = n_stage * u + j
                sf = (j + lead) % n_stage

                @pl.when(t >= lead)
                def _():
                    drain_wb(sf)

                fire(lax.rem(t + lead, reps), sf)
                drain_g(j)
                compute_wb(t, j)
            return carry

        lax.fori_loop(0, reps // n_stage, body, 0)
        for j in range(lead):
            drain_g(j)
        for j in range(n_stage - lead, n_stage):
            drain_wb(j)

    return gather_mean


def kernel(point_cloud, query_points, K, W1, b1, W2, b2, W3, b3, W4, b4):
    B, _, N = point_cloud.shape
    M = query_points.shape[2]
    nb_per_b = N // NBLK
    mb_per_b = M // MBLK

    pc_t, qs_t = pl.pallas_call(
        _transpose_body,
        grid=(B,),
        in_specs=[
            pl.BlockSpec((1, 3, N), lambda b: (b, 0, 0)),
            pl.BlockSpec((1, 3, M), lambda b: (b, 0, 0)),
        ],
        out_specs=[
            pl.BlockSpec((1, N, 3), lambda b: (b, 0, 0)),
            pl.BlockSpec((1, M, 3), lambda b: (b, 0, 0)),
        ],
        out_shape=[
            jax.ShapeDtypeStruct((B, N, 3), jnp.float32),
            jax.ShapeDtypeStruct((B, M, 3), jnp.float32),
        ],
        compiler_params=pltpu.CompilerParams(
            dimension_semantics=("parallel",)),
    )(point_cloud, query_points)

    feat, g = pl.pallas_call(
        _mlp_body,
        grid=(B, nb_per_b),
        in_specs=[
            pl.BlockSpec((NBLK, 3), lambda b, nb: (b * nb_per_b + nb, 0)),
            pl.BlockSpec((3, 64), lambda b, nb: (0, 0)),
            pl.BlockSpec((1, 64), lambda b, nb: (0, 0)),
            pl.BlockSpec((64, 128), lambda b, nb: (0, 0)),
            pl.BlockSpec((1, 128), lambda b, nb: (0, 0)),
            pl.BlockSpec((128, 256), lambda b, nb: (0, 0)),
            pl.BlockSpec((1, 256), lambda b, nb: (0, 0)),
            pl.BlockSpec((256, 512), lambda b, nb: (0, 0)),
            pl.BlockSpec((1, 512), lambda b, nb: (0, 0)),
        ],
        out_specs=[
            pl.BlockSpec((NBLK, C_LOC), lambda b, nb: (b * nb_per_b + nb, 0)),
            pl.BlockSpec((1, 1, C_GLB), lambda b, nb: (b, 0, 0)),
        ],
        out_shape=[
            jax.ShapeDtypeStruct((B * N, C_LOC), jnp.float32),
            jax.ShapeDtypeStruct((B, 1, C_GLB), jnp.float32),
        ],
        compiler_params=pltpu.CompilerParams(
            dimension_semantics=("parallel", "arbitrary")),
    )(
        pc_t.reshape(B * N, 3),
        W1.T, b1.reshape(1, -1),
        W2.T, b2.reshape(1, -1),
        W3.T, b3.reshape(1, -1),
        W4.T, b4.reshape(1, -1),
    )

    ids = pl.pallas_call(
        functools.partial(_knn_body, n_points=N),
        grid=(B, mb_per_b),
        in_specs=[
            pl.BlockSpec((1, MBLK, 3), lambda b, mb: (b, mb, 0)),
            pl.BlockSpec((1, N, 3), lambda b, mb: (b, 0, 0)),
        ],
        out_specs=pl.BlockSpec((3, MBLK), lambda b, mb: (0, b * mb_per_b + mb)),
        out_shape=jax.ShapeDtypeStruct((3, B * M), jnp.int32),
        compiler_params=pltpu.CompilerParams(
            dimension_semantics=("parallel", "parallel")),
    )(qs_t, pc_t)

    ids = ids + (jnp.asarray(K, jnp.int32) - 3)

    gathered = _make_gather_mean(B * M, 64, 32)(ids.reshape(-1), feat)

    out = pl.pallas_call(
        _assemble_body,
        grid=(B, mb_per_b),
        in_specs=[
            pl.BlockSpec((1, C_GLB, 1), lambda b, mb: (b, 0, 0)),
            pl.BlockSpec((MBLK, C_LOC), lambda b, mb: (b * mb_per_b + mb, 0)),
        ],
        out_specs=pl.BlockSpec((1, C_GLB + C_LOC, MBLK),
                               lambda b, mb: (b, 0, mb)),
        out_shape=jax.ShapeDtypeStruct((B, C_GLB + C_LOC, M), jnp.float32),
        compiler_params=pltpu.CompilerParams(
            dimension_semantics=("parallel", "parallel")),
    )(g.reshape(B, C_GLB, 1), gathered)
    return out

# --- scband reference (transcript-rebuilt; emitter-appended) ---
"""Pipeline reference for scband-point-net-encoder-75076028334683 (READ-ONLY COPY).

The authoritative reference and input builder live on the scoring server;
editing this copy changes nothing except your own understanding.
"""

import jax, jax.numpy as jnp
import numpy as np


def setup_inputs(seed: int = 0) -> dict:
    key = jax.random.key(seed)
    ks = jax.random.split(key, 8)
    B, N, M = 16, 4096, 4096
    point_cloud = jax.random.normal(ks[0], (B, 3, N), dtype=jnp.float32)
    query_points = jax.random.normal(ks[1], (B, 3, M), dtype=jnp.float32)

    def w(k, o, i):
        return jax.random.normal(k, (o, i), dtype=jnp.float32) * (1.0 / np.sqrt(i))

    W1 = w(ks[2], 64, 3)
    b1 = jnp.zeros((64,), jnp.float32)
    W2 = w(ks[3], 128, 64)
    b2 = jnp.zeros((128,), jnp.float32)
    W3 = w(ks[4], 256, 128)
    b3 = jnp.zeros((256,), jnp.float32)
    W4 = w(ks[5], 512, 256)
    b4 = jnp.zeros((512,), jnp.float32)
    return {
        "point_cloud": point_cloud,
        "query_points": query_points,
        "K": 3,
        "W1": W1, "b1": b1,
        "W2": W2, "b2": b2,
        "W3": W3, "b3": b3,
        "W4": W4, "b4": b4,
    }


def _conv1x1(x, W, b, relu):
    # x: [B, Cin, N], W: [Cout, Cin], b: [Cout]
    y = jnp.einsum("oi,bin->bon", W, x) + b[None, :, None]
    return jax.nn.relu(y) if relu else y


def reference(point_cloud, query_points, K, W1, b1, W2, b2, W3, b3, W4, b4):
    N = point_cloud.shape[2]
    # local encoder (all layers ReLU since out_linear=False)
    feat = _conv1x1(point_cloud, W1, b1, True)
    feat = _conv1x1(feat, W2, b2, True)
    local_feat = feat
    # global encoder (last layer linear since out_linear=True)
    g = _conv1x1(feat, W3, b3, True)
    g = _conv1x1(g, W4, b4, False)
    g = jnp.max(g, axis=2, keepdims=True)  # [B, 512, 1]
    feat_cat = jnp.concatenate([jnp.repeat(g, N, axis=2), local_feat], axis=1)  # [B, 640, N]
    # knn_points: squared L2 distances between queries and points, per batch
    q = jnp.transpose(query_points, (0, 2, 1))  # [B, M, 3]
    p = jnp.transpose(point_cloud, (0, 2, 1))   # [B, N, 3]
    d2 = (jnp.sum(q * q, axis=-1, keepdims=True)
          - 2.0 * jnp.einsum("bmd,bnd->bmn", q, p)
          + jnp.sum(p * p, axis=-1)[:, None, :])  # [B, M, N]
    K_STATIC = 3
    _, ids = jax.lax.top_k(-d2, K_STATIC)  # [B, M, K] nearest neighbors
    ids = ids + (jnp.asarray(K, dtype=ids.dtype) - K_STATIC)
    # knn_gather on feat.transpose(1,2): [B, N, C] gathered at ids -> [B, M, K, C]
    featT = jnp.transpose(feat_cat, (0, 2, 1))  # [B, N, C]
    gathered = jax.vmap(lambda f, i: f[i])(featT, ids)  # [B, M, K, C]
    out = jnp.mean(gathered, axis=2)  # [B, M, C]
    return jnp.transpose(out, (0, 2, 1))  # [B, C, M]

if __name__ == "__main__":
    import jax
    _d = setup_inputs()
    print(jax.jit(kernel)(*tuple(_d.values())))

</pallas_src>

<mosaic_0001>
#map = affine_map<(d0, d1) -> (0)>
#map1 = affine_map<(d0, d1) -> (0, 0)>
module attributes {stable_mosaic.version = 14 : i64} {
  func.func @gather_mean(%arg0: i32, %arg1: i32, %arg2: memref<196608xi32, #tpu.memory_space<hbm>>, %arg3: memref<65536x128xf32, #tpu.memory_space<hbm>>, %arg4: memref<65536x128xf32, #tpu.memory_space<hbm>>, %arg5: memref<3x64x128xf32, #tpu.memory_space<vmem>>, %arg6: memref<3x64x128xf32, #tpu.memory_space<vmem>>, %arg7: memref<3x64x128xf32, #tpu.memory_space<vmem>>, %arg8: memref<3x64x128xf32, #tpu.memory_space<vmem>>, %arg9: memref<64xi32, #tpu.memory_space<vmem>>, %arg10: memref<64xi32, #tpu.memory_space<vmem>>, %arg11: memref<64xi32, #tpu.memory_space<vmem>>, %arg12: memref<64xi32, #tpu.memory_space<vmem>>, %arg13: memref<64xi32, #tpu.memory_space<vmem>>, %arg14: memref<64xi32, #tpu.memory_space<vmem>>, %arg15: memref<64xi32, #tpu.memory_space<vmem>>, %arg16: memref<64xi32, #tpu.memory_space<vmem>>, %arg17: memref<64xi32, #tpu.memory_space<vmem>>, %arg18: memref<64xi32, #tpu.memory_space<vmem>>, %arg19: memref<64xi32, #tpu.memory_space<vmem>>, %arg20: memref<64xi32, #tpu.memory_space<vmem>>, %arg21: memref<!tpu.dma_semaphore, #tpu.memory_space<semaphore_mem>>, %arg22: memref<!tpu.dma_semaphore, #tpu.memory_space<semaphore_mem>>, %arg23: memref<!tpu.dma_semaphore, #tpu.memory_space<semaphore_mem>>, %arg24: memref<!tpu.dma_semaphore, #tpu.memory_space<semaphore_mem>>, %arg25: memref<!tpu.dma_semaphore, #tpu.memory_space<semaphore_mem>>, %arg26: memref<!tpu.dma_semaphore, #tpu.memory_space<semaphore_mem>>, %arg27: memref<!tpu.dma_semaphore, #tpu.memory_space<semaphore_mem>>, %arg28: memref<!tpu.dma_semaphore, #tpu.memory_space<semaphore_mem>>, %arg29: memref<!tpu.dma_semaphore, #tpu.memory_space<semaphore_mem>>, %arg30: memref<!tpu.dma_semaphore, #tpu.memory_space<semaphore_mem>>, %arg31: memref<!tpu.dma_semaphore, #tpu.memory_space<semaphore_mem>>, %arg32: memref<!tpu.dma_semaphore, #tpu.memory_space<semaphore_mem>>) attributes {dimension_semantics = [#tpu.dimension_semantics<core_parallel>, #tpu.dimension_semantics<subcore_parallel>], iteration_bounds = array<i64: 2, 16>, scalar_prefetch = 0 : i64, scratch_operands = 28 : i64, tpu.core_type = #tpu.core_type<sc_vector_subcore>, window_params = [{transform_indices = #map}, {transform_indices = #map1}, {transform_indices = #map1}]} {
    %mul3A = arith.constant 2 : i32
    %mul3A_0 = arith.muli %arg1, %mul3A : i32
    %add3A = arith.addi %mul3A_0, %arg0 : i32
    %mul3A_1 = arith.constant 2048 : i32
    %mul3A_2 = arith.muli %add3A, %mul3A_1 : i32
    %broadcast_in_dim3A = arith.constant 0.333333343 : f32
    %broadcast_in_dim3A_3 = vector.broadcast %broadcast_in_dim3A : f32 to vector<16xf32>
    %multiple_of3A = arith.constant 0 : i32
    %multiple_of3A_4 = tpu.assume_multiple %multiple_of3A, 64 : i32
    %add3A_5 = arith.constant 0 : i32
    %add3A_6 = arith.addi %add3A_5, %mul3A_2 : i32
    %add3A_7 = arith.addi %add3A_6, %multiple_of3A_4 : i32
    %dma_start3A = tpu.memref_slice %arg2[%add3A_7] : memref<196608xi32, #tpu.memory_space<hbm>> -> memref<64xi32, #tpu.memory_space<hbm>>
    %dma_start3A_8 = tpu.memref_slice %arg2[%add3A_7] : memref<196608xi32, #tpu.memory_space<hbm>> -> memref<64xi32, #tpu.memory_space<hbm>>
    tpu.enqueue_dma source(%dma_start3A_8 : memref<64xi32, #tpu.memory_space<hbm>>) target(%arg9 : memref<64xi32, #tpu.memory_space<vmem>>) target_semaphore(%arg29 : memref<!tpu.dma_semaphore, #tpu.memory_space<semaphore_mem>>)
    %add3A_9 = arith.constant 65536 : i32
    %add3A_10 = arith.addi %add3A_9, %mul3A_2 : i32
    %add3A_11 = arith.addi %add3A_10, %multiple_of3A_4 : i32
    %dma_start3A_12 = tpu.memref_slice %arg2[%add3A_11] : memref<196608xi32, #tpu.memory_space<hbm>> -> memref<64xi32, #tpu.memory_space<hbm>>
    %dma_start3A_13 = tpu.memref_slice %arg2[%add3A_11] : memref<196608xi32, #tpu.memory_space<hbm>> -> memref<64xi32, #tpu.memory_space<hbm>>
    tpu.enqueue_dma source(%dma_start3A_13 : memref<64xi32, #tpu.memory_space<hbm>>) target(%arg10 : memref<64xi32, #tpu.memory_space<vmem>>) target_semaphore(%arg29 : memref<!tpu.dma_semaphore, #tpu.memory_space<semaphore_mem>>)
    %add3A_14 = arith.constant 131072 : i32
    %add3A_15 = arith.addi %add3A_14, %mul3A_2 : i32
    %add3A_16 = arith.addi %add3A_15, %multiple_of3A_4 : i32
    %dma_start3A_17 = tpu.memref_slice %arg2[%add3A_16] : memref<196608xi32, #tpu.memory_space<hbm>> -> memref<64xi32, #tpu.memory_space<hbm>>
    %dma_start3A_18 = tpu.memref_slice %arg2[%add3A_16] : memref<196608xi32, #tpu.memory_space<hbm>> -> memref<64xi32, #tpu.memory_space<hbm>>
    tpu.enqueue_dma source(%dma_start3A_18 : memref<64xi32, #tpu.memory_space<hbm>>) target(%arg11 : memref<64xi32, #tpu.memory_space<vmem>>) target_semaphore(%arg29 : memref<!tpu.dma_semaphore, #tpu.memory_space<semaphore_mem>>)
    %dma_wait3A = tpu.memref_slice %arg2[%add3A_7] : memref<196608xi32, #tpu.memory_space<hbm>> -> memref<64xi32, #tpu.memory_space<hbm>>
    %dma_wait3A_19 = tpu.memref_slice %arg2[%add3A_7] : memref<196608xi32, #tpu.memory_space<hbm>> -> memref<64xi32, #tpu.memory_space<hbm>>
    tpu.wait_dma2 semaphore(%arg29 : memref<!tpu.dma_semaphore, #tpu.memory_space<semaphore_mem>>) src(%dma_wait3A_19 : memref<64xi32, #tpu.memory_space<hbm>>) dst(%arg9 : memref<64xi32, #tpu.memory_space<vmem>>)
    %dma_wait3A_20 = tpu.memref_slice %arg2[%add3A_11] : memref<196608xi32, #tpu.memory_space<hbm>> -> memref<64xi32, #tpu.memory_space<hbm>>
    %dma_wait3A_21 = tpu.memref_slice %arg2[%add3A_11] : memref<196608xi32, #tpu.memory_space<hbm>> -> memref<64xi32, #tpu.memory_space<hbm>>
    tpu.wait_dma2 semaphore(%arg29 : memref<!tpu.dma_semaphore, #tpu.memory_space<semaphore_mem>>) src(%dma_wait3A_21 : memref<64xi32, #tpu.memory_space<hbm>>) dst(%arg10 : memref<64xi32, #tpu.memory_space<vmem>>)
    %dma_wait3A_22 = tpu.memref_slice %arg2[%add3A_16] : memref<196608xi32, #tpu.memory_space<hbm>> -> memref<64xi32, #tpu.memory_space<hbm>>
    %dma_wait3A_23 = tpu.memref_slice %arg2[%add3A_16] : memref<196608xi32, #tpu.memory_space<hbm>> -> memref<64xi32, #tpu.memory_space<hbm>>
    tpu.wait_dma2 semaphore(%arg29 : memref<!tpu.dma_semaphore, #tpu.memory_space<semaphore_mem>>) src(%dma_wait3A_23 : memref<64xi32, #tpu.memory_space<hbm>>) dst(%arg11 : memref<64xi32, #tpu.memory_space<vmem>>)
    %dma_start3A_24 = arith.constant 0 : i32
    %dma_start3A_25 = arith.constant 0 : i32
    %dma_start3A_26 = arith.constant 0 : i32
    %dma_start3A_27 = tpu.memref_slice %arg5[%dma_start3A_24, %dma_start3A_25, %dma_start3A_26] : memref<3x64x128xf32, #tpu.memory_space<vmem>> -> memref<1x64x128xf32, #tpu.memory_space<vmem>>
    %dma_start3A_28 = tpu.memref_squeeze %dma_start3A_27 : memref<1x64x128xf32, #tpu.memory_space<vmem>> -> memref<64x128xf32, #tpu.memory_space<vmem>>
    %dma_start3A_29 = arith.constant 0 : i32
    %dma_start3A_30 = arith.constant 0 : i32
    %dma_start3A_31 = tpu.memref_slice %arg3[%dma_start3A_29, %dma_start3A_30] : memref<65536x128xf32, #tpu.memory_space<hbm>> -> memref<65536x128xf32, #tpu.memory_space<hbm>>
    tpu.enqueue_indirect_dma source(%dma_start3A_31 : memref<65536x128xf32, #tpu.memory_space<hbm>>) target(%dma_start3A_28 : memref<64x128xf32, #tpu.memory_space<vmem>>) offsets(%arg9 : memref<64xi32, #tpu.memory_space<vmem>>) semaphore(%arg21 : memref<!tpu.dma_semaphore, #tpu.memory_space<semaphore_mem>>)
    %dma_start3A_32 = arith.constant 1 : i32
    %dma_start3A_33 = arith.constant 0 : i32
    %dma_start3A_34 = arith.constant 0 : i32
    %dma_start3A_35 = tpu.memref_slice %arg5[%dma_start3A_32, %dma_start3A_33, %dma_start3A_34] : memref<3x64x128xf32, #tpu.memory_space<vmem>> -> memref<1x64x128xf32, #tpu.memory_space<vmem>>
    %dma_start3A_36 = tpu.memref_squeeze %dma_start3A_35 : memref<1x64x128xf32, #tpu.memory_space<vmem>> -> memref<64x128xf32, #tpu.memory_space<vmem>>
    %dma_start3A_37 = arith.constant 0 : i32
    %dma_start3A_38 = arith.constant 0 : i32
    %dma_start3A_39 = tpu.memref_slice %arg3[%dma_start3A_37, %dma_start3A_38] : memref<65536x128xf32, #tpu.memory_space<hbm>> -> memref<65536x128xf32, #tpu.memory_space<hbm>>
    tpu.enqueue_indirect_dma source(%dma_start3A_39 : memref<65536x128xf32, #tpu.memory_space<hbm>>) target(%dma_start3A_36 : memref<64x128xf32, #tpu.memory_space<vmem>>) offsets(%arg10 : memref<64xi32, #tpu.memory_space<vmem>>) semaphore(%arg21 : memref<!tpu.dma_semaphore, #tpu.memory_space<semaphore_mem>>)
    %dma_start3A_40 = arith.constant 2 : i32
    %dma_start3A_41 = arith.constant 0 : i32
    %dma_start3A_42 = arith.constant 0 : i32
    %dma_start3A_43 = tpu.memref_slice %arg5[%dma_start3A_40, %dma_start3A_41, %dma_start3A_42] : memref<3x64x128xf32, #tpu.memory_space<vmem>> -> memref<1x64x128xf32, #tpu.memory_space<vmem>>
    %dma_start3A_44 = tpu.memref_squeeze %dma_start3A_43 : memref<1x64x128xf32, #tpu.memory_space<vmem>> -> memref<64x128xf32, #tpu.memory_space<vmem>>
    %dma_start3A_45 = arith.constant 0 : i32
    %dma_start3A_46 = arith.constant 0 : i32
    %dma_start3A_47 = tpu.memref_slice %arg3[%dma_start3A_45, %dma_start3A_46] : memref<65536x128xf32, #tpu.memory_space<hbm>> -> memref<65536x128xf32, #tpu.memory_space<hbm>>
    tpu.enqueue_indirect_dma source(%dma_start3A_47 : memref<65536x128xf32, #tpu.memory_space<hbm>>) target(%dma_start3A_44 : memref<64x128xf32, #tpu.memory_space<vmem>>) offsets(%arg11 : memref<64xi32, #tpu.memory_space<vmem>>) semaphore(%arg21 : memref<!tpu.dma_semaphore, #tpu.memory_space<semaphore_mem>>)
    %multiple_of3A_48 = arith.constant 64 : i32
    %multiple_of3A_49 = tpu.assume_multiple %multiple_of3A_48, 64 : i32
    %add3A_50 = arith.constant 0 : i32
    %add3A_51 = arith.addi %add3A_50, %mul3A_2 : i32
    %add3A_52 = arith.addi %add3A_51, %multiple_of3A_49 : i32
    %dma_start3A_53 = tpu.memref_slice %arg2[%add3A_52] : memref<196608xi32, #tpu.memory_space<hbm>> -> memref<64xi32, #tpu.memory_space<hbm>>
    %dma_start3A_54 = tpu.memref_slice %arg2[%add3A_52] : memref<196608xi32, #tpu.memory_space<hbm>> -> memref<64xi32, #tpu.memory_space<hbm>>
    tpu.enqueue_dma source(%dma_start3A_54 : memref<64xi32, #tpu.memory_space<hbm>>) target(%arg12 : memref<64xi32, #tpu.memory_space<vmem>>) target_semaphore(%arg30 : memref<!tpu.dma_semaphore, #tpu.memory_space<semaphore_mem>>)
    %add3A_55 = arith.constant 65536 : i32
    %add3A_56 = arith.addi %add3A_55, %mul3A_2 : i32
    %add3A_57 = arith.addi %add3A_56, %multiple_of3A_49 : i32
    %dma_start3A_58 = tpu.memref_slice %arg2[%add3A_57] : memref<196608xi32, #tpu.memory_space<hbm>> -> memref<64xi32, #tpu.memory_space<hbm>>
    %dma_start3A_59 = tpu.memref_slice %arg2[%add3A_57] : memref<196608xi32, #tpu.memory_space<hbm>> -> memref<64xi32, #tpu.memory_space<hbm>>
    tpu.enqueue_dma source(%dma_start3A_59 : memref<64xi32, #tpu.memory_space<hbm>>) target(%arg13 : memref<64xi32, #tpu.memory_space<vmem>>) target_semaphore(%arg30 : memref<!tpu.dma_semaphore, #tpu.memory_space<semaphore_mem>>)
    %add3A_60 = arith.constant 131072 : i32
    %add3A_61 = arith.addi %add3A_60, %mul3A_2 : i32
    %add3A_62 = arith.addi %add3A_61, %multiple_of3A_49 : i32
    %dma_start3A_63 = tpu.memref_slice %arg2[%add3A_62] : memref<196608xi32, #tpu.memory_space<hbm>> -> memref<64xi32, #tpu.memory_space<hbm>>
    %dma_start3A_64 = tpu.memref_slice %arg2[%add3A_62] : memref<196608xi32, #tpu.memory_space<hbm>> -> memref<64xi32, #tpu.memory_space<hbm>>
    tpu.enqueue_dma source(%dma_start3A_64 : memref<64xi32, #tpu.memory_space<hbm>>) target(%arg14 : memref<64xi32, #tpu.memory_space<vmem>>) target_semaphore(%arg30 : memref<!tpu.dma_semaphore, #tpu.memory_space<semaphore_mem>>)
    %dma_wait3A_65 = tpu.memref_slice %arg2[%add3A_52] : memref<196608xi32, #tpu.memory_space<hbm>> -> memref<64xi32, #tpu.memory_space<hbm>>
    %dma_wait3A_66 = tpu.memref_slice %arg2[%add3A_52] : memref<196608xi32, #tpu.memory_space<hbm>> -> memref<64xi32, #tpu.memory_space<hbm>>
    tpu.wait_dma2 semaphore(%arg30 : memref<!tpu.dma_semaphore, #tpu.memory_space<semaphore_mem>>) src(%dma_wait3A_66 : memref<64xi32, #tpu.memory_space<hbm>>) dst(%arg12 : memref<64xi32, #tpu.memory_space<vmem>>)
    %dma_wait3A_67 = tpu.memref_slice %arg2[%add3A_57] : memref<196608xi32, #tpu.memory_space<hbm>> -> memref<64xi32, #tpu.memory_space<hbm>>
    %dma_wait3A_68 = tpu.memref_slice %arg2[%add3A_57] : memref<196608xi32, #tpu.memory_space<hbm>> -> memref<64xi32, #tpu.memory_space<hbm>>
    tpu.wait_dma2 semaphore(%arg30 : memref<!tpu.dma_semaphore, #tpu.memory_space<semaphore_mem>>) src(%dma_wait3A_68 : memref<64xi32, #tpu.memory_space<hbm>>) dst(%arg13 : memref<64xi32, #tpu.memory_space<vmem>>)
    %dma_wait3A_69 = tpu.memref_slice %arg2[%add3A_62] : memref<196608xi32, #tpu.memory_space<hbm>> -> memref<64xi32, #tpu.memory_space<hbm>>
    %dma_wait3A_70 = tpu.memref_slice %arg2[%add3A_62] : memref<196608xi32, #tpu.memory_space<hbm>> -> memref<64xi32, #tpu.memory_space<hbm>>
    tpu.wait_dma2 semaphore(%arg30 : memref<!tpu.dma_semaphore, #tpu.memory_space<semaphore_mem>>) src(%dma_wait3A_70 : memref<64xi32, #tpu.memory_space<hbm>>) dst(%arg14 : memref<64xi32, #tpu.memory_space<vmem>>)
    %dma_start3A_71 = arith.constant 0 : i32
    %dma_start3A_72 = arith.constant 0 : i32
    %dma_start3A_73 = arith.constant 0 : i32
    %dma_start3A_74 = tpu.memref_slice %arg6[%dma_start3A_71, %dma_start3A_72, %dma_start3A_73] : memref<3x64x128xf32, #tpu.memory_space<vmem>> -> memref<1x64x128xf32, #tpu.memory_space<vmem>>
    %dma_start3A_75 = tpu.memref_squeeze %dma_start3A_74 : memref<1x64x128xf32, #tpu.memory_space<vmem>> -> memref<64x128xf32, #tpu.memory_space<vmem>>
    %dma_start3A_76 = arith.constant 0 : i32
    %dma_start3A_77 = arith.constant 0 : i32
    %dma_start3A_78 = tpu.memref_slice %arg3[%dma_start3A_76, %dma_start3A_77] : memref<65536x128xf32, #tpu.memory_space<hbm>> -> memref<65536x128xf32, #tpu.memory_space<hbm>>
    tpu.enqueue_indirect_dma source(%dma_start3A_78 : memref<65536x128xf32, #tpu.memory_space<hbm>>) target(%dma_start3A_75 : memref<64x128xf32, #tpu.memory_space<vmem>>) offsets(%arg12 : memref<64xi32, #tpu.memory_space<vmem>>) semaphore(%arg22 : memref<!tpu.dma_semaphore, #tpu.memory_space<semaphore_mem>>)
    %dma_start3A_79 = arith.constant 1 : i32
    %dma_start3A_80 = arith.constant 0 : i32
    %dma_start3A_81 = arith.constant 0 : i32
    %dma_start3A_82 = tpu.memref_slice %arg6[%dma_start3A_79, %dma_start3A_80, %dma_start3A_81] : memref<3x64x128xf32, #tpu.memory_space<vmem>> -> memref<1x64x128xf32, #tpu.memory_space<vmem>>
    %dma_start3A_83 = tpu.memref_squeeze %dma_start3A_82 : memref<1x64x128xf32, #tpu.memory_space<vmem>> -> memref<64x128xf32, #tpu.memory_space<vmem>>
    %dma_start3A_84 = arith.constant 0 : i32
    %dma_start3A_85 = arith.constant 0 : i32
    %dma_start3A_86 = tpu.memref_slice %arg3[%dma_start3A_84, %dma_start3A_85] : memref<65536x128xf32, #tpu.memory_space<hbm>> -> memref<65536x128xf32, #tpu.memory_space<hbm>>
    tpu.enqueue_indirect_dma source(%dma_start3A_86 : memref<65536x128xf32, #tpu.memory_space<hbm>>) target(%dma_start3A_83 : memref<64x128xf32, #tpu.memory_space<vmem>>) offsets(%arg13 : memref<64xi32, #tpu.memory_space<vmem>>) semaphore(%arg22 : memref<!tpu.dma_semaphore, #tpu.memory_space<semaphore_mem>>)
    %dma_start3A_87 = arith.constant 2 : i32
    %dma_start3A_88 = arith.constant 0 : i32
    %dma_start3A_89 = arith.constant 0 : i32
    %dma_start3A_90 = tpu.memref_slice %arg6[%dma_start3A_87, %dma_start3A_88, %dma_start3A_89] : memref<3x64x128xf32, #tpu.memory_space<vmem>> -> memref<1x64x128xf32, #tpu.memory_space<vmem>>
    %dma_start3A_91 = tpu.memref_squeeze %dma_start3A_90 : memref<1x64x128xf32, #tpu.memory_space<vmem>> -> memref<64x128xf32, #tpu.memory_space<vmem>>
    %dma_start3A_92 = arith.constant 0 : i32
    %dma_start3A_93 = arith.constant 0 : i32
    %dma_start3A_94 = tpu.memref_slice %arg3[%dma_start3A_92, %dma_start3A_93] : memref<65536x128xf32, #tpu.memory_space<hbm>> -> memref<65536x128xf32, #tpu.memory_space<hbm>>
    tpu.enqueue_indirect_dma source(%dma_start3A_94 : memref<65536x128xf32, #tpu.memory_space<hbm>>) target(%dma_start3A_91 : memref<64x128xf32, #tpu.memory_space<vmem>>) offsets(%arg14 : memref<64xi32, #tpu.memory_space<vmem>>) semaphore(%arg22 : memref<!tpu.dma_semaphore, #tpu.memory_space<semaphore_mem>>)
    %scan3A = arith.constant 0 : i32
    %scan3A_95 = arith.constant 0 : i32
    %scan3A_96 = arith.constant 8 : i32
    %scan3A_97 = arith.addi %scan3A_95, %scan3A_96 : i32
    %scan3A_98 = arith.constant 1 : i32
    scf.for %scan3A_220 = %scan3A_95 to %scan3A_97 step %scan3A_98  : i32 {
      %mul3A_221 = arith.constant 4 : i32
      %mul3A_222 = arith.muli %mul3A_221, %scan3A_220 : i32
      %add3A_223 = arith.constant 0 : i32
      %add3A_224 = arith.addi %mul3A_222, %add3A_223 : i32
      %ge3A = arith.constant 2 : i32
      %ge3A_225 = arith.cmpi sge, %add3A_224, %ge3A : i32
      %convert_element_type3A = arith.extui %ge3A_225 : i1 to i32
      %cond3A = arith.constant 0 : i32
      %cond3A_226 = arith.cmpi ne, %convert_element_type3A, %cond3A : i32
      scf.if %cond3A_226 {
        %dma_wait3A_729 = arith.constant 0 : i32
        %dma_wait3A_730 = arith.constant 0 : i32
        %dma_wait3A_731 = arith.constant 0 : i32
        %dma_wait3A_732 = tpu.memref_slice %arg7[%dma_wait3A_729, %dma_wait3A_730, %dma_wait3A_731] : memref<3x64x128xf32, #tpu.memory_space<vmem>> -> memref<1x64x128xf32, #tpu.memory_space<vmem>>
        %dma_wait3A_733 = tpu.memref_squeeze %dma_wait3A_732 : memref<1x64x128xf32, #tpu.memory_space<vmem>> -> memref<64x128xf32, #tpu.memory_space<vmem>>
        %dma_wait3A_734 = arith.constant 0 : i32
        %dma_wait3A_735 = arith.constant 0 : i32
        %dma_wait3A_736 = tpu.memref_slice %arg3[%dma_wait3A_734, %dma_wait3A_735] : memref<65536x128xf32, #tpu.memory_space<hbm>> -> memref<64x128xf32, #tpu.memory_space<hbm>>
        %dma_wait3A_737 = arith.constant 0 : i32
        %dma_wait3A_738 = arith.constant 0 : i32
        %dma_wait3A_739 = tpu.memref_slice %arg7[%dma_wait3A_729, %dma_wait3A_737, %dma_wait3A_738] : memref<3x64x128xf32, #tpu.memory_space<vmem>> -> memref<1x64x128xf32, #tpu.memory_space<vmem>>
        %dma_wait3A_740 = tpu.memref_squeeze %dma_wait3A_739 : memref<1x64x128xf32, #tpu.memory_space<vmem>> -> memref<64x128xf32, #tpu.memory_space<vmem>>
        %dma_wait3A_741 = arith.constant 0 : i32
        %dma_wait3A_742 = arith.constant 0 : i32
        %dma_wait3A_743 = tpu.memref_slice %arg3[%dma_wait3A_741, %dma_wait3A_742] : memref<65536x128xf32, #tpu.memory_space<hbm>> -> memref<64x128xf32, #tpu.memory_space<hbm>>
        tpu.wait_dma2 semaphore(%arg27 : memref<!tpu.dma_semaphore, #tpu.memory_space<semaphore_mem>>) src(%dma_wait3A_743 : memref<64x128xf32, #tpu.memory_space<hbm>>) dst(%dma_wait3A_740 : memref<64x128xf32, #tpu.memory_space<vmem>>)
      } else {
      }
      %add3A_227 = arith.constant 2 : i32
      %add3A_228 = arith.addi %add3A_224, %add3A_227 : i32
      %rem3A = arith.constant 32 : i32
      %rem3A_229 = arith.remsi %add3A_228, %rem3A : i32
      %mul3A_230 = arith.constant 64 : i32
      %mul3A_231 = arith.muli %rem3A_229, %mul3A_230 : i32
      %multiple_of3A_232 = tpu.assume_multiple %mul3A_231, 64 : i32
      %add3A_233 = arith.constant 0 : i32
      %add3A_234 = arith.addi %add3A_233, %mul3A_2 : i32
      %add3A_235 = arith.addi %add3A_234, %multiple_of3A_232 : i32
      %dma_start3A_236 = tpu.memref_slice %arg2[%add3A_235] : memref<196608xi32, #tpu.memory_space<hbm>> -> memref<64xi32, #tpu.memory_space<hbm>>
      %dma_start3A_237 = tpu.memref_slice %arg2[%add3A_235] : memref<196608xi32, #tpu.memory_space<hbm>> -> memref<64xi32, #tpu.memory_space<hbm>>
      tpu.enqueue_dma source(%dma_start3A_237 : memref<64xi32, #tpu.memory_space<hbm>>) target(%arg15 : memref<64xi32, #tpu.memory_space<vmem>>) target_semaphore(%arg31 : memref<!tpu.dma_semaphore, #tpu.memory_space<semaphore_mem>>)
      %add3A_238 = arith.constant 65536 : i32
      %add3A_239 = arith.addi %add3A_238, %mul3A_2 : i32
      %add3A_240 = arith.addi %add3A_239, %multiple_of3A_232 : i32
      %dma_start3A_241 = tpu.memref_slice %arg2[%add3A_240] : memref<196608xi32, #tpu.memory_space<hbm>> -> memref<64xi32, #tpu.memory_space<hbm>>
      %dma_start3A_242 = tpu.memref_slice %arg2[%add3A_240] : memref<196608xi32, #tpu.memory_space<hbm>> -> memref<64xi32, #tpu.memory_space<hbm>>
      tpu.enqueue_dma source(%dma_start3A_242 : memref<64xi32, #tpu.memory_space<hbm>>) target(%arg16 : memref<64xi32, #tpu.memory_space<vmem>>) target_semaphore(%arg31 : memref<!tpu.dma_semaphore, #tpu.memory_space<semaphore_mem>>)
      %add3A_243 = arith.constant 131072 : i32
      %add3A_244 = arith.addi %add3A_243, %mul3A_2 : i32
      %add3A_245 = arith.addi %add3A_244, %multiple_of3A_232 : i32
      %dma_start3A_246 = tpu.memref_slice %arg2[%add3A_245] : memref<196608xi32, #tpu.memory_space<hbm>> -> memref<64xi32, #tpu.memory_space<hbm>>
      %dma_start3A_247 = tpu.memref_slice %arg2[%add3A_245] : memref<196608xi32, #tpu.memory_space<hbm>> -> memref<64xi32, #tpu.memory_space<hbm>>
      tpu.enqueue_dma source(%dma_start3A_247 : memref<64xi32, #tpu.memory_space<hbm>>) target(%arg17 : memref<64xi32, #tpu.memory_space<vmem>>) target_semaphore(%arg31 : memref<!tpu.dma_semaphore, #tpu.memory_space<semaphore_mem>>)
      %dma_wait3A_248 = tpu.memref_slice %arg2[%add3A_235] : memref<196608xi32, #tpu.memory_space<hbm>> -> memref<64xi32, #tpu.memory_space<hbm>>
      %dma_wait3A_249 = tpu.memref_slice %arg2[%add3A_235] : memref<196608xi32, #tpu.memory_space<hbm>> -> memref<64xi32, #tpu.memory_space<hbm>>
      tpu.wait_dma2 semaphore(%arg31 : memref<!tpu.dma_semaphore, #tpu.memory_space<semaphore_mem>>) src(%dma_wait3A_249 : memref<64xi32, #tpu.memory_space<hbm>>) dst(%arg15 : memref<64xi32, #tpu.memory_space<vmem>>)
      %dma_wait3A_250 = tpu.memref_slice %arg2[%add3A_240] : memref<196608xi32, #tpu.memory_space<hbm>> -> memref<64xi32, #tpu.memory_space<hbm>>
      %dma_wait3A_251 = tpu.memref_slice %arg2[%add3A_240] : memref<196608xi32, #tpu.memory_space<hbm>> -> memref<64xi32, #tpu.memory_space<hbm>>
      tpu.wait_dma2 semaphore(%arg31 : memref<!tpu.dma_semaphore, #tpu.memory_space<semaphore_mem>>) src(%dma_wait3A_251 : memref<64xi32, #tpu.memory_space<hbm>>) dst(%arg16 : memref<64xi32, #tpu.memory_space<vmem>>)
      %dma_wait3A_252 = tpu.memref_slice %arg2[%add3A_245] : memref<196608xi32, #tpu.memory_space<hbm>> -> memref<64xi32, #tpu.memory_space<hbm>>
      %dma_wait3A_253 = tpu.memref_slice %arg2[%add3A_245] : memref<196608xi32, #tpu.memory_space<hbm>> -> memref<64xi32, #tpu.memory_space<hbm>>
      tpu.wait_dma2 semaphore(%arg31 : memref<!tpu.dma_semaphore, #tpu.memory_space<semaphore_mem>>) src(%dma_wait3A_253 : memref<64xi32, #tpu.memory_space<hbm>>) dst(%arg17 : memref<64xi32, #tpu.memory_space<vmem>>)
      %dma_start3A_254 = arith.constant 0 : i32
      %dma_start3A_255 = arith.constant 0 : i32
      %dma_start3A_256 = arith.constant 0 : i32
      %dma_start3A_257 = tpu.memref_slice %arg7[%dma_start3A_254, %dma_start3A_255, %dma_start3A_256] : memref<3x64x128xf32, #tpu.memory_space<vmem>> -> memref<1x64x128xf32, #tpu.memory_space<vmem>>
      %dma_start3A_258 = tpu.memref_squeeze %dma_start3A_257 : memref<1x64x128xf32, #tpu.memory_space<vmem>> -> memref<64x128xf32, #tpu.memory_space<vmem>>
      %dma_start3A_259 = arith.constant 0 : i32
      %dma_start3A_260 = arith.constant 0 : i32
      %dma_start3A_261 = tpu.memref_slice %arg3[%dma_start3A_259, %dma_start3A_260] : memref<65536x128xf32, #tpu.memory_space<hbm>> -> memref<65536x128xf32, #tpu.memory_space<hbm>>
      tpu.enqueue_indirect_dma source(%dma_start3A_261 : memref<65536x128xf32, #tpu.memory_space<hbm>>) target(%dma_start3A_258 : memref<64x128xf32, #tpu.memory_space<vmem>>) offsets(%arg15 : memref<64xi32, #tpu.memory_space<vmem>>) semaphore(%arg23 : memref<!tpu.dma_semaphore, #tpu.memory_space<semaphore_mem>>)
      %dma_start3A_262 = arith.constant 1 : i32
      %dma_start3A_263 = arith.constant 0 : i32
      %dma_start3A_264 = arith.constant 0 : i32
      %dma_start3A_265 = tpu.memref_slice %arg7[%dma_start3A_262, %dma_start3A_263, %dma_start3A_264] : memref<3x64x128xf32, #tpu.memory_space<vmem>> -> memref<1x64x128xf32, #tpu.memory_space<vmem>>
      %dma_start3A_266 = tpu.memref_squeeze %dma_start3A_265 : memref<1x64x128xf32, #tpu.memory_space<vmem>> -> memref<64x128xf32, #tpu.memory_space<vmem>>
      %dma_start3A_267 = arith.constant 0 : i32
      %dma_start3A_268 = arith.constant 0 : i32
      %dma_start3A_269 = tpu.memref_slice %arg3[%dma_start3A_267, %dma_start3A_268] : memref<65536x128xf32, #tpu.memory_space<hbm>> -> memref<65536x128xf32, #tpu.memory_space<hbm>>
      tpu.enqueue_indirect_dma source(%dma_start3A_269 : memref<65536x128xf32, #tpu.memory_space<hbm>>) target(%dma_start3A_266 : memref<64x128xf32, #tpu.memory_space<vmem>>) offsets(%arg16 : memref<64xi32, #tpu.memory_space<vmem>>) semaphore(%arg23 : memref<!tpu.dma_semaphore, #tpu.memory_space<semaphore_mem>>)
      %dma_start3A_270 = arith.constant 2 : i32
      %dma_start3A_271 = arith.constant 0 : i32
      %dma_start3A_272 = arith.constant 0 : i32
      %dma_start3A_273 = tpu.memref_slice %arg7[%dma_start3A_270, %dma_start3A_271, %dma_start3A_272] : memref<3x64x128xf32, #tpu.memory_space<vmem>> -> memref<1x64x128xf32, #tpu.memory_space<vmem>>
      %dma_start3A_274 = tpu.memref_squeeze %dma_start3A_273 : memref<1x64x128xf32, #tpu.memory_space<vmem>> -> memref<64x128xf32, #tpu.memory_space<vmem>>
      %dma_start3A_275 = arith.constant 0 : i32
      %dma_start3A_276 = arith.constant 0 : i32
      %dma_start3A_277 = tpu.memref_slice %arg3[%dma_start3A_275, %dma_start3A_276] : memref<65536x128xf32, #tpu.memory_space<hbm>> -> memref<65536x128xf32, #tpu.memory_space<hbm>>
      tpu.enqueue_indirect_dma source(%dma_start3A_277 : memref<65536x128xf32, #tpu.memory_space<hbm>>) target(%dma_start3A_274 : memref<64x128xf32, #tpu.memory_space<vmem>>) offsets(%arg17 : memref<64xi32, #tpu.memory_space<vmem>>) semaphore(%arg23 : memref<!tpu.dma_semaphore, #tpu.memory_space<semaphore_mem>>)
      %dma_wait3A_278 = arith.constant 0 : i32
      %dma_wait3A_279 = arith.constant 0 : i32
      %dma_wait3A_280 = arith.constant 0 : i32
      %dma_wait3A_281 = tpu.memref_slice %arg5[%dma_wait3A_278, %dma_wait3A_279, %dma_wait3A_280] : memref<3x64x128xf32, #tpu.memory_space<vmem>> -> memref<1x64x128xf32, #tpu.memory_space<vmem>>
      %dma_wait3A_282 = tpu.memref_squeeze %dma_wait3A_281 : memref<1x64x128xf32, #tpu.memory_space<vmem>> -> memref<64x128xf32, #tpu.memory_space<vmem>>
      %dma_wait3A_283 = arith.constant 0 : i32
      %dma_wait3A_284 = arith.constant 0 : i32
      %dma_wait3A_285 = tpu.memref_slice %arg3[%dma_wait3A_283, %dma_wait3A_284] : memref<65536x128xf32, #tpu.memory_space<hbm>> -> memref<64x128xf32, #tpu.memory_space<hbm>>
      %dma_wait3A_286 = arith.constant 0 : i32
      %dma_wait3A_287 = arith.constant 0 : i32
      %dma_wait3A_288 = tpu.memref_slice %arg5[%dma_wait3A_278, %dma_wait3A_286, %dma_wait3A_287] : memref<3x64x128xf32, #tpu.memory_space<vmem>> -> memref<1x64x128xf32, #tpu.memory_space<vmem>>
      %dma_wait3A_289 = tpu.memref_squeeze %dma_wait3A_288 : memref<1x64x128xf32, #tpu.memory_space<vmem>> -> memref<64x128xf32, #tpu.memory_space<vmem>>
      %dma_wait3A_290 = arith.constant 0 : i32
      %dma_wait3A_291 = arith.constant 0 : i32
      %dma_wait3A_292 = tpu.memref_slice %arg3[%dma_wait3A_290, %dma_wait3A_291] : memref<65536x128xf32, #tpu.memory_space<hbm>> -> memref<64x128xf32, #tpu.memory_space<hbm>>
      tpu.wait_dma2 semaphore(%arg21 : memref<!tpu.dma_semaphore, #tpu.memory_space<semaphore_mem>>) src(%dma_wait3A_292 : memref<64x128xf32, #tpu.memory_space<hbm>>) dst(%dma_wait3A_289 : memref<64x128xf32, #tpu.memory_space<vmem>>)
      %dma_wait3A_293 = arith.constant 1 : i32
      %dma_wait3A_294 = arith.constant 0 : i32
      %dma_wait3A_295 = arith.constant 0 : i32
      %dma_wait3A_296 = tpu.memref_slice %arg5[%dma_wait3A_293, %dma_wait3A_294, %dma_wait3A_295] : memref<3x64x128xf32, #tpu.memory_space<vmem>> -> memref<1x64x128xf32, #tpu.memory_space<vmem>>
      %dma_wait3A_297 = tpu.memref_squeeze %dma_wait3A_296 : memref<1x64x128xf32, #tpu.memory_space<vmem>> -> memref<64x128xf32, #tpu.memory_space<vmem>>
      %dma_wait3A_298 = arith.constant 0 : i32
      %dma_wait3A_299 = arith.constant 0 : i32
      %dma_wait3A_300 = tpu.memref_slice %arg3[%dma_wait3A_298, %dma_wait3A_299] : memref<65536x128xf32, #tpu.memory_space<hbm>> -> memref<64x128xf32, #tpu.memory_space<hbm>>
      %dma_wait3A_301 = arith.constant 0 : i32
      %dma_wait3A_302 = arith.constant 0 : i32
      %dma_wait3A_303 = tpu.memref_slice %arg5[%dma_wait3A_293, %dma_wait3A_301, %dma_wait3A_302] : memref<3x64x128xf32, #tpu.memory_space<vmem>> -> memref<1x64x128xf32, #tpu.memory_space<vmem>>
      %dma_wait3A_304 = tpu.memref_squeeze %dma_wait3A_303 : memref<1x64x128xf32, #tpu.memory_space<vmem>> -> memref<64x128xf32, #tpu.memory_space<vmem>>
      %dma_wait3A_305 = arith.constant 0 : i32
      %dma_wait3A_306 = arith.constant 0 : i32
      %dma_wait3A_307 = tpu.memref_slice %arg3[%dma_wait3A_305, %dma_wait3A_306] : memref<65536x128xf32, #tpu.memory_space<hbm>> -> memref<64x128xf32, #tpu.memory_space<hbm>>
      tpu.wait_dma2 semaphore(%arg21 : memref<!tpu.dma_semaphore, #tpu.memory_space<semaphore_mem>>) src(%dma_wait3A_307 : memref<64x128xf32, #tpu.memory_space<hbm>>) dst(%dma_wait3A_304 : memref<64x128xf32, #tpu.memory_space<vmem>>)
      %dma_wait3A_308 = arith.constant 2 : i32
      %dma_wait3A_309 = arith.constant 0 : i32
      %dma_wait3A_310 = arith.constant 0 : i32
      %dma_wait3A_311 = tpu.memref_slice %arg5[%dma_wait3A_308, %dma_wait3A_309, %dma_wait3A_310] : memref<3x64x128xf32, #tpu.memory_space<vmem>> -> memref<1x64x128xf32, #tpu.memory_space<vmem>>
      %dma_wait3A_312 = tpu.memref_squeeze %dma_wait3A_311 : memref<1x64x128xf32, #tpu.memory_space<vmem>> -> memref<64x128xf32, #tpu.memory_space<vmem>>
      %dma_wait3A_313 = arith.constant 0 : i32
      %dma_wait3A_314 = arith.constant 0 : i32
      %dma_wait3A_315 = tpu.memref_slice %arg3[%dma_wait3A_313, %dma_wait3A_314] : memref<65536x128xf32, #tpu.memory_space<hbm>> -> memref<64x128xf32, #tpu.memory_space<hbm>>
      %dma_wait3A_316 = arith.constant 0 : i32
      %dma_wait3A_317 = arith.constant 0 : i32
      %dma_wait3A_318 = tpu.memref_slice %arg5[%dma_wait3A_308, %dma_wait3A_316, %dma_wait3A_317] : memref<3x64x128xf32, #tpu.memory_space<vmem>> -> memref<1x64x128xf32, #tpu.memory_space<vmem>>
      %dma_wait3A_319 = tpu.memref_squeeze %dma_wait3A_318 : memref<1x64x128xf32, #tpu.memory_space<vmem>> -> memref<64x128xf32, #tpu.memory_space<vmem>>
      %dma_wait3A_320 = arith.constant 0 : i32
      %dma_wait3A_321 = arith.constant 0 : i32
      %dma_wait3A_322 = tpu.memref_slice %arg3[%dma_wait3A_320, %dma_wait3A_321] : memref<65536x128xf32, #tpu.memory_space<hbm>> -> memref<64x128xf32, #tpu.memory_space<hbm>>
      tpu.wait_dma2 semaphore(%arg21 : memref<!tpu.dma_semaphore, #tpu.memory_space<semaphore_mem>>) src(%dma_wait3A_322 : memref<64x128xf32, #tpu.memory_space<hbm>>) dst(%dma_wait3A_319 : memref<64x128xf32, #tpu.memory_space<vmem>>)
      %scan3A_323 = arith.constant 0 : i32
      %scan3A_324 = arith.constant 0 : i32
      %scan3A_325 = arith.constant 64 : i32
      %scan3A_326 = arith.addi %scan3A_324, %scan3A_325 : i32
      %scan3A_327 = arith.constant 1 : i32
      scf.for %scan3A_729 = %scan3A_324 to %scan3A_326 step %scan3A_327  : i32 {
        %get3A = arith.constant 0 : i32
        %get3A_730 = arith.index_cast %get3A : i32 to index
        %get3A_731 = arith.index_cast %scan3A_729 : i32 to index
        %get3A_732 = arith.constant 0 : index
        %get3A_733 = tpu.vector_load %arg5[%get3A_730, %get3A_731, %get3A_732] {strides = array<i32>} : memref<3x64x128xf32, #tpu.memory_space<vmem>>, vector<1x1x16xf32>,
        %get3A_734 = vector.shape_cast %get3A_733 : vector<1x1x16xf32> to vector<16xf32>
        %get3A_735 = arith.constant 1 : i32
        %get3A_736 = arith.index_cast %get3A_735 : i32 to index
        %get3A_737 = arith.index_cast %scan3A_729 : i32 to index
        %get3A_738 = arith.constant 0 : index
        %get3A_739 = tpu.vector_load %arg5[%get3A_736, %get3A_737, %get3A_738] {strides = array<i32>} : memref<3x64x128xf32, #tpu.memory_space<vmem>>, vector<1x1x16xf32>,
        %get3A_740 = vector.shape_cast %get3A_739 : vector<1x1x16xf32> to vector<16xf32>
        %add3A_741 = arith.addf %get3A_734, %get3A_740 : vector<16xf32>
        %get3A_742 = arith.constant 2 : i32
        %get3A_743 = arith.index_cast %get3A_742 : i32 to index
        %get3A_744 = arith.index_cast %scan3A_729 : i32 to index
        %get3A_745 = arith.constant 0 : index
        %get3A_746 = tpu.vector_load %arg5[%get3A_743, %get3A_744, %get3A_745] {strides = array<i32>} : memref<3x64x128xf32, #tpu.memory_space<vmem>>, vector<1x1x16xf32>,
        %get3A_747 = vector.shape_cast %get3A_746 : vector<1x1x16xf32> to vector<16xf32>
        %add3A_748 = arith.addf %add3A_741, %get3A_747 : vector<16xf32>
        %mul3A_749 = arith.mulf %add3A_748, %broadcast_in_dim3A_3 : vector<16xf32>
        %swap3A = arith.constant 0 : i32
        %swap3A_750 = arith.index_cast %swap3A : i32 to index
        %swap3A_751 = arith.index_cast %scan3A_729 : i32 to index
        %swap3A_752 = arith.constant 0 : index
        %swap3A_753 = tpu.vector_load %arg5[%swap3A_750, %swap3A_751, %swap3A_752] {strides = array<i32>} : memref<3x64x128xf32, #tpu.memory_space<vmem>>, vector<1x1x16xf32>,
        %swap3A_754 = vector.shape_cast %swap3A_753 : vector<1x1x16xf32> to vector<16xf32>
        %swap3A_755 = vector.shape_cast %mul3A_749 : vector<16xf32> to vector<1x1x16xf32>
        tpu.vector_store %arg5[%swap3A_750, %swap3A_751, %swap3A_752], %swap3A_755 {strides = array<i32>} : memref<3x64x128xf32, #tpu.memory_space<vmem>>, vector<1x1x16xf32>,
        %get3A_756 = arith.constant 0 : i32
        %get3A_757 = arith.index_cast %get3A_756 : i32 to index
        %get3A_758 = arith.index_cast %scan3A_729 : i32 to index
        %get3A_759 = arith.constant 16 : index
        %get3A_760 = tpu.vector_load %arg5[%get3A_757, %get3A_758, %get3A_759] {strides = array<i32>} : memref<3x64x128xf32, #tpu.memory_space<vmem>>, vector<1x1x16xf32>,
        %get3A_761 = vector.shape_cast %get3A_760 : vector<1x1x16xf32> to vector<16xf32>
        %get3A_762 = arith.constant 1 : i32
        %get3A_763 = arith.index_cast %get3A_762 : i32 to index
        %get3A_764 = arith.index_cast %scan3A_729 : i32 to index
        %get3A_765 = arith.constant 16 : index
        %get3A_766 = tpu.vector_load %arg5[%get3A_763, %get3A_764, %get3A_765] {strides = array<i32>} : memref<3x64x128xf32, #tpu.memory_space<vmem>>, vector<1x1x16xf32>,
        %get3A_767 = vector.shape_cast %get3A_766 : vector<1x1x16xf32> to vector<16xf32>
        %add3A_768 = arith.addf %get3A_761, %get3A_767 : vector<16xf32>
        %get3A_769 = arith.constant 2 : i32
        %get3A_770 = arith.index_cast %get3A_769 : i32 to index
        %get3A_771 = arith.index_cast %scan3A_729 : i32 to index
        %get3A_772 = arith.constant 16 : index
        %get3A_773 = tpu.vector_load %arg5[%get3A_770, %get3A_771, %get3A_772] {strides = array<i32>} : memref<3x64x128xf32, #tpu.memory_space<vmem>>, vector<1x1x16xf32>,
        %get3A_774 = vector.shape_cast %get3A_773 : vector<1x1x16xf32> to vector<16xf32>
        %add3A_775 = arith.addf %add3A_768, %get3A_774 : vector<16xf32>
        %mul3A_776 = arith.mulf %add3A_775, %broadcast_in_dim3A_3 : vector<16xf32>
        %swap3A_777 = arith.constant 0 : i32
        %swap3A_778 = arith.index_cast %swap3A_777 : i32 to index
        %swap3A_779 = arith.index_cast %scan3A_729 : i32 to index
        %swap3A_780 = arith.constant 16 : index
        %swap3A_781 = tpu.vector_load %arg5[%swap3A_778, %swap3A_779, %swap3A_780] {strides = array<i32>} : memref<3x64x128xf32, #tpu.memory_space<vmem>>, vector<1x1x16xf32>,
        %swap3A_782 = vector.shape_cast %swap3A_781 : vector<1x1x16xf32> to vector<16xf32>
        %swap3A_783 = vector.shape_cast %mul3A_776 : vector<16xf32> to vector<1x1x16xf32>
        tpu.vector_store %arg5[%swap3A_778, %swap3A_779, %swap3A_780], %swap3A_783 {strides = array<i32>} : memref<3x64x128xf32, #tpu.memory_space<vmem>>, vector<1x1x16xf32>,
        %get3A_784 = arith.constant 0 : i32
        %get3A_785 = arith.index_cast %get3A_784 : i32 to index
        %get3A_786 = arith.index_cast %scan3A_729 : i32 to index
        %get3A_787 = arith.constant 32 : index
        %get3A_788 = tpu.vector_load %arg5[%get3A_785, %get3A_786, %get3A_787] {strides = array<i32>} : memref<3x64x128xf32, #tpu.memory_space<vmem>>, vector<1x1x16xf32>,
        %get3A_789 = vector.shape_cast %get3A_788 : vector<1x1x16xf32> to vector<16xf32>
        %get3A_790 = arith.constant 1 : i32
        %get3A_791 = arith.index_cast %get3A_790 : i32 to index
        %get3A_792 = arith.index_cast %scan3A_729 : i32 to index
        %get3A_793 = arith.constant 32 : index
        %get3A_794 = tpu.vector_load %arg5[%get3A_791, %get3A_792, %get3A_793] {strides = array<i32>} : memref<3x64x128xf32, #tpu.memory_space<vmem>>, vector<1x1x16xf32>,
        %get3A_795 = vector.shape_cast %get3A_794 : vector<1x1x16xf32> to vector<16xf32>
        %add3A_796 = arith.addf %get3A_789, %get3A_795 : vector<16xf32>
        %get3A_797 = arith.constant 2 : i32
        %get3A_798 = arith.index_cast %get3A_797 : i32 to index
        %get3A_799 = arith.index_cast %scan3A_729 : i32 to index
        %get3A_800 = arith.constant 32 : index
        %get3A_801 = tpu.vector_load %arg5[%get3A_798, %get3A_799, %get3A_800] {strides = array<i32>} : memref<3x64x128xf32, #tpu.memory_space<vmem>>, vector<1x1x16xf32>,
        %get3A_802 = vector.shape_cast %get3A_801 : vector<1x1x16xf32> to vector<16xf32>
        %add3A_803 = arith.addf %add3A_796, %get3A_802 : vector<16xf32>
        %mul3A_804 = arith.mulf %add3A_803, %broadcast_in_dim3A_3 : vector<16xf32>
        %swap3A_805 = arith.constant 0 : i32
        %swap3A_806 = arith.index_cast %swap3A_805 : i32 to index
        %swap3A_807 = arith.index_cast %scan3A_729 : i32 to index
        %swap3A_808 = arith.constant 32 : index
        %swap3A_809 = tpu.vector_load %arg5[%swap3A_806, %swap3A_807, %swap3A_808] {strides = array<i32>} : memref<3x64x128xf32, #tpu.memory_space<vmem>>, vector<1x1x16xf32>,
        %swap3A_810 = vector.shape_cast %swap3A_809 : vector<1x1x16xf32> to vector<16xf32>
        %swap3A_811 = vector.shape_cast %mul3A_804 : vector<16xf32> to vector<1x1x16xf32>
        tpu.vector_store %arg5[%swap3A_806, %swap3A_807, %swap3A_808], %swap3A_811 {strides = array<i32>} : memref<3x64x128xf32, #tpu.memory_space<vmem>>, vector<1x1x16xf32>,
        %get3A_812 = arith.constant 0 : i32
        %get3A_813 = arith.index_cast %get3A_812 : i32 to index
        %get3A_814 = arith.index_cast %scan3A_729 : i32 to index
        %get3A_815 = arith.constant 48 : index
        %get3A_816 = tpu.vector_load %arg5[%get3A_813, %get3A_814, %get3A_815] {strides = array<i32>} : memref<3x64x128xf32, #tpu.memory_space<vmem>>, vector<1x1x16xf32>,
        %get3A_817 = vector.shape_cast %get3A_816 : vector<1x1x16xf32> to vector<16xf32>
        %get3A_818 = arith.constant 1 : i32
        %get3A_819 = arith.index_cast %get3A_818 : i32 to index
        %get3A_820 = arith.index_cast %scan3A_729 : i32 to index
        %get3A_821 = arith.constant 48 : index
        %get3A_822 = tpu.vector_load %arg5[%get3A_819, %get3A_820, %get3A_821] {strides = array<i32>} : memref<3x64x128xf32, #tpu.memory_space<vmem>>, vector<1x1x16xf32>,
        %get3A_823 = vector.shape_cast %get3A_822 : vector<1x1x16xf32> to vector<16xf32>
        %add3A_824 = arith.addf %get3A_817, %get3A_823 : vector<16xf32>
        %get3A_825 = arith.constant 2 : i32
        %get3A_826 = arith.index_cast %get3A_825 : i32 to index
        %get3A_827 = arith.index_cast %scan3A_729 : i32 to index
        %get3A_828 = arith.constant 48 : index
        %get3A_829 = tpu.vector_load %arg5[%get3A_826, %get3A_827, %get3A_828] {strides = array<i32>} : memref<3x64x128xf32, #tpu.memory_space<vmem>>, vector<1x1x16xf32>,
        %get3A_830 = vector.shape_cast %get3A_829 : vector<1x1x16xf32> to vector<16xf32>
        %add3A_831 = arith.addf %add3A_824, %get3A_830 : vector<16xf32>
        %mul3A_832 = arith.mulf %add3A_831, %broadcast_in_dim3A_3 : vector<16xf32>
        %swap3A_833 = arith.constant 0 : i32
        %swap3A_834 = arith.index_cast %swap3A_833 : i32 to index
        %swap3A_835 = arith.index_cast %scan3A_729 : i32 to index
        %swap3A_836 = arith.constant 48 : index
        %swap3A_837 = tpu.vector_load %arg5[%swap3A_834, %swap3A_835, %swap3A_836] {strides = array<i32>} : memref<3x64x128xf32, #tpu.memory_space<vmem>>, vector<1x1x16xf32>,
        %swap3A_838 = vector.shape_cast %swap3A_837 : vector<1x1x16xf32> to vector<16xf32>
        %swap3A_839 = vector.shape_cast %mul3A_832 : vector<16xf32> to vector<1x1x16xf32>
        tpu.vector_store %arg5[%swap3A_834, %swap3A_835, %swap3A_836], %swap3A_839 {strides = array<i32>} : memref<3x64x128xf32, #tpu.memory_space<vmem>>, vector<1x1x16xf32>,
        %get3A_840 = arith.constant 0 : i32
        %get3A_841 = arith.index_cast %get3A_840 : i32 to index
        %get3A_842 = arith.index_cast %scan3A_729 : i32 to index
        %get3A_843 = arith.constant 64 : index
        %get3A_844 = tpu.vector_load %arg5[%get3A_841, %get3A_842, %get3A_843] {strides = array<i32>} : memref<3x64x128xf32, #tpu.memory_space<vmem>>, vector<1x1x16xf32>,
        %get3A_845 = vector.shape_cast %get3A_844 : vector<1x1x16xf32> to vector<16xf32>
        %get3A_846 = arith.constant 1 : i32
        %get3A_847 = arith.index_cast %get3A_846 : i32 to index
        %get3A_848 = arith.index_cast %scan3A_729 : i32 to index
        %get3A_849 = arith.constant 64 : index
        %get3A_850 = tpu.vector_load %arg5[%get3A_847, %get3A_848, %get3A_849] {strides = array<i32>} : memref<3x64x128xf32, #tpu.memory_space<vmem>>, vector<1x1x16xf32>,
        %get3A_851 = vector.shape_cast %get3A_850 : vector<1x1x16xf32> to vector<16xf32>
        %add3A_852 = arith.addf %get3A_845, %get3A_851 : vector<16xf32>
        %get3A_853 = arith.constant 2 : i32
        %get3A_854 = arith.index_cast %get3A_853 : i32 to index
        %get3A_855 = arith.index_cast %scan3A_729 : i32 to index
        %get3A_856 = arith.constant 64 : index
        %get3A_857 = tpu.vector_load %arg5[%get3A_854, %get3A_855, %get3A_856] {strides = array<i32>} : memref<3x64x128xf32, #tpu.memory_space<vmem>>, vector<1x1x16xf32>,
        %get3A_858 = vector.shape_cast %get3A_857 : vector<1x1x16xf32> to vector<16xf32>
        %add3A_859 = arith.addf %add3A_852, %get3A_858 : vector<16xf32>
        %mul3A_860 = arith.mulf %add3A_859, %broadcast_in_dim3A_3 : vector<16xf32>
        %swap3A_861 = arith.constant 0 : i32
        %swap3A_862 = arith.index_cast %swap3A_861 : i32 to index
        %swap3A_863 = arith.index_cast %scan3A_729 : i32 to index
        %swap3A_864 = arith.constant 64 : index
        %swap3A_865 = tpu.vector_load %arg5[%swap3A_862, %swap3A_863, %swap3A_864] {strides = array<i32>} : memref<3x64x128xf32, #tpu.memory_space<vmem>>, vector<1x1x16xf32>,
        %swap3A_866 = vector.shape_cast %swap3A_865 : vector<1x1x16xf32> to vector<16xf32>
        %swap3A_867 = vector.shape_cast %mul3A_860 : vector<16xf32> to vector<1x1x16xf32>
        tpu.vector_store %arg5[%swap3A_862, %swap3A_863, %swap3A_864], %swap3A_867 {strides = array<i32>} : memref<3x64x128xf32, #tpu.memory_space<vmem>>, vector<1x1x16xf32>,
        %get3A_868 = arith.constant 0 : i32
        %get3A_869 = arith.index_cast %get3A_868 : i32 to index
        %get3A_870 = arith.index_cast %scan3A_729 : i32 to index
        %get3A_871 = arith.constant 80 : index
        %get3A_872 = tpu.vector_load %arg5[%get3A_869, %get3A_870, %get3A_871] {strides = array<i32>} : memref<3x64x128xf32, #tpu.memory_space<vmem>>, vector<1x1x16xf32>,
        %get3A_873 = vector.shape_cast %get3A_872 : vector<1x1x16xf32> to vector<16xf32>
        %get3A_874 = arith.constant 1 : i32
        %get3A_875 = arith.index_cast %get3A_874 : i32 to index
        %get3A_876 = arith.index_cast %scan3A_729 : i32 to index
        %get3A_877 = arith.constant 80 : index
        %get3A_878 = tpu.vector_load %arg5[%get3A_875, %get3A_876, %get3A_877] {strides = array<i32>} : memref<3x64x128xf32, #tpu.memory_space<vmem>>, vector<1x1x16xf32>,
        %get3A_879 = vector.shape_cast %get3A_878 : vector<1x1x16xf32> to vector<16xf32>
        %add3A_880 = arith.addf %get3A_873, %get3A_879 : vector<16xf32>
        %get3A_881 = arith.constant 2 : i32
        %get3A_882 = arith.index_cast %get3A_881 : i32 to index
        %get3A_883 = arith.index_cast %scan3A_729 : i32 to index
        %get3A_884 = arith.constant 80 : index
        %get3A_885 = tpu.vector_load %arg5[%get3A_882, %get3A_883, %get3A_884] {strides = array<i32>} : memref<3x64x128xf32, #tpu.memory_space<vmem>>, vector<1x1x16xf32>,
        %get3A_886 = vector.shape_cast %get3A_885 : vector<1x1x16xf32> to vector<16xf32>
        %add3A_887 = arith.addf %add3A_880, %get3A_886 : vector<16xf32>
        %mul3A_888 = arith.mulf %add3A_887, %broadcast_in_dim3A_3 : vector<16xf32>
        %swap3A_889 = arith.constant 0 : i32
        %swap3A_890 = arith.index_cast %swap3A_889 : i32 to index
        %swap3A_891 = arith.index_cast %scan3A_729 : i32 to index
        %swap3A_892 = arith.constant 80 : index
        %swap3A_893 = tpu.vector_load %arg5[%swap3A_890, %swap3A_891, %swap3A_892] {strides = array<i32>} : memref<3x64x128xf32, #tpu.memory_space<vmem>>, vector<1x1x16xf32>,
        %swap3A_894 = vector.shape_cast %swap3A_893 : vector<1x1x16xf32> to vector<16xf32>
        %swap3A_895 = vector.shape_cast %mul3A_888 : vector<16xf32> to vector<1x1x16xf32>
        tpu.vector_store %arg5[%swap3A_890, %swap3A_891, %swap3A_892], %swap3A_895 {strides = array<i32>} : memref<3x64x128xf32, #tpu.memory_space<vmem>>, vector<1x1x16xf32>,
        %get3A_896 = arith.constant 0 : i32
        %get3A_897 = arith.index_cast %get3A_896 : i32 to index
        %get3A_898 = arith.index_cast %scan3A_729 : i32 to index
        %get3A_899 = arith.constant 96 : index
        %get3A_900 = tpu.vector_load %arg5[%get3A_897, %get3A_898, %get3A_899] {strides = array<i32>} : memref<3x64x128xf32, #tpu.memory_space<vmem>>, vector<1x1x16xf32>,
        %get3A_901 = vector.shape_cast %get3A_900 : vector<1x1x16xf32> to vector<16xf32>
        %get3A_902 = arith.constant 1 : i32
        %get3A_903 = arith.index_cast %get3A_902 : i32 to index
        %get3A_904 = arith.index_cast %scan3A_729 : i32 to index
        %get3A_905 = arith.constant 96 : index
        %get3A_906 = tpu.vector_load %arg5[%get3A_903, %get3A_904, %get3A_905] {strides = array<i32>} : memref<3x64x128xf32, #tpu.memory_space<vmem>>, vector<1x1x16xf32>,
        %get3A_907 = vector.shape_cast %get3A_906 : vector<1x1x16xf32> to vector<16xf32>
        %add3A_908 = arith.addf %get3A_901, %get3A_907 : vector<16xf32>
        %get3A_909 = arith.constant 2 : i32
        %get3A_910 = arith.index_cast %get3A_909 : i32 to index
        %get3A_911 = arith.index_cast %scan3A_729 : i32 to index
        %get3A_912 = arith.constant 96 : index
        %get3A_913 = tpu.vector_load %arg5[%get3A_910, %get3A_911, %get3A_912] {strides = array<i32>} : memref<3x64x128xf32, #tpu.memory_space<vmem>>, vector<1x1x16xf32>,
        %get3A_914 = vector.shape_cast %get3A_913 : vector<1x1x16xf32> to vector<16xf32>
        %add3A_915 = arith.addf %add3A_908, %get3A_914 : vector<16xf32>
        %mul3A_916 = arith.mulf %add3A_915, %broadcast_in_dim3A_3 : vector<16xf32>
        %swap3A_917 = arith.constant 0 : i32
        %swap3A_918 = arith.index_cast %swap3A_917 : i32 to index
        %swap3A_919 = arith.index_cast %scan3A_729 : i32 to index
        %swap3A_920 = arith.constant 96 : index
        %swap3A_921 = tpu.vector_load %arg5[%swap3A_918, %swap3A_919, %swap3A_920] {strides = array<i32>} : memref<3x64x128xf32, #tpu.memory_space<vmem>>, vector<1x1x16xf32>,
        %swap3A_922 = vector.shape_cast %swap3A_921 : vector<1x1x16xf32> to vector<16xf32>
        %swap3A_923 = vector.shape_cast %mul3A_916 : vector<16xf32> to vector<1x1x16xf32>
        tpu.vector_store %arg5[%swap3A_918, %swap3A_919, %swap3A_920], %swap3A_923 {strides = array<i32>} : memref<3x64x128xf32, #tpu.memory_space<vmem>>, vector<1x1x16xf32>,
        %get3A_924 = arith.constant 0 : i32
        %get3A_925 = arith.index_cast %get3A_924 : i32 to index
        %get3A_926 = arith.index_cast %scan3A_729 : i32 to index
        %get3A_927 = arith.constant 112 : index
        %get3A_928 = tpu.vector_load %arg5[%get3A_925, %get3A_926, %get3A_927] {strides = array<i32>} : memref<3x64x128xf32, #tpu.memory_space<vmem>>, vector<1x1x16xf32>,
        %get3A_929 = vector.shape_cast %get3A_928 : vector<1x1x16xf32> to vector<16xf32>
        %get3A_930 = arith.constant 1 : i32
        %get3A_931 = arith.index_cast %get3A_930 : i32 to index
        %get3A_932 = arith.index_cast %scan3A_729 : i32 to index
        %get3A_933 = arith.constant 112 : index
        %get3A_934 = tpu.vector_load %arg5[%get3A_931, %get3A_932, %get3A_933] {strides = array<i32>} : memref<3x64x128xf32, #tpu.memory_space<vmem>>, vector<1x1x16xf32>,
        %get3A_935 = vector.shape_cast %get3A_934 : vector<1x1x16xf32> to vector<16xf32>
        %add3A_936 = arith.addf %get3A_929, %get3A_935 : vector<16xf32>
        %get3A_937 = arith.constant 2 : i32
        %get3A_938 = arith.index_cast %get3A_937 : i32 to index
        %get3A_939 = arith.index_cast %scan3A_729 : i32 to index
        %get3A_940 = arith.constant 112 : index
        %get3A_941 = tpu.vector_load %arg5[%get3A_938, %get3A_939, %get3A_940] {strides = array<i32>} : memref<3x64x128xf32, #tpu.memory_space<vmem>>, vector<1x1x16xf32>,
        %get3A_942 = vector.shape_cast %get3A_941 : vector<1x1x16xf32> to vector<16xf32>
        %add3A_943 = arith.addf %add3A_936, %get3A_942 : vector<16xf32>
        %mul3A_944 = arith.mulf %add3A_943, %broadcast_in_dim3A_3 : vector<16xf32>
        %swap3A_945 = arith.constant 0 : i32
        %swap3A_946 = arith.index_cast %swap3A_945 : i32 to index
        %swap3A_947 = arith.index_cast %scan3A_729 : i32 to index
        %swap3A_948 = arith.constant 112 : index
        %swap3A_949 = tpu.vector_load %arg5[%swap3A_946, %swap3A_947, %swap3A_948] {strides = array<i32>} : memref<3x64x128xf32, #tpu.memory_space<vmem>>, vector<1x1x16xf32>,
        %swap3A_950 = vector.shape_cast %swap3A_949 : vector<1x1x16xf32> to vector<16xf32>
        %swap3A_951 = vector.shape_cast %mul3A_944 : vector<16xf32> to vector<1x1x16xf32>
        tpu.vector_store %arg5[%swap3A_946, %swap3A_947, %swap3A_948], %swap3A_951 {strides = array<i32>} : memref<3x64x128xf32, #tpu.memory_space<vmem>>, vector<1x1x16xf32>,
      }
      %scan3A_328 = arith.constant 64 : i32
      %mul3A_329 = arith.constant 64 : i32
      %mul3A_330 = arith.muli %add3A_224, %mul3A_329 : i32
      %add3A_331 = arith.addi %mul3A_2, %mul3A_330 : i32
      %dma_start3A_332 = arith.constant 0 : i32
      %dma_start3A_333 = arith.constant 0 : i32
      %dma_start3A_334 = arith.constant 0 : i32
      %dma_start3A_335 = tpu.memref_slice %arg5[%dma_start3A_332, %dma_start3A_333, %dma_start3A_334] : memref<3x64x128xf32, #tpu.memory_space<vmem>> -> memref<1x64x128xf32, #tpu.memory_space<vmem>>
      %dma_start3A_336 = tpu.memref_squeeze %dma_start3A_335 : memref<1x64x128xf32, #tpu.memory_space<vmem>> -> memref<64x128xf32, #tpu.memory_space<vmem>>
      %dma_start3A_337 = arith.constant 0 : i32
      %dma_start3A_338 = tpu.memref_slice %arg4[%add3A_331, %dma_start3A_337] : memref<65536x128xf32, #tpu.memory_space<hbm>> -> memref<64x128xf32, #tpu.memory_space<hbm>>
      %dma_start3A_339 = arith.constant 0 : i32
      %dma_start3A_340 = tpu.memref_slice %arg4[%add3A_331, %dma_start3A_339] : memref<65536x128xf32, #tpu.memory_space<hbm>> -> memref<64x128xf32, #tpu.memory_space<hbm>>
      %dma_start3A_341 = arith.constant 0 : i32
      %dma_start3A_342 = arith.constant 0 : i32
      %dma_start3A_343 = tpu.memref_slice %arg5[%dma_start3A_332, %dma_start3A_341, %dma_start3A_342] : memref<3x64x128xf32, #tpu.memory_space<vmem>> -> memref<1x64x128xf32, #tpu.memory_space<vmem>>
      %dma_start3A_344 = tpu.memref_squeeze %dma_start3A_343 : memref<1x64x128xf32, #tpu.memory_space<vmem>> -> memref<64x128xf32, #tpu.memory_space<vmem>>
      tpu.enqueue_dma source(%dma_start3A_344 : memref<64x128xf32, #tpu.memory_space<vmem>>) target(%dma_start3A_340 : memref<64x128xf32, #tpu.memory_space<hbm>>) target_semaphore(%arg25 : memref<!tpu.dma_semaphore, #tpu.memory_space<semaphore_mem>>)
      %mul3A_345 = arith.constant 4 : i32
      %mul3A_346 = arith.muli %mul3A_345, %scan3A_220 : i32
      %add3A_347 = arith.constant 1 : i32
      %add3A_348 = arith.addi %mul3A_346, %add3A_347 : i32
      %ge3A_349 = arith.constant 2 : i32
      %ge3A_350 = arith.cmpi sge, %add3A_348, %ge3A_349 : i32
      %convert_element_type3A_351 = arith.extui %ge3A_350 : i1 to i32
      %cond3A_352 = arith.constant 0 : i32
      %cond3A_353 = arith.cmpi ne, %convert_element_type3A_351, %cond3A_352 : i32
      scf.if %cond3A_353 {
        %dma_wait3A_729 = arith.constant 0 : i32
        %dma_wait3A_730 = arith.constant 0 : i32
        %dma_wait3A_731 = arith.constant 0 : i32
        %dma_wait3A_732 = tpu.memref_slice %arg8[%dma_wait3A_729, %dma_wait3A_730, %dma_wait3A_731] : memref<3x64x128xf32, #tpu.memory_space<vmem>> -> memref<1x64x128xf32, #tpu.memory_space<vmem>>
        %dma_wait3A_733 = tpu.memref_squeeze %dma_wait3A_732 : memref<1x64x128xf32, #tpu.memory_space<vmem>> -> memref<64x128xf32, #tpu.memory_space<vmem>>
        %dma_wait3A_734 = arith.constant 0 : i32
        %dma_wait3A_735 = arith.constant 0 : i32
        %dma_wait3A_736 = tpu.memref_slice %arg3[%dma_wait3A_734, %dma_wait3A_735] : memref<65536x128xf32, #tpu.memory_space<hbm>> -> memref<64x128xf32, #tpu.memory_space<hbm>>
        %dma_wait3A_737 = arith.constant 0 : i32
        %dma_wait3A_738 = arith.constant 0 : i32
        %dma_wait3A_739 = tpu.memref_slice %arg8[%dma_wait3A_729, %dma_wait3A_737, %dma_wait3A_738] : memref<3x64x128xf32, #tpu.memory_space<vmem>> -> memref<1x64x128xf32, #tpu.memory_space<vmem>>
        %dma_wait3A_740 = tpu.memref_squeeze %dma_wait3A_739 : memref<1x64x128xf32, #tpu.memory_space<vmem>> -> memref<64x128xf32, #tpu.memory_space<vmem>>
        %dma_wait3A_741 = arith.constant 0 : i32
        %dma_wait3A_742 = arith.constant 0 : i32
        %dma_wait3A_743 = tpu.memref_slice %arg3[%dma_wait3A_741, %dma_wait3A_742] : memref<65536x128xf32, #tpu.memory_space<hbm>> -> memref<64x128xf32, #tpu.memory_space<hbm>>
        tpu.wait_dma2 semaphore(%arg28 : memref<!tpu.dma_semaphore, #tpu.memory_space<semaphore_mem>>) src(%dma_wait3A_743 : memref<64x128xf32, #tpu.memory_space<hbm>>) dst(%dma_wait3A_740 : memref<64x128xf32, #tpu.memory_space<vmem>>)
      } else {
      }
      %add3A_354 = arith.constant 2 : i32
      %add3A_355 = arith.addi %add3A_348, %add3A_354 : i32
      %rem3A_356 = arith.constant 32 : i32
      %rem3A_357 = arith.remsi %add3A_355, %rem3A_356 : i32
      %mul3A_358 = arith.constant 64 : i32
      %mul3A_359 = arith.muli %rem3A_357, %mul3A_358 : i32
      %multiple_of3A_360 = tpu.assume_multiple %mul3A_359, 64 : i32
      %add3A_361 = arith.constant 0 : i32
      %add3A_362 = arith.addi %add3A_361, %mul3A_2 : i32
      %add3A_363 = arith.addi %add3A_362, %multiple_of3A_360 : i32
      %dma_start3A_364 = tpu.memref_slice %arg2[%add3A_363] : memref<196608xi32, #tpu.memory_space<hbm>> -> memref<64xi32, #tpu.memory_space<hbm>>
      %dma_start3A_365 = tpu.memref_slice %arg2[%add3A_363] : memref<196608xi32, #tpu.memory_space<hbm>> -> memref<64xi32, #tpu.memory_space<hbm>>
      tpu.enqueue_dma source(%dma_start3A_365 : memref<64xi32, #tpu.memory_space<hbm>>) target(%arg18 : memref<64xi32, #tpu.memory_space<vmem>>) target_semaphore(%arg32 : memref<!tpu.dma_semaphore, #tpu.memory_space<semaphore_mem>>)
      %add3A_366 = arith.constant 65536 : i32
      %add3A_367 = arith.addi %add3A_366, %mul3A_2 : i32
      %add3A_368 = arith.addi %add3A_367, %multiple_of3A_360 : i32
      %dma_start3A_369 = tpu.memref_slice %arg2[%add3A_368] : memref<196608xi32, #tpu.memory_space<hbm>> -> memref<64xi32, #tpu.memory_space<hbm>>
      %dma_start3A_370 = tpu.memref_slice %arg2[%add3A_368] : memref<196608xi32, #tpu.memory_space<hbm>> -> memref<64xi32, #tpu.memory_space<hbm>>
      tpu.enqueue_dma source(%dma_start3A_370 : memref<64xi32, #tpu.memory_space<hbm>>) target(%arg19 : memref<64xi32, #tpu.memory_space<vmem>>) target_semaphore(%arg32 : memref<!tpu.dma_semaphore, #tpu.memory_space<semaphore_mem>>)
      %add3A_371 = arith.constant 131072 : i32
      %add3A_372 = arith.addi %add3A_371, %mul3A_2 : i32
      %add3A_373 = arith.addi %add3A_372, %multiple_of3A_360 : i32
      %dma_start3A_374 = tpu.memref_slice %arg2[%add3A_373] : memref<196608xi32, #tpu.memory_space<hbm>> -> memref<64xi32, #tpu.memory_space<hbm>>
      %dma_start3A_375 = tpu.memref_slice %arg2[%add3A_373] : memref<196608xi32, #tpu.memory_space<hbm>> -> memref<64xi32, #tpu.memory_space<hbm>>
      tpu.enqueue_dma source(%dma_start3A_375 : memref<64xi32, #tpu.memory_space<hbm>>) target(%arg20 : memref<64xi32, #tpu.memory_space<vmem>>) target_semaphore(%arg32 : memref<!tpu.dma_semaphore, #tpu.memory_space<semaphore_mem>>)
      %dma_wait3A_376 = tpu.memref_slice %arg2[%add3A_363] : memref<196608xi32, #tpu.memory_space<hbm>> -> memref<64xi32, #tpu.memory_space<hbm>>
      %dma_wait3A_377 = tpu.memref_slice %arg2[%add3A_363] : memref<196608xi32, #tpu.memory_space<hbm>> -> memref<64xi32, #tpu.memory_space<hbm>>
      tpu.wait_dma2 semaphore(%arg32 : memref<!tpu.dma_semaphore, #tpu.memory_space<semaphore_mem>>) src(%dma_wait3A_377 : memref<64xi32, #tpu.memory_space<hbm>>) dst(%arg18 : memref<64xi32, #tpu.memory_space<vmem>>)
      %dma_wait3A_378 = tpu.memref_slice %arg2[%add3A_368] : memref<196608xi32, #tpu.memory_space<hbm>> -> memref<64xi32, #tpu.memory_space<hbm>>
      %dma_wait3A_379 = tpu.memref_slice %arg2[%add3A_368] : memref<196608xi32, #tpu.memory_space<hbm>> -> memref<64xi32, #tpu.memory_space<hbm>>
      tpu.wait_dma2 semaphore(%arg32 : memref<!tpu.dma_semaphore, #tpu.memory_space<semaphore_mem>>) src(%dma_wait3A_379 : memref<64xi32, #tpu.memory_space<hbm>>) dst(%arg19 : memref<64xi32, #tpu.memory_space<vmem>>)
      %dma_wait3A_380 = tpu.memref_slice %arg2[%add3A_373] : memref<196608xi32, #tpu.memory_space<hbm>> -> memref<64xi32, #tpu.memory_space<hbm>>
      %dma_wait3A_381 = tpu.memref_slice %arg2[%add3A_373] : memref<196608xi32, #tpu.memory_space<hbm>> -> memref<64xi32, #tpu.memory_space<hbm>>
      tpu.wait_dma2 semaphore(%arg32 : memref<!tpu.dma_semaphore, #tpu.memory_space<semaphore_mem>>) src(%dma_wait3A_381 : memref<64xi32, #tpu.memory_space<hbm>>) dst(%arg20 : memref<64xi32, #tpu.memory_space<vmem>>)
      %dma_start3A_382 = arith.constant 0 : i32
      %dma_start3A_383 = arith.constant 0 : i32
      %dma_start3A_384 = arith.constant 0 : i32
      %dma_start3A_385 = tpu.memref_slice %arg8[%dma_start3A_382, %dma_start3A_383, %dma_start3A_384] : memref<3x64x128xf32, #tpu.memory_space<vmem>> -> memref<1x64x128xf32, #tpu.memory_space<vmem>>
      %dma_start3A_386 = tpu.memref_squeeze %dma_start3A_385 : memref<1x64x128xf32, #tpu.memory_space<vmem>> -> memref<64x128xf32, #tpu.memory_space<vmem>>
      %dma_start3A_387 = arith.constant 0 : i32
      %dma_start3A_388 = arith.constant 0 : i32
      %dma_start3A_389 = tpu.memref_slice %arg3[%dma_start3A_387, %dma_start3A_388] : memref<65536x128xf32, #tpu.memory_space<hbm>> -> memref<65536x128xf32, #tpu.memory_space<hbm>>
      tpu.enqueue_indirect_dma source(%dma_start3A_389 : memref<65536x128xf32, #tpu.memory_space<hbm>>) target(%dma_start3A_386 : memref<64x128xf32, #tpu.memory_space<vmem>>) offsets(%arg18 : memref<64xi32, #tpu.memory_space<vmem>>) semaphore(%arg24 : memref<!tpu.dma_semaphore, #tpu.memory_space<semaphore_mem>>)
      %dma_start3A_390 = arith.constant 1 : i32
      %dma_start3A_391 = arith.constant 0 : i32
      %dma_start3A_392 = arith.constant 0 : i32
      %dma_start3A_393 = tpu.memref_slice %arg8[%dma_start3A_390, %dma_start3A_391, %dma_start3A_392] : memref<3x64x128xf32, #tpu.memory_space<vmem>> -> memref<1x64x128xf32, #tpu.memory_space<vmem>>
      %dma_start3A_394 = tpu.memref_squeeze %dma_start3A_393 : memref<1x64x128xf32, #tpu.memory_space<vmem>> -> memref<64x128xf32, #tpu.memory_space<vmem>>
      %dma_start3A_395 = arith.constant 0 : i32
      %dma_start3A_396 = arith.constant 0 : i32
      %dma_start3A_397 = tpu.memref_slice %arg3[%dma_start3A_395, %dma_start3A_396] : memref<65536x128xf32, #tpu.memory_space<hbm>> -> memref<65536x128xf32, #tpu.memory_space<hbm>>
      tpu.enqueue_indirect_dma source(%dma_start3A_397 : memref<65536x128xf32, #tpu.memory_space<hbm>>) target(%dma_start3A_394 : memref<64x128xf32, #tpu.memory_space<vmem>>) offsets(%arg19 : memref<64xi32, #tpu.memory_space<vmem>>) semaphore(%arg24 : memref<!tpu.dma_semaphore, #tpu.memory_space<semaphore_mem>>)
      %dma_start3A_398 = arith.constant 2 : i32
      %dma_start3A_399 = arith.constant 0 : i32
      %dma_start3A_400 = arith.constant 0 : i32
      %dma_start3A_401 = tpu.memref_slice %arg8[%dma_start3A_398, %dma_start3A_399, %dma_start3A_400] : memref<3x64x128xf32, #tpu.memory_space<vmem>> -> memref<1x64x128xf32, #tpu.memory_space<vmem>>
      %dma_start3A_402 = tpu.memref_squeeze %dma_start3A_401 : memref<1x64x128xf32, #tpu.memory_space<vmem>> -> memref<64x128xf32, #tpu.memory_space<vmem>>
      %dma_start3A_403 = arith.constant 0 : i32
      %dma_start3A_404 = arith.constant 0 : i32
      %dma_start3A_405 = tpu.memref_slice %arg3[%dma_start3A_403, %dma_start3A_404] : memref<65536x128xf32, #tpu.memory_space<hbm>> -> memref<65536x128xf32, #tpu.memory_space<hbm>>
      tpu.enqueue_indirect_dma source(%dma_start3A_405 : memref<65536x128xf32, #tpu.memory_space<hbm>>) target(%dma_start3A_402 : memref<64x128xf32, #tpu.memory_space<vmem>>) offsets(%arg20 : memref<64xi32, #tpu.memory_space<vmem>>) semaphore(%arg24 : memref<!tpu.dma_semaphore, #tpu.memory_space<semaphore_mem>>)
      %dma_wait3A_406 = arith.constant 0 : i32
      %dma_wait3A_407 = arith.constant 0 : i32
      %dma_wait3A_408 = arith.constant 0 : i32
      %dma_wait3A_409 = tpu.memref_slice %arg6[%dma_wait3A_406, %dma_wait3A_407, %dma_wait3A_408] : memref<3x64x128xf32, #tpu.memory_space<vmem>> -> memref<1x64x128xf32, #tpu.memory_space<vmem>>
      %dma_wait3A_410 = tpu.memref_squeeze %dma_wait3A_409 : memref<1x64x128xf32, #tpu.memory_space<vmem>> -> memref<64x128xf32, #tpu.memory_space<vmem>>
      %dma_wait3A_411 = arith.constant 0 : i32
      %dma_wait3A_412 = arith.constant 0 : i32
      %dma_wait3A_413 = tpu.memref_slice %arg3[%dma_wait3A_411, %dma_wait3A_412] : memref<65536x128xf32, #tpu.memory_space<hbm>> -> memref<64x128xf32, #tpu.memory_space<hbm>>
      %dma_wait3A_414 = arith.constant 0 : i32
      %dma_wait3A_415 = arith.constant 0 : i32
      %dma_wait3A_416 = tpu.memref_slice %arg6[%dma_wait3A_406, %dma_wait3A_414, %dma_wait3A_415] : memref<3x64x128xf32, #tpu.memory_space<vmem>> -> memref<1x64x128xf32, #tpu.memory_space<vmem>>
      %dma_wait3A_417 = tpu.memref_squeeze %dma_wait3A_416 : memref<1x64x128xf32, #tpu.memory_space<vmem>> -> memref<64x128xf32, #tpu.memory_space<vmem>>
      %dma_wait3A_418 = arith.constant 0 : i32
      %dma_wait3A_419 = arith.constant 0 : i32
      %dma_wait3A_420 = tpu.memref_slice %arg3[%dma_wait3A_418, %dma_wait3A_419] : memref<65536x128xf32, #tpu.memory_space<hbm>> -> memref<64x128xf32, #tpu.memory_space<hbm>>
      tpu.wait_dma2 semaphore(%arg22 : memref<!tpu.dma_semaphore, #tpu.memory_space<semaphore_mem>>) src(%dma_wait3A_420 : memref<64x128xf32, #tpu.memory_space<hbm>>) dst(%dma_wait3A_417 : memref<64x128xf32, #tpu.memory_space<vmem>>)
      %dma_wait3A_421 = arith.constant 1 : i32
      %dma_wait3A_422 = arith.constant 0 : i32
      %dma_wait3A_423 = arith.constant 0 : i32
      %dma_wait3A_424 = tpu.memref_slice %arg6[%dma_wait3A_421, %dma_wait3A_422, %dma_wait3A_423] : memref<3x64x128xf32, #tpu.memory_space<vmem>> -> memref<1x64x128xf32, #tpu.memory_space<vmem>>
      %dma_wait3A_425 = tpu.memref_squeeze %dma_wait3A_424 : memref<1x64x128xf32, #tpu.memory_space<vmem>> -> memref<64x128xf32, #tpu.memory_space<vmem>>
      %dma_wait3A_426 = arith.constant 0 : i32
      %dma_wait3A_427 = arith.constant 0 : i32
      %dma_wait3A_428 = tpu.memref_slice %arg3[%dma_wait3A_426, %dma_wait3A_427] : memref<65536x128xf32, #tpu.memory_space<hbm>> -> memref<64x128xf32, #tpu.memory_space<hbm>>
      %dma_wait3A_429 = arith.constant 0 : i32
      %dma_wait3A_430 = arith.constant 0 : i32
      %dma_wait3A_431 = tpu.memref_slice %arg6[%dma_wait3A_421, %dma_wait3A_429, %dma_wait3A_430] : memref<3x64x128xf32, #tpu.memory_space<vmem>> -> memref<1x64x128xf32, #tpu.memory_space<vmem>>
      %dma_wait3A_432 = tpu.memref_squeeze %dma_wait3A_431 : memref<1x64x128xf32, #tpu.memory_space<vmem>> -> memref<64x128xf32, #tpu.memory_space<vmem>>
      %dma_wait3A_433 = arith.constant 0 : i32
      %dma_wait3A_434 = arith.constant 0 : i32
      %dma_wait3A_435 = tpu.memref_slice %arg3[%dma_wait3A_433, %dma_wait3A_434] : memref<65536x128xf32, #tpu.memory_space<hbm>> -> memref<64x128xf32, #tpu.memory_space<hbm>>
      tpu.wait_dma2 semaphore(%arg22 : memref<!tpu.dma_semaphore, #tpu.memory_space<semaphore_mem>>) src(%dma_wait3A_435 : memref<64x128xf32, #tpu.memory_space<hbm>>) dst(%dma_wait3A_432 : memref<64x128xf32, #tpu.memory_space<vmem>>)
      %dma_wait3A_436 = arith.constant 2 : i32
      %dma_wait3A_437 = arith.constant 0 : i32
      %dma_wait3A_438 = arith.constant 0 : i32
      %dma_wait3A_439 = tpu.memref_slice %arg6[%dma_wait3A_436, %dma_wait3A_437, %dma_wait3A_438] : memref<3x64x128xf32, #tpu.memory_space<vmem>> -> memref<1x64x128xf32, #tpu.memory_space<vmem>>
      %dma_wait3A_440 = tpu.memref_squeeze %dma_wait3A_439 : memref<1x64x128xf32, #tpu.memory_space<vmem>> -> memref<64x128xf32, #tpu.memory_space<vmem>>
      %dma_wait3A_441 = arith.constant 0 : i32
      %dma_wait3A_442 = arith.constant 0 : i32
      %dma_wait3A_443 = tpu.memref_slice %arg3[%dma_wait3A_441, %dma_wait3A_442] : memref<65536x128xf32, #tpu.memory_space<hbm>> -> memref<64x128xf32, #tpu.memory_space<hbm>>
      %dma_wait3A_444 = arith.constant 0 : i32
      %dma_wait3A_445 = arith.constant 0 : i32
      %dma_wait3A_446 = tpu.memref_slice %arg6[%dma_wait3A_436, %dma_wait3A_444, %dma_wait3A_445] : memref<3x64x128xf32, #tpu.memory_space<vmem>> -> memref<1x64x128xf32, #tpu.memory_space<vmem>>
      %dma_wait3A_447 = tpu.memref_squeeze %dma_wait3A_446 : memref<1x64x128xf32, #tpu.memory_space<vmem>> -> memref<64x128xf32, #tpu.memory_space<vmem>>
      %dma_wait3A_448 = arith.constant 0 : i32
      %dma_wait3A_449 = arith.constant 0 : i32
      %dma_wait3A_450 = tpu.memref_slice %arg3[%dma_wait3A_448, %dma_wait3A_449] : memref<65536x128xf32, #tpu.memory_space<hbm>> -> memref<64x128xf32, #tpu.memory_space<hbm>>
      tpu.wait_dma2 semaphore(%arg22 : memref<!tpu.dma_semaphore, #tpu.memory_space<semaphore_mem>>) src(%dma_wait3A_450 : memref<64x128xf32, #tpu.memory_space<hbm>>) dst(%dma_wait3A_447 : memref<64x128xf32, #tpu.memory_space<vmem>>)
      %scan3A_451 = arith.constant 0 : i32
      %scan3A_452 = arith.constant 0 : i32
      %scan3A_453 = arith.constant 64 : i32
      %scan3A_454 = arith.addi %scan3A_452, %scan3A_453 : i32
      %scan3A_455 = arith.constant 1 : i32
      scf.for %scan3A_729 = %scan3A_452 to %scan3A_454 step %scan3A_455  : i32 {
        %get3A = arith.constant 0 : i32
        %get3A_730 = arith.index_cast %get3A : i32 to index
        %get3A_731 = arith.index_cast %scan3A_729 : i32 to index
        %get3A_732 = arith.constant 0 : index
        %get3A_733 = tpu.vector_load %arg6[%get3A_730, %get3A_731, %get3A_732] {strides = array<i32>} : memref<3x64x128xf32, #tpu.memory_space<vmem>>, vector<1x1x16xf32>,
        %get3A_734 = vector.shape_cast %get3A_733 : vector<1x1x16xf32> to vector<16xf32>
        %get3A_735 = arith.constant 1 : i32
        %get3A_736 = arith.index_cast %get3A_735 : i32 to index
        %get3A_737 = arith.index_cast %scan3A_729 : i32 to index
        %get3A_738 = arith.constant 0 : index
        %get3A_739 = tpu.vector_load %arg6[%get3A_736, %get3A_737, %get3A_738] {strides = array<i32>} : memref<3x64x128xf32, #tpu.memory_space<vmem>>, vector<1x1x16xf32>,
        %get3A_740 = vector.shape_cast %get3A_739 : vector<1x1x16xf32> to vector<16xf32>
        %add3A_741 = arith.addf %get3A_734, %get3A_740 : vector<16xf32>
        %get3A_742 = arith.constant 2 : i32
        %get3A_743 = arith.index_cast %get3A_742 : i32 to index
        %get3A_744 = arith.index_cast %scan3A_729 : i32 to index
        %get3A_745 = arith.constant 0 : index
        %get3A_746 = tpu.vector_load %arg6[%get3A_743, %get3A_744, %get3A_745] {strides = array<i32>} : memref<3x64x128xf32, #tpu.memory_space<vmem>>, vector<1x1x16xf32>,
        %get3A_747 = vector.shape_cast %get3A_746 : vector<1x1x16xf32> to vector<16xf32>
        %add3A_748 = arith.addf %add3A_741, %get3A_747 : vector<16xf32>
        %mul3A_749 = arith.mulf %add3A_748, %broadcast_in_dim3A_3 : vector<16xf32>
        %swap3A = arith.constant 0 : i32
        %swap3A_750 = arith.index_cast %swap3A : i32 to index
        %swap3A_751 = arith.index_cast %scan3A_729 : i32 to index
        %swap3A_752 = arith.constant 0 : index
        %swap3A_753 = tpu.vector_load %arg6[%swap3A_750, %swap3A_751, %swap3A_752] {strides = array<i32>} : memref<3x64x128xf32, #tpu.memory_space<vmem>>, vector<1x1x16xf32>,
        %swap3A_754 = vector.shape_cast %swap3A_753 : vector<1x1x16xf32> to vector<16xf32>
        %swap3A_755 = vector.shape_cast %mul3A_749 : vector<16xf32> to vector<1x1x16xf32>
        tpu.vector_store %arg6[%swap3A_750, %swap3A_751, %swap3A_752], %swap3A_755 {strides = array<i32>} : memref<3x64x128xf32, #tpu.memory_space<vmem>>, vector<1x1x16xf32>,
        %get3A_756 = arith.constant 0 : i32
        %get3A_757 = arith.index_cast %get3A_756 : i32 to index
        %get3A_758 = arith.index_cast %scan3A_729 : i32 to index
        %get3A_759 = arith.constant 16 : index
        %get3A_760 = tpu.vector_load %arg6[%get3A_757, %get3A_758, %get3A_759] {strides = array<i32>} : memref<3x64x128xf32, #tpu.memory_space<vmem>>, vector<1x1x16xf32>,
        %get3A_761 = vector.shape_cast %get3A_760 : vector<1x1x16xf32> to vector<16xf32>
        %get3A_762 = arith.constant 1 : i32
        %get3A_763 = arith.index_cast %get3A_762 : i32 to index
        %get3A_764 = arith.index_cast %scan3A_729 : i32 to index
        %get3A_765 = arith.constant 16 : index
        %get3A_766 = tpu.vector_load %arg6[%get3A_763, %get3A_764, %get3A_765] {strides = array<i32>} : memref<3x64x128xf32, #tpu.memory_space<vmem>>, vector<1x1x16xf32>,
        %get3A_767 = vector.shape_cast %get3A_766 : vector<1x1x16xf32> to vector<16xf32>
        %add3A_768 = arith.addf %get3A_761, %get3A_767 : vector<16xf32>
        %get3A_769 = arith.constant 2 : i32
        %get3A_770 = arith.index_cast %get3A_769 : i32 to index
        %get3A_771 = arith.index_cast %scan3A_729 : i32 to index
        %get3A_772 = arith.constant 16 : index
        %get3A_773 = tpu.vector_load %arg6[%get3A_770, %get3A_771, %get3A_772] {strides = array<i32>} : memref<3x64x128xf32, #tpu.memory_space<vmem>>, vector<1x1x16xf32>,
        %get3A_774 = vector.shape_cast %get3A_773 : vector<1x1x16xf32> to vector<16xf32>
        %add3A_775 = arith.addf %add3A_768, %get3A_774 : vector<16xf32>
        %mul3A_776 = arith.mulf %add3A_775, %broadcast_in_dim3A_3 : vector<16xf32>
        %swap3A_777 = arith.constant 0 : i32
        %swap3A_778 = arith.index_cast %swap3A_777 : i32 to index
        %swap3A_779 = arith.index_cast %scan3A_729 : i32 to index
        %swap3A_780 = arith.constant 16 : index
        %swap3A_781 = tpu.vector_load %arg6[%swap3A_778, %swap3A_779, %swap3A_780] {strides = array<i32>} : memref<3x64x128xf32, #tpu.memory_space<vmem>>, vector<1x1x16xf32>,
        %swap3A_782 = vector.shape_cast %swap3A_781 : vector<1x1x16xf32> to vector<16xf32>
        %swap3A_783 = vector.shape_cast %mul3A_776 : vector<16xf32> to vector<1x1x16xf32>
        tpu.vector_store %arg6[%swap3A_778, %swap3A_779, %swap3A_780], %swap3A_783 {strides = array<i32>} : memref<3x64x128xf32, #tpu.memory_space<vmem>>, vector<1x1x16xf32>,
        %get3A_784 = arith.constant 0 : i32
        %get3A_785 = arith.index_cast %get3A_784 : i32 to index
        %get3A_786 = arith.index_cast %scan3A_729 : i32 to index
        %get3A_787 = arith.constant 32 : index
        %get3A_788 = tpu.vector_load %arg6[%get3A_785, %get3A_786, %get3A_787] {strides = array<i32>} : memref<3x64x128xf32, #tpu.memory_space<vmem>>, vector<1x1x16xf32>,
        %get3A_789 = vector.shape_cast %get3A_788 : vector<1x1x16xf32> to vector<16xf32>
        %get3A_790 = arith.constant 1 : i32
        %get3A_791 = arith.index_cast %get3A_790 : i32 to index
        %get3A_792 = arith.index_cast %scan3A_729 : i32 to index
        %get3A_793 = arith.constant 32 : index
        %get3A_794 = tpu.vector_load %arg6[%get3A_791, %get3A_792, %get3A_793] {strides = array<i32>} : memref<3x64x128xf32, #tpu.memory_space<vmem>>, vector<1x1x16xf32>,
        %get3A_795 = vector.shape_cast %get3A_794 : vector<1x1x16xf32> to vector<16xf32>
        %add3A_796 = arith.addf %get3A_789, %get3A_795 : vector<16xf32>
        %get3A_797 = arith.constant 2 : i32
        %get3A_798 = arith.index_cast %get3A_797 : i32 to index
        %get3A_799 = arith.index_cast %scan3A_729 : i32 to index
        %get3A_800 = arith.constant 32 : index
        %get3A_801 = tpu.vector_load %arg6[%get3A_798, %get3A_799, %get3A_800] {strides = array<i32>} : memref<3x64x128xf32, #tpu.memory_space<vmem>>, vector<1x1x16xf32>,
        %get3A_802 = vector.shape_cast %get3A_801 : vector<1x1x16xf32> to vector<16xf32>
        %add3A_803 = arith.addf %add3A_796, %get3A_802 : vector<16xf32>
        %mul3A_804 = arith.mulf %add3A_803, %broadcast_in_dim3A_3 : vector<16xf32>
        %swap3A_805 = arith.constant 0 : i32
        %swap3A_806 = arith.index_cast %swap3A_805 : i32 to index
        %swap3A_807 = arith.index_cast %scan3A_729 : i32 to index
        %swap3A_808 = arith.constant 32 : index
        %swap3A_809 = tpu.vector_load %arg6[%swap3A_806, %swap3A_807, %swap3A_808] {strides = array<i32>} : memref<3x64x128xf32, #tpu.memory_space<vmem>>, vector<1x1x16xf32>,
        %swap3A_810 = vector.shape_cast %swap3A_809 : vector<1x1x16xf32> to vector<16xf32>
        %swap3A_811 = vector.shape_cast %mul3A_804 : vector<16xf32> to vector<1x1x16xf32>
        tpu.vector_store %arg6[%swap3A_806, %swap3A_807, %swap3A_808], %swap3A_811 {strides = array<i32>} : memref<3x64x128xf32, #tpu.memory_space<vmem>>, vector<1x1x16xf32>,
        %get3A_812 = arith.constant 0 : i32
        %get3A_813 = arith.index_cast %get3A_812 : i32 to index
        %get3A_814 = arith.index_cast %scan3A_729 : i32 to index
        %get3A_815 = arith.constant 48 : index
        %get3A_816 = tpu.vector_load %arg6[%get3A_813, %get3A_814, %get3A_815] {strides = array<i32>} : memref<3x64x128xf32, #tpu.memory_space<vmem>>, vector<1x1x16xf32>,
        %get3A_817 = vector.shape_cast %get3A_816 : vector<1x1x16xf32> to vector<16xf32>
        %get3A_818 = arith.constant 1 : i32
        %get3A_819 = arith.index_cast %get3A_818 : i32 to index
        %get3A_820 = arith.index_cast %scan3A_729 : i32 to index
        %get3A_821 = arith.constant 48 : index
        %get3A_822 = tpu.vector_load %arg6[%get3A_819, %get3A_820, %get3A_821] {strides = array<i32>} : memref<3x64x128xf32, #tpu.memory_space<vmem>>, vector<1x1x16xf32>,
        %get3A_823 = vector.shape_cast %get3A_822 : vector<1x1x16xf32> to vector<16xf32>
        %add3A_824 = arith.addf %get3A_817, %get3A_823 : vector<16xf32>
        %get3A_825 = arith.constant 2 : i32
        %get3A_826 = arith.index_cast %get3A_825 : i32 to index
        %get3A_827 = arith.index_cast %scan3A_729 : i32 to index
        %get3A_828 = arith.constant 48 : index
        %get3A_829 = tpu.vector_load %arg6[%get3A_826, %get3A_827, %get3A_828] {strides = array<i32>} : memref<3x64x128xf32, #tpu.memory_space<vmem>>, vector<1x1x16xf32>,
        %get3A_830 = vector.shape_cast %get3A_829 : vector<1x1x16xf32> to vector<16xf32>
        %add3A_831 = arith.addf %add3A_824, %get3A_830 : vector<16xf32>
        %mul3A_832 = arith.mulf %add3A_831, %broadcast_in_dim3A_3 : vector<16xf32>
        %swap3A_833 = arith.constant 0 : i32
        %swap3A_834 = arith.index_cast %swap3A_833 : i32 to index
        %swap3A_835 = arith.index_cast %scan3A_729 : i32 to index
        %swap3A_836 = arith.constant 48 : index
        %swap3A_837 = tpu.vector_load %arg6[%swap3A_834, %swap3A_835, %swap3A_836] {strides = array<i32>} : memref<3x64x128xf32, #tpu.memory_space<vmem>>, vector<1x1x16xf32>,
        %swap3A_838 = vector.shape_cast %swap3A_837 : vector<1x1x16xf32> to vector<16xf32>
        %swap3A_839 = vector.shape_cast %mul3A_832 : vector<16xf32> to vector<1x1x16xf32>
        tpu.vector_store %arg6[%swap3A_834, %swap3A_835, %swap3A_836], %swap3A_839 {strides = array<i32>} : memref<3x64x128xf32, #tpu.memory_space<vmem>>, vector<1x1x16xf32>,
        %get3A_840 = arith.constant 0 : i32
        %get3A_841 = arith.index_cast %get3A_840 : i32 to index
        %get3A_842 = arith.index_cast %scan3A_729 : i32 to index
        %get3A_843 = arith.constant 64 : index
        %get3A_844 = tpu.vector_load %arg6[%get3A_841, %get3A_842, %get3A_843] {strides = array<i32>} : memref<3x64x128xf32, #tpu.memory_space<vmem>>, vector<1x1x16xf32>,
        %get3A_845 = vector.shape_cast %get3A_844 : vector<1x1x16xf32> to vector<16xf32>
        %get3A_846 = arith.constant 1 : i32
        %get3A_847 = arith.index_cast %get3A_846 : i32 to index
        %get3A_848 = arith.index_cast %scan3A_729 : i32 to index
        %get3A_849 = arith.constant 64 : index
        %get3A_850 = tpu.vector_load %arg6[%get3A_847, %get3A_848, %get3A_849] {strides = array<i32>} : memref<3x64x128xf32, #tpu.memory_space<vmem>>, vector<1x1x16xf32>,
        %get3A_851 = vector.shape_cast %get3A_850 : vector<1x1x16xf32> to vector<16xf32>
        %add3A_852 = arith.addf %get3A_845, %get3A_851 : vector<16xf32>
        %get3A_853 = arith.constant 2 : i32
        %get3A_854 = arith.index_cast %get3A_853 : i32 to index
        %get3A_855 = arith.index_cast %scan3A_729 : i32 to index
        %get3A_856 = arith.constant 64 : index
        %get3A_857 = tpu.vector_load %arg6[%get3A_854, %get3A_855, %get3A_856] {strides = array<i32>} : memref<3x64x128xf32, #tpu.memory_space<vmem>>, vector<1x1x16xf32>,
        %get3A_858 = vector.shape_cast %get3A_857 : vector<1x1x16xf32> to vector<16xf32>
        %add3A_859 = arith.addf %add3A_852, %get3A_858 : vector<16xf32>
        %mul3A_860 = arith.mulf %add3A_859, %broadcast_in_dim3A_3 : vector<16xf32>
        %swap3A_861 = arith.constant 0 : i32
        %swap3A_862 = arith.index_cast %swap3A_861 : i32 to index
        %swap3A_863 = arith.index_cast %scan3A_729 : i32 to index
        %swap3A_864 = arith.constant 64 : index
        %swap3A_865 = tpu.vector_load %arg6[%swap3A_862, %swap3A_863, %swap3A_864] {strides = array<i32>} : memref<3x64x128xf32, #tpu.memory_space<vmem>>, vector<1x1x16xf32>,
        %swap3A_866 = vector.shape_cast %swap3A_865 : vector<1x1x16xf32> to vector<16xf32>
        %swap3A_867 = vector.shape_cast %mul3A_860 : vector<16xf32> to vector<1x1x16xf32>
        tpu.vector_store %arg6[%swap3A_862, %swap3A_863, %swap3A_864], %swap3A_867 {strides = array<i32>} : memref<3x64x128xf32, #tpu.memory_space<vmem>>, vector<1x1x16xf32>,
        %get3A_868 = arith.constant 0 : i32
        %get3A_869 = arith.index_cast %get3A_868 : i32 to index
        %get3A_870 = arith.index_cast %scan3A_729 : i32 to index
        %get3A_871 = arith.constant 80 : index
        %get3A_872 = tpu.vector_load %arg6[%get3A_869, %get3A_870, %get3A_871] {strides = array<i32>} : memref<3x64x128xf32, #tpu.memory_space<vmem>>, vector<1x1x16xf32>,
        %get3A_873 = vector.shape_cast %get3A_872 : vector<1x1x16xf32> to vector<16xf32>
        %get3A_874 = arith.constant 1 : i32
        %get3A_875 = arith.index_cast %get3A_874 : i32 to index
        %get3A_876 = arith.index_cast %scan3A_729 : i32 to index
        %get3A_877 = arith.constant 80 : index
        %get3A_878 = tpu.vector_load %arg6[%get3A_875, %get3A_876, %get3A_877] {strides = array<i32>} : memref<3x64x128xf32, #tpu.memory_space<vmem>>, vector<1x1x16xf32>,
        %get3A_879 = vector.shape_cast %get3A_878 : vector<1x1x16xf32> to vector<16xf32>
        %add3A_880 = arith.addf %get3A_873, %get3A_879 : vector<16xf32>
        %get3A_881 = arith.constant 2 : i32
        %get3A_882 = arith.index_cast %get3A_881 : i32 to index
        %get3A_883 = arith.index_cast %scan3A_729 : i32 to index
        %get3A_884 = arith.constant 80 : index
        %get3A_885 = tpu.vector_load %arg6[%get3A_882, %get3A_883, %get3A_884] {strides = array<i32>} : memref<3x64x128xf32, #tpu.memory_space<vmem>>, vector<1x1x16xf32>,
        %get3A_886 = vector.shape_cast %get3A_885 : vector<1x1x16xf32> to vector<16xf32>
        %add3A_887 = arith.addf %add3A_880, %get3A_886 : vector<16xf32>
        %mul3A_888 = arith.mulf %add3A_887, %broadcast_in_dim3A_3 : vector<16xf32>
        %swap3A_889 = arith.constant 0 : i32
        %swap3A_890 = arith.index_cast %swap3A_889 : i32 to index
        %swap3A_891 = arith.index_cast %scan3A_729 : i32 to index
        %swap3A_892 = arith.constant 80 : index
        %swap3A_893 = tpu.vector_load %arg6[%swap3A_890, %swap3A_891, %swap3A_892] {strides = array<i32>} : memref<3x64x128xf32, #tpu.memory_space<vmem>>, vector<1x1x16xf32>,
        %swap3A_894 = vector.shape_cast %swap3A_893 : vector<1x1x16xf32> to vector<16xf32>
        %swap3A_895 = vector.shape_cast %mul3A_888 : vector<16xf32> to vector<1x1x16xf32>
        tpu.vector_store %arg6[%swap3A_890, %swap3A_891, %swap3A_892], %swap3A_895 {strides = array<i32>} : memref<3x64x128xf32, #tpu.memory_space<vmem>>, vector<1x1x16xf32>,
        %get3A_896 = arith.constant 0 : i32
        %get3A_897 = arith.index_cast %get3A_896 : i32 to index
        %get3A_898 = arith.index_cast %scan3A_729 : i32 to index
        %get3A_899 = arith.constant 96 : index
        %get3A_900 = tpu.vector_load %arg6[%get3A_897, %get3A_898, %get3A_899] {strides = array<i32>} : memref<3x64x128xf32, #tpu.memory_space<vmem>>, vector<1x1x16xf32>,
        %get3A_901 = vector.shape_cast %get3A_900 : vector<1x1x16xf32> to vector<16xf32>
        %get3A_902 = arith.constant 1 : i32
        %get3A_903 = arith.index_cast %get3A_902 : i32 to index
        %get3A_904 = arith.index_cast %scan3A_729 : i32 to index
        %get3A_905 = arith.constant 96 : index
        %get3A_906 = tpu.vector_load %arg6[%get3A_903, %get3A_904, %get3A_905] {strides = array<i32>} : memref<3x64x128xf32, #tpu.memory_space<vmem>>, vector<1x1x16xf32>,
        %get3A_907 = vector.shape_cast %get3A_906 : vector<1x1x16xf32> to vector<16xf32>
        %add3A_908 = arith.addf %get3A_901, %get3A_907 : vector<16xf32>
        %get3A_909 = arith.constant 2 : i32
        %get3A_910 = arith.index_cast %get3A_909 : i32 to index
        %get3A_911 = arith.index_cast %scan3A_729 : i32 to index
        %get3A_912 = arith.constant 96 : index
        %get3A_913 = tpu.vector_load %arg6[%get3A_910, %get3A_911, %get3A_912] {strides = array<i32>} : memref<3x64x128xf32, #tpu.memory_space<vmem>>, vector<1x1x16xf32>,
        %get3A_914 = vector.shape_cast %get3A_913 : vector<1x1x16xf32> to vector<16xf32>
        %add3A_915 = arith.addf %add3A_908, %get3A_914 : vector<16xf32>
        %mul3A_916 = arith.mulf %add3A_915, %broadcast_in_dim3A_3 : vector<16xf32>
        %swap3A_917 = arith.constant 0 : i32
        %swap3A_918 = arith.index_cast %swap3A_917 : i32 to index
        %swap3A_919 = arith.index_cast %scan3A_729 : i32 to index
        %swap3A_920 = arith.constant 96 : index
        %swap3A_921 = tpu.vector_load %arg6[%swap3A_918, %swap3A_919, %swap3A_920] {strides = array<i32>} : memref<3x64x128xf32, #tpu.memory_space<vmem>>, vector<1x1x16xf32>,
        %swap3A_922 = vector.shape_cast %swap3A_921 : vector<1x1x16xf32> to vector<16xf32>
        %swap3A_923 = vector.shape_cast %mul3A_916 : vector<16xf32> to vector<1x1x16xf32>
        tpu.vector_store %arg6[%swap3A_918, %swap3A_919, %swap3A_920], %swap3A_923 {strides = array<i32>} : memref<3x64x128xf32, #tpu.memory_space<vmem>>, vector<1x1x16xf32>,
        %get3A_924 = arith.constant 0 : i32
        %get3A_925 = arith.index_cast %get3A_924 : i32 to index
        %get3A_926 = arith.index_cast %scan3A_729 : i32 to index
        %get3A_927 = arith.constant 112 : index
        %get3A_928 = tpu.vector_load %arg6[%get3A_925, %get3A_926, %get3A_927] {strides = array<i32>} : memref<3x64x128xf32, #tpu.memory_space<vmem>>, vector<1x1x16xf32>,
        %get3A_929 = vector.shape_cast %get3A_928 : vector<1x1x16xf32> to vector<16xf32>
        %get3A_930 = arith.constant 1 : i32
        %get3A_931 = arith.index_cast %get3A_930 : i32 to index
        %get3A_932 = arith.index_cast %scan3A_729 : i32 to index
        %get3A_933 = arith.constant 112 : index
        %get3A_934 = tpu.vector_load %arg6[%get3A_931, %get3A_932, %get3A_933] {strides = array<i32>} : memref<3x64x128xf32, #tpu.memory_space<vmem>>, vector<1x1x16xf32>,
        %get3A_935 = vector.shape_cast %get3A_934 : vector<1x1x16xf32> to vector<16xf32>
        %add3A_936 = arith.addf %get3A_929, %get3A_935 : vector<16xf32>
        %get3A_937 = arith.constant 2 : i32
        %get3A_938 = arith.index_cast %get3A_937 : i32 to index
        %get3A_939 = arith.index_cast %scan3A_729 : i32 to index
        %get3A_940 = arith.constant 112 : index
        %get3A_941 = tpu.vector_load %arg6[%get3A_938, %get3A_939, %get3A_940] {strides = array<i32>} : memref<3x64x128xf32, #tpu.memory_space<vmem>>, vector<1x1x16xf32>,
        %get3A_942 = vector.shape_cast %get3A_941 : vector<1x1x16xf32> to vector<16xf32>
        %add3A_943 = arith.addf %add3A_936, %get3A_942 : vector<16xf32>
        %mul3A_944 = arith.mulf %add3A_943, %broadcast_in_dim3A_3 : vector<16xf32>
        %swap3A_945 = arith.constant 0 : i32
        %swap3A_946 = arith.index_cast %swap3A_945 : i32 to index
        %swap3A_947 = arith.index_cast %scan3A_729 : i32 to index
        %swap3A_948 = arith.constant 112 : index
        %swap3A_949 = tpu.vector_load %arg6[%swap3A_946, %swap3A_947, %swap3A_948] {strides = array<i32>} : memref<3x64x128xf32, #tpu.memory_space<vmem>>, vector<1x1x16xf32>,
        %swap3A_950 = vector.shape_cast %swap3A_949 : vector<1x1x16xf32> to vector<16xf32>
        %swap3A_951 = vector.shape_cast %mul3A_944 : vector<16xf32> to vector<1x1x16xf32>
        tpu.vector_store %arg6[%swap3A_946, %swap3A_947, %swap3A_948], %swap3A_951 {strides = array<i32>} : memref<3x64x128xf32, #tpu.memory_space<vmem>>, vector<1x1x16xf32>,
      }
      %scan3A_456 = arith.constant 64 : i32
      %mul3A_457 = arith.constant 64 : i32
      %mul3A_458 = arith.muli %add3A_348, %mul3A_457 : i32
      %add3A_459 = arith.addi %mul3A_2, %mul3A_458 : i32
      %dma_start3A_460 = arith.constant 0 : i32
      %dma_start3A_461 = arith.constant 0 : i32
      %dma_start3A_462 = arith.constant 0 : i32
      %dma_start3A_463 = tpu.memref_slice %arg6[%dma_start3A_460, %dma_start3A_461, %dma_start3A_462] : memref<3x64x128xf32, #tpu.memory_space<vmem>> -> memref<1x64x128xf32, #tpu.memory_space<vmem>>
      %dma_start3A_464 = tpu.memref_squeeze %dma_start3A_463 : memref<1x64x128xf32, #tpu.memory_space<vmem>> -> memref<64x128xf32, #tpu.memory_space<vmem>>
      %dma_start3A_465 = arith.constant 0 : i32
      %dma_start3A_466 = tpu.memref_slice %arg4[%add3A_459, %dma_start3A_465] : memref<65536x128xf32, #tpu.memory_space<hbm>> -> memref<64x128xf32, #tpu.memory_space<hbm>>
      %dma_start3A_467 = arith.constant 0 : i32
      %dma_start3A_468 = tpu.memref_slice %arg4[%add3A_459, %dma_start3A_467] : memref<65536x128xf32, #tpu.memory_space<hbm>> -> memref<64x128xf32, #tpu.memory_space<hbm>>
      %dma_start3A_469 = arith.constant 0 : i32
      %dma_start3A_470 = arith.constant 0 : i32
      %dma_start3A_471 = tpu.memref_slice %arg6[%dma_start3A_460, %dma_start3A_469, %dma_start3A_470] : memref<3x64x128xf32, #tpu.memory_space<vmem>> -> memref<1x64x128xf32, #tpu.memory_space<vmem>>
      %dma_start3A_472 = tpu.memref_squeeze %dma_start3A_471 : memref<1x64x128xf32, #tpu.memory_space<vmem>> -> memref<64x128xf32, #tpu.memory_space<vmem>>
      tpu.enqueue_dma source(%dma_start3A_472 : memref<64x128xf32, #tpu.memory_space<vmem>>) target(%dma_start3A_468 : memref<64x128xf32, #tpu.memory_space<hbm>>) target_semaphore(%arg26 : memref<!tpu.dma_semaphore, #tpu.memory_space<semaphore_mem>>)
      %mul3A_473 = arith.constant 4 : i32
      %mul3A_474 = arith.muli %mul3A_473, %scan3A_220 : i32
      %add3A_475 = arith.constant 2 : i32
      %add3A_476 = arith.addi %mul3A_474, %add3A_475 : i32
      %ge3A_477 = arith.constant 2 : i32
      %ge3A_478 = arith.cmpi sge, %add3A_476, %ge3A_477 : i32
      %convert_element_type3A_479 = arith.extui %ge3A_478 : i1 to i32
      %cond3A_480 = arith.constant 0 : i32
      %cond3A_481 = arith.cmpi ne, %convert_element_type3A_479, %cond3A_480 : i32
      scf.if %cond3A_481 {
        %dma_wait3A_729 = arith.constant 0 : i32
        %dma_wait3A_730 = arith.constant 0 : i32
        %dma_wait3A_731 = arith.constant 0 : i32
        %dma_wait3A_732 = tpu.memref_slice %arg5[%dma_wait3A_729, %dma_wait3A_730, %dma_wait3A_731] : memref<3x64x128xf32, #tpu.memory_space<vmem>> -> memref<1x64x128xf32, #tpu.memory_space<vmem>>
        %dma_wait3A_733 = tpu.memref_squeeze %dma_wait3A_732 : memref<1x64x128xf32, #tpu.memory_space<vmem>> -> memref<64x128xf32, #tpu.memory_space<vmem>>
        %dma_wait3A_734 = arith.constant 0 : i32
        %dma_wait3A_735 = arith.constant 0 : i32
        %dma_wait3A_736 = tpu.memref_slice %arg3[%dma_wait3A_734, %dma_wait3A_735] : memref<65536x128xf32, #tpu.memory_space<hbm>> -> memref<64x128xf32, #tpu.memory_space<hbm>>
        %dma_wait3A_737 = arith.constant 0 : i32
        %dma_wait3A_738 = arith.constant 0 : i32
        %dma_wait3A_739 = tpu.memref_slice %arg5[%dma_wait3A_729, %dma_wait3A_737, %dma_wait3A_738] : memref<3x64x128xf32, #tpu.memory_space<vmem>> -> memref<1x64x128xf32, #tpu.memory_space<vmem>>
        %dma_wait3A_740 = tpu.memref_squeeze %dma_wait3A_739 : memref<1x64x128xf32, #tpu.memory_space<vmem>> -> memref<64x128xf32, #tpu.memory_space<vmem>>
        %dma_wait3A_741 = arith.constant 0 : i32
        %dma_wait3A_742 = arith.constant 0 : i32
        %dma_wait3A_743 = tpu.memref_slice %arg3[%dma_wait3A_741, %dma_wait3A_742] : memref<65536x128xf32, #tpu.memory_space<hbm>> -> memref<64x128xf32, #tpu.memory_space<hbm>>
        tpu.wait_dma2 semaphore(%arg25 : memref<!tpu.dma_semaphore, #tpu.memory_space<semaphore_mem>>) src(%dma_wait3A_743 : memref<64x128xf32, #tpu.memory_space<hbm>>) dst(%dma_wait3A_740 : memref<64x128xf32, #tpu.memory_space<vmem>>)
      } else {
      }
      %add3A_482 = arith.constant 2 : i32
      %add3A_483 = arith.addi %add3A_476, %add3A_482 : i32
      %rem3A_484 = arith.constant 32 : i32
      %rem3A_485 = arith.remsi %add3A_483, %rem3A_484 : i32
      %mul3A_486 = arith.constant 64 : i32
      %mul3A_487 = arith.muli %rem3A_485, %mul3A_486 : i32
      %multiple_of3A_488 = tpu.assume_multiple %mul3A_487, 64 : i32
      %add3A_489 = arith.constant 0 : i32
      %add3A_490 = arith.addi %add3A_489, %mul3A_2 : i32
      %add3A_491 = arith.addi %add3A_490, %multiple_of3A_488 : i32
      %dma_start3A_492 = tpu.memref_slice %arg2[%add3A_491] : memref<196608xi32, #tpu.memory_space<hbm>> -> memref<64xi32, #tpu.memory_space<hbm>>
      %dma_start3A_493 = tpu.memref_slice %arg2[%add3A_491] : memref<196608xi32, #tpu.memory_space<hbm>> -> memref<64xi32, #tpu.memory_space<hbm>>
      tpu.enqueue_dma source(%dma_start3A_493 : memref<64xi32, #tpu.memory_space<hbm>>) target(%arg9 : memref<64xi32, #tpu.memory_space<vmem>>) target_semaphore(%arg29 : memref<!tpu.dma_semaphore, #tpu.memory_space<semaphore_mem>>)
      %add3A_494 = arith.constant 65536 : i32
      %add3A_495 = arith.addi %add3A_494, %mul3A_2 : i32
      %add3A_496 = arith.addi %add3A_495, %multiple_of3A_488 : i32
      %dma_start3A_497 = tpu.memref_slice %arg2[%add3A_496] : memref<196608xi32, #tpu.memory_space<hbm>> -> memref<64xi32, #tpu.memory_space<hbm>>
      %dma_start3A_498 = tpu.memref_slice %arg2[%add3A_496] : memref<196608xi32, #tpu.memory_space<hbm>> -> memref<64xi32, #tpu.memory_space<hbm>>
      tpu.enqueue_dma source(%dma_start3A_498 : memref<64xi32, #tpu.memory_space<hbm>>) target(%arg10 : memref<64xi32, #tpu.memory_space<vmem>>) target_semaphore(%arg29 : memref<!tpu.dma_semaphore, #tpu.memory_space<semaphore_mem>>)
      %add3A_499 = arith.constant 131072 : i32
      %add3A_500 = arith.addi %add3A_499, %mul3A_2 : i32
      %add3A_501 = arith.addi %add3A_500, %multiple_of3A_488 : i32
      %dma_start3A_502 = tpu.memref_slice %arg2[%add3A_501] : memref<196608xi32, #tpu.memory_space<hbm>> -> memref<64xi32, #tpu.memory_space<hbm>>
      %dma_start3A_503 = tpu.memref_slice %arg2[%add3A_501] : memref<196608xi32, #tpu.memory_space<hbm>> -> memref<64xi32, #tpu.memory_space<hbm>>
      tpu.enqueue_dma source(%dma_start3A_503 : memref<64xi32, #tpu.memory_space<hbm>>) target(%arg11 : memref<64xi32, #tpu.memory_space<vmem>>) target_semaphore(%arg29 : memref<!tpu.dma_semaphore, #tpu.memory_space<semaphore_mem>>)
      %dma_wait3A_504 = tpu.memref_slice %arg2[%add3A_491] : memref<196608xi32, #tpu.memory_space<hbm>> -> memref<64xi32, #tpu.memory_space<hbm>>
      %dma_wait3A_505 = tpu.memref_slice %arg2[%add3A_491] : memref<196608xi32, #tpu.memory_space<hbm>> -> memref<64xi32, #tpu.memory_space<hbm>>
      tpu.wait_dma2 semaphore(%arg29 : memref<!tpu.dma_semaphore, #tpu.memory_space<semaphore_mem>>) src(%dma_wait3A_505 : memref<64xi32, #tpu.memory_space<hbm>>) dst(%arg9 : memref<64xi32, #tpu.memory_space<vmem>>)
      %dma_wait3A_506 = tpu.memref_slice %arg2[%add3A_496] : memref<196608xi32, #tpu.memory_space<hbm>> -> memref<64xi32, #tpu.memory_space<hbm>>
      %dma_wait3A_507 = tpu.memref_slice %arg2[%add3A_496] : memref<196608xi32, #tpu.memory_space<hbm>> -> memref<64xi32, #tpu.memory_space<hbm>>
      tpu.wait_dma2 semaphore(%arg29 : memref<!tpu.dma_semaphore, #tpu.memory_space<semaphore_mem>>) src(%dma_wait3A_507 : memref<64xi32, #tpu.memory_space<hbm>>) dst(%arg10 : memref<64xi32, #tpu.memory_space<vmem>>)
      %dma_wait3A_508 = tpu.memref_slice %arg2[%add3A_501] : memref<196608xi32, #tpu.memory_space<hbm>> -> memref<64xi32, #tpu.memory_space<hbm>>
      %dma_wait3A_509 = tpu.memref_slice %arg2[%add3A_501] : memref<196608xi32, #tpu.memory_space<hbm>> -> memref<64xi32, #tpu.memory_space<hbm>>
      tpu.wait_dma2 semaphore(%arg29 : memref<!tpu.dma_semaphore, #tpu.memory_space<semaphore_mem>>) src(%dma_wait3A_509 : memref<64xi32, #tpu.memory_space<hbm>>) dst(%arg11 : memref<64xi32, #tpu.memory_space<vmem>>)
      %dma_start3A_510 = arith.constant 0 : i32
      %dma_start3A_511 = arith.constant 0 : i32
      %dma_start3A_512 = arith.constant 0 : i32
      %dma_start3A_513 = tpu.memref_slice %arg5[%dma_start3A_510, %dma_start3A_511, %dma_start3A_512] : memref<3x64x128xf32, #tpu.memory_space<vmem>> -> memref<1x64x128xf32, #tpu.memory_space<vmem>>
      %dma_start3A_514 = tpu.memref_squeeze %dma_start3A_513 : memref<1x64x128xf32, #tpu.memory_space<vmem>> -> memref<64x128xf32, #tpu.memory_space<vmem>>
      %dma_start3A_515 = arith.constant 0 : i32
      %dma_start3A_516 = arith.constant 0 : i32
      %dma_start3A_517 = tpu.memref_slice %arg3[%dma_start3A_515, %dma_start3A_516] : memref<65536x128xf32, #tpu.memory_space<hbm>> -> memref<65536x128xf32, #tpu.memory_space<hbm>>
      tpu.enqueue_indirect_dma source(%dma_start3A_517 : memref<65536x128xf32, #tpu.memory_space<hbm>>) target(%dma_start3A_514 : memref<64x128xf32, #tpu.memory_space<vmem>>) offsets(%arg9 : memref<64xi32, #tpu.memory_space<vmem>>) semaphore(%arg21 : memref<!tpu.dma_semaphore, #tpu.memory_space<semaphore_mem>>)
      %dma_start3A_518 = arith.constant 1 : i32
      %dma_start3A_519 = arith.constant 0 : i32
      %dma_start3A_520 = arith.constant 0 : i32
      %dma_start3A_521 = tpu.memref_slice %arg5[%dma_start3A_518, %dma_start3A_519, %dma_start3A_520] : memref<3x64x128xf32, #tpu.memory_space<vmem>> -> memref<1x64x128xf32, #tpu.memory_space<vmem>>
      %dma_start3A_522 = tpu.memref_squeeze %dma_start3A_521 : memref<1x64x128xf32, #tpu.memory_space<vmem>> -> memref<64x128xf32, #tpu.memory_space<vmem>>
      %dma_start3A_523 = arith.constant 0 : i32
      %dma_start3A_524 = arith.constant 0 : i32
      %dma_start3A_525 = tpu.memref_slice %arg3[%dma_start3A_523, %dma_start3A_524] : memref<65536x128xf32, #tpu.memory_space<hbm>> -> memref<65536x128xf32, #tpu.memory_space<hbm>>
      tpu.enqueue_indirect_dma source(%dma_start3A_525 : memref<65536x128xf32, #tpu.memory_space<hbm>>) target(%dma_start3A_522 : memref<64x128xf32, #tpu.memory_space<vmem>>) offsets(%arg10 : memref<64xi32, #tpu.memory_space<vmem>>) semaphore(%arg21 : memref<!tpu.dma_semaphore, #tpu.memory_space<semaphore_mem>>)
      %dma_start3A_526 = arith.constant 2 : i32
      %dma_start3A_527 = arith.constant 0 : i32
      %dma_start3A_528 = arith.constant 0 : i32
      %dma_start3A_529 = tpu.memref_slice %arg5[%dma_start3A_526, %dma_start3A_527, %dma_start3A_528] : memref<3x64x128xf32, #tpu.memory_space<vmem>> -> memref<1x64x128xf32, #tpu.memory_space<vmem>>
      %dma_start3A_530 = tpu.memref_squeeze %dma_start3A_529 : memref<1x64x128xf32, #tpu.memory_space<vmem>> -> memref<64x128xf32, #tpu.memory_space<vmem>>
      %dma_start3A_531 = arith.constant 0 : i32
      %dma_start3A_532 = arith.constant 0 : i32
      %dma_start3A_533 = tpu.memref_slice %arg3[%dma_start3A_531, %dma_start3A_532] : memref<65536x128xf32, #tpu.memory_space<hbm>> -> memref<65536x128xf32, #tpu.memory_space<hbm>>
      tpu.enqueue_indirect_dma source(%dma_start3A_533 : memref<65536x128xf32, #tpu.memory_space<hbm>>) target(%dma_start3A_530 : memref<64x128xf32, #tpu.memory_space<vmem>>) offsets(%arg11 : memref<64xi32, #tpu.memory_space<vmem>>) semaphore(%arg21 : memref<!tpu.dma_semaphore, #tpu.memory_space<semaphore_mem>>)
      %dma_wait3A_534 = arith.constant 0 : i32
      %dma_wait3A_535 = arith.constant 0 : i32
      %dma_wait3A_536 = arith.constant 0 : i32
      %dma_wait3A_537 = tpu.memref_slice %arg7[%dma_wait3A_534, %dma_wait3A_535, %dma_wait3A_536] : memref<3x64x128xf32, #tpu.memory_space<vmem>> -> memref<1x64x128xf32, #tpu.memory_space<vmem>>
      %dma_wait3A_538 = tpu.memref_squeeze %dma_wait3A_537 : memref<1x64x128xf32, #tpu.memory_space<vmem>> -> memref<64x128xf32, #tpu.memory_space<vmem>>
      %dma_wait3A_539 = arith.constant 0 : i32
      %dma_wait3A_540 = arith.constant 0 : i32
      %dma_wait3A_541 = tpu.memref_slice %arg3[%dma_wait3A_539, %dma_wait3A_540] : memref<65536x128xf32, #tpu.memory_space<hbm>> -> memref<64x128xf32, #tpu.memory_space<hbm>>
      %dma_wait3A_542 = arith.constant 0 : i32
      %dma_wait3A_543 = arith.constant 0 : i32
      %dma_wait3A_544 = tpu.memref_slice %arg7[%dma_wait3A_534, %dma_wait3A_542, %dma_wait3A_543] : memref<3x64x128xf32, #tpu.memory_space<vmem>> -> memref<1x64x128xf32, #tpu.memory_space<vmem>>
      %dma_wait3A_545 = tpu.memref_squeeze %dma_wait3A_544 : memref<1x64x128xf32, #tpu.memory_space<vmem>> -> memref<64x128xf32, #tpu.memory_space<vmem>>
      %dma_wait3A_546 = arith.constant 0 : i32
      %dma_wait3A_547 = arith.constant 0 : i32
      %dma_wait3A_548 = tpu.memref_slice %arg3[%dma_wait3A_546, %dma_wait3A_547] : memref<65536x128xf32, #tpu.memory_space<hbm>> -> memref<64x128xf32, #tpu.memory_space<hbm>>
      tpu.wait_dma2 semaphore(%arg23 : memref<!tpu.dma_semaphore, #tpu.memory_space<semaphore_mem>>) src(%dma_wait3A_548 : memref<64x128xf32, #tpu.memory_space<hbm>>) dst(%dma_wait3A_545 : memref<64x128xf32, #tpu.memory_space<vmem>>)
      %dma_wait3A_549 = arith.constant 1 : i32
      %dma_wait3A_550 = arith.constant 0 : i32
      %dma_wait3A_551 = arith.constant 0 : i32
      %dma_wait3A_552 = tpu.memref_slice %arg7[%dma_wait3A_549, %dma_wait3A_550, %dma_wait3A_551] : memref<3x64x128xf32, #tpu.memory_space<vmem>> -> memref<1x64x128xf32, #tpu.memory_space<vmem>>
      %dma_wait3A_553 = tpu.memref_squeeze %dma_wait3A_552 : memref<1x64x128xf32, #tpu.memory_space<vmem>> -> memref<64x128xf32, #tpu.memory_space<vmem>>
      %dma_wait3A_554 = arith.constant 0 : i32
      %dma_wait3A_555 = arith.constant 0 : i32
      %dma_wait3A_556 = tpu.memref_slice %arg3[%dma_wait3A_554, %dma_wait3A_555] : memref<65536x128xf32, #tpu.memory_space<hbm>> -> memref<64x128xf32, #tpu.memory_space<hbm>>
      %dma_wait3A_557 = arith.constant 0 : i32
      %dma_wait3A_558 = arith.constant 0 : i32
      %dma_wait3A_559 = tpu.memref_slice %arg7[%dma_wait3A_549, %dma_wait3A_557, %dma_wait3A_558] : memref<3x64x128xf32, #tpu.memory_space<vmem>> -> memref<1x64x128xf32, #tpu.memory_space<vmem>>
      %dma_wait3A_560 = tpu.memref_squeeze %dma_wait3A_559 : memref<1x64x128xf32, #tpu.memory_space<vmem>> -> memref<64x128xf32, #tpu.memory_space<vmem>>
      %dma_wait3A_561 = arith.constant 0 : i32
      %dma_wait3A_562 = arith.constant 0 : i32
      %dma_wait3A_563 = tpu.memref_slice %arg3[%dma_wait3A_561, %dma_wait3A_562] : memref<65536x128xf32, #tpu.memory_space<hbm>> -> memref<64x128xf32, #tpu.memory_space<hbm>>
      tpu.wait_dma2 semaphore(%arg23 : memref<!tpu.dma_semaphore, #tpu.memory_space<semaphore_mem>>) src(%dma_wait3A_563 : memref<64x128xf32, #tpu.memory_space<hbm>>) dst(%dma_wait3A_560 : memref<64x128xf32, #tpu.memory_space<vmem>>)
      %dma_wait3A_564 = arith.constant 2 : i32
      %dma_wait3A_565 = arith.constant 0 : i32
      %dma_wait3A_566 = arith.constant 0 : i32
      %dma_wait3A_567 = tpu.memref_slice %arg7[%dma_wait3A_564, %dma_wait3A_565, %dma_wait3A_566] : memref<3x64x128xf32, #tpu.memory_space<vmem>> -> memref<1x64x128xf32, #tpu.memory_space<vmem>>
      %dma_wait3A_568 = tpu.memref_squeeze %dma_wait3A_567 : memref<1x64x128xf32, #tpu.memory_space<vmem>> -> memref<64x128xf32, #tpu.memory_space<vmem>>
      %dma_wait3A_569 = arith.constant 0 : i32
      %dma_wait3A_570 = arith.constant 0 : i32
      %dma_wait3A_571 = tpu.memref_slice %arg3[%dma_wait3A_569, %dma_wait3A_570] : memref<65536x128xf32, #tpu.memory_space<hbm>> -> memref<64x128xf32, #tpu.memory_space<hbm>>
      %dma_wait3A_572 = arith.constant 0 : i32
      %dma_wait3A_573 = arith.constant 0 : i32
      %dma_wait3A_574 = tpu.memref_slice %arg7[%dma_wait3A_564, %dma_wait3A_572, %dma_wait3A_573] : memref<3x64x128xf32, #tpu.memory_space<vmem>> -> memref<1x64x128xf32, #tpu.memory_space<vmem>>
      %dma_wait3A_575 = tpu.memref_squeeze %dma_wait3A_574 : memref<1x64x128xf32, #tpu.memory_space<vmem>> -> memref<64x128xf32, #tpu.memory_space<vmem>>
      %dma_wait3A_576 = arith.constant 0 : i32
      %dma_wait3A_577 = arith.constant 0 : i32
      %dma_wait3A_578 = tpu.memref_slice %arg3[%dma_wait3A_576, %dma_wait3A_577] : memref<65536x128xf32, #tpu.memory_space<hbm>> -> memref<64x128xf32, #tpu.memory_space<hbm>>
      tpu.wait_dma2 semaphore(%arg23 : memref<!tpu.dma_semaphore, #tpu.memory_space<semaphore_mem>>) src(%dma_wait3A_578 : memref<64x128xf32, #tpu.memory_space<hbm>>) dst(%dma_wait3A_575 : memref<64x128xf32, #tpu.memory_space<vmem>>)
      %scan3A_579 = arith.constant 0 : i32
      %scan3A_580 = arith.constant 0 : i32
      %scan3A_581 = arith.constant 64 : i32
      %scan3A_582 = arith.addi %scan3A_580, %scan3A_581 : i32
      %scan3A_583 = arith.constant 1 : i32
      scf.for %scan3A_729 = %scan3A_580 to %scan3A_582 step %scan3A_583  : i32 {
        %get3A = arith.constant 0 : i32
        %get3A_730 = arith.index_cast %get3A : i32 to index
        %get3A_731 = arith.index_cast %scan3A_729 : i32 to index
        %get3A_732 = arith.constant 0 : index
        %get3A_733 = tpu.vector_load %arg7[%get3A_730, %get3A_731, %get3A_732] {strides = array<i32>} : memref<3x64x128xf32, #tpu.memory_space<vmem>>, vector<1x1x16xf32>,
        %get3A_734 = vector.shape_cast %get3A_733 : vector<1x1x16xf32> to vector<16xf32>
        %get3A_735 = arith.constant 1 : i32
        %get3A_736 = arith.index_cast %get3A_735 : i32 to index
        %get3A_737 = arith.index_cast %scan3A_729 : i32 to index
        %get3A_738 = arith.constant 0 : index
        %get3A_739 = tpu.vector_load %arg7[%get3A_736, %get3A_737, %get3A_738] {strides = array<i32>} : memref<3x64x128xf32, #tpu.memory_space<vmem>>, vector<1x1x16xf32>,
        %get3A_740 = vector.shape_cast %get3A_739 : vector<1x1x16xf32> to vector<16xf32>
        %add3A_741 = arith.addf %get3A_734, %get3A_740 : vector<16xf32>
        %get3A_742 = arith.constant 2 : i32
        %get3A_743 = arith.index_cast %get3A_742 : i32 to index
        %get3A_744 = arith.index_cast %scan3A_729 : i32 to index
        %get3A_745 = arith.constant 0 : index
        %get3A_746 = tpu.vector_load %arg7[%get3A_743, %get3A_744, %get3A_745] {strides = array<i32>} : memref<3x64x128xf32, #tpu.memory_space<vmem>>, vector<1x1x16xf32>,
        %get3A_747 = vector.shape_cast %get3A_746 : vector<1x1x16xf32> to vector<16xf32>
        %add3A_748 = arith.addf %add3A_741, %get3A_747 : vector<16xf32>
        %mul3A_749 = arith.mulf %add3A_748, %broadcast_in_dim3A_3 : vector<16xf32>
        %swap3A = arith.constant 0 : i32
        %swap3A_750 = arith.index_cast %swap3A : i32 to index
        %swap3A_751 = arith.index_cast %scan3A_729 : i32 to index
        %swap3A_752 = arith.constant 0 : index
        %swap3A_753 = tpu.vector_load %arg7[%swap3A_750, %swap3A_751, %swap3A_752] {strides = array<i32>} : memref<3x64x128xf32, #tpu.memory_space<vmem>>, vector<1x1x16xf32>,
        %swap3A_754 = vector.shape_cast %swap3A_753 : vector<1x1x16xf32> to vector<16xf32>
        %swap3A_755 = vector.shape_cast %mul3A_749 : vector<16xf32> to vector<1x1x16xf32>
        tpu.vector_store %arg7[%swap3A_750, %swap3A_751, %swap3A_752], %swap3A_755 {strides = array<i32>} : memref<3x64x128xf32, #tpu.memory_space<vmem>>, vector<1x1x16xf32>,
        %get3A_756 = arith.constant 0 : i32
        %get3A_757 = arith.index_cast %get3A_756 : i32 to index
        %get3A_758 = arith.index_cast %scan3A_729 : i32 to index
        %get3A_759 = arith.constant 16 : index
        %get3A_760 = tpu.vector_load %arg7[%get3A_757, %get3A_758, %get3A_759] {strides = array<i32>} : memref<3x64x128xf32, #tpu.memory_space<vmem>>, vector<1x1x16xf32>,
        %get3A_761 = vector.shape_cast %get3A_760 : vector<1x1x16xf32> to vector<16xf32>
        %get3A_762 = arith.constant 1 : i32
        %get3A_763 = arith.index_cast %get3A_762 : i32 to index
        %get3A_764 = arith.index_cast %scan3A_729 : i32 to index
        %get3A_765 = arith.constant 16 : index
        %get3A_766 = tpu.vector_load %arg7[%get3A_763, %get3A_764, %get3A_765] {strides = array<i32>} : memref<3x64x128xf32, #tpu.memory_space<vmem>>, vector<1x1x16xf32>,
        %get3A_767 = vector.shape_cast %get3A_766 : vector<1x1x16xf32> to vector<16xf32>
        %add3A_768 = arith.addf %get3A_761, %get3A_767 : vector<16xf32>
        %get3A_769 = arith.constant 2 : i32
        %get3A_770 = arith.index_cast %get3A_769 : i32 to index
        %get3A_771 = arith.index_cast %scan3A_729 : i32 to index
        %get3A_772 = arith.constant 16 : index
        %get3A_773 = tpu.vector_load %arg7[%get3A_770, %get3A_771, %get3A_772] {strides = array<i32>} : memref<3x64x128xf32, #tpu.memory_space<vmem>>, vector<1x1x16xf32>,
        %get3A_774 = vector.shape_cast %get3A_773 : vector<1x1x16xf32> to vector<16xf32>
        %add3A_775 = arith.addf %add3A_768, %get3A_774 : vector<16xf32>
        %mul3A_776 = arith.mulf %add3A_775, %broadcast_in_dim3A_3 : vector<16xf32>
        %swap3A_777 = arith.constant 0 : i32
        %swap3A_778 = arith.index_cast %swap3A_777 : i32 to index
        %swap3A_779 = arith.index_cast %scan3A_729 : i32 to index
        %swap3A_780 = arith.constant 16 : index
        %swap3A_781 = tpu.vector_load %arg7[%swap3A_778, %swap3A_779, %swap3A_780] {strides = array<i32>} : memref<3x64x128xf32, #tpu.memory_space<vmem>>, vector<1x1x16xf32>,
        %swap3A_782 = vector.shape_cast %swap3A_781 : vector<1x1x16xf32> to vector<16xf32>
        %swap3A_783 = vector.shape_cast %mul3A_776 : vector<16xf32> to vector<1x1x16xf32>
        tpu.vector_store %arg7[%swap3A_778, %swap3A_779, %swap3A_780], %swap3A_783 {strides = array<i32>} : memref<3x64x128xf32, #tpu.memory_space<vmem>>, vector<1x1x16xf32>,
        %get3A_784 = arith.constant 0 : i32
        %get3A_785 = arith.index_cast %get3A_784 : i32 to index
        %get3A_786 = arith.index_cast %scan3A_729 : i32 to index
        %get3A_787 = arith.constant 32 : index
        %get3A_788 = tpu.vector_load %arg7[%get3A_785, %get3A_786, %get3A_787] {strides = array<i32>} : memref<3x64x128xf32, #tpu.memory_space<vmem>>, vector<1x1x16xf32>,
        %get3A_789 = vector.shape_cast %get3A_788 : vector<1x1x16xf32> to vector<16xf32>
        %get3A_790 = arith.constant 1 : i32
        %get3A_791 = arith.index_cast %get3A_790 : i32 to index
        %get3A_792 = arith.index_cast %scan3A_729 : i32 to index
        %get3A_793 = arith.constant 32 : index
        %get3A_794 = tpu.vector_load %arg7[%get3A_791, %get3A_792, %get3A_793] {strides = array<i32>} : memref<3x64x128xf32, #tpu.memory_space<vmem>>, vector<1x1x16xf32>,
        %get3A_795 = vector.shape_cast %get3A_794 : vector<1x1x16xf32> to vector<16xf32>
        %add3A_796 = arith.addf %get3A_789, %get3A_795 : vector<16xf32>
        %get3A_797 = arith.constant 2 : i32
        %get3A_798 = arith.index_cast %get3A_797 : i32 to index
        %get3A_799 = arith.index_cast %scan3A_729 : i32 to index
        %get3A_800 = arith.constant 32 : index
        %get3A_801 = tpu.vector_load %arg7[%get3A_798, %get3A_799, %get3A_800] {strides = array<i32>} : memref<3x64x128xf32, #tpu.memory_space<vmem>>, vector<1x1x16xf32>,
        %get3A_802 = vector.shape_cast %get3A_801 : vector<1x1x16xf32> to vector<16xf32>
        %add3A_803 = arith.addf %add3A_796, %get3A_802 : vector<16xf32>
        %mul3A_804 = arith.mulf %add3A_803, %broadcast_in_dim3A_3 : vector<16xf32>
        %swap3A_805 = arith.constant 0 : i32
        %swap3A_806 = arith.index_cast %swap3A_805 : i32 to index
        %swap3A_807 = arith.index_cast %scan3A_729 : i32 to index
        %swap3A_808 = arith.constant 32 : index
        %swap3A_809 = tpu.vector_load %arg7[%swap3A_806, %swap3A_807, %swap3A_808] {strides = array<i32>} : memref<3x64x128xf32, #tpu.memory_space<vmem>>, vector<1x1x16xf32>,
        %swap3A_810 = vector.shape_cast %swap3A_809 : vector<1x1x16xf32> to vector<16xf32>
        %swap3A_811 = vector.shape_cast %mul3A_804 : vector<16xf32> to vector<1x1x16xf32>
        tpu.vector_store %arg7[%swap3A_806, %swap3A_807, %swap3A_808], %swap3A_811 {strides = array<i32>} : memref<3x64x128xf32, #tpu.memory_space<vmem>>, vector<1x1x16xf32>,
        %get3A_812 = arith.constant 0 : i32
        %get3A_813 = arith.index_cast %get3A_812 : i32 to index
        %get3A_814 = arith.index_cast %scan3A_729 : i32 to index
        %get3A_815 = arith.constant 48 : index
        %get3A_816 = tpu.vector_load %arg7[%get3A_813, %get3A_814, %get3A_815] {strides = array<i32>} : memref<3x64x128xf32, #tpu.memory_space<vmem>>, vector<1x1x16xf32>,
        %get3A_817 = vector.shape_cast %get3A_816 : vector<1x1x16xf32> to vector<16xf32>
        %get3A_818 = arith.constant 1 : i32
        %get3A_819 = arith.index_cast %get3A_818 : i32 to index
        %get3A_820 = arith.index_cast %scan3A_729 : i32 to index
        %get3A_821 = arith.constant 48 : index
        %get3A_822 = tpu.vector_load %arg7[%get3A_819, %get3A_820, %get3A_821] {strides = array<i32>} : memref<3x64x128xf32, #tpu.memory_space<vmem>>, vector<1x1x16xf32>,
        %get3A_823 = vector.shape_cast %get3A_822 : vector<1x1x16xf32> to vector<16xf32>
        %add3A_824 = arith.addf %get3A_817, %get3A_823 : vector<16xf32>
        %get3A_825 = arith.constant 2 : i32
        %get3A_826 = arith.index_cast %get3A_825 : i32 to index
        %get3A_827 = arith.index_cast %scan3A_729 : i32 to index
        %get3A_828 = arith.constant 48 : index
        %get3A_829 = tpu.vector_load %arg7[%get3A_826, %get3A_827, %get3A_828] {strides = array<i32>} : memref<3x64x128xf32, #tpu.memory_space<vmem>>, vector<1x1x16xf32>,
        %get3A_830 = vector.shape_cast %get3A_829 : vector<1x1x16xf32> to vector<16xf32>
        %add3A_831 = arith.addf %add3A_824, %get3A_830 : vector<16xf32>
        %mul3A_832 = arith.mulf %add3A_831, %broadcast_in_dim3A_3 : vector<16xf32>
        %swap3A_833 = arith.constant 0 : i32
        %swap3A_834 = arith.index_cast %swap3A_833 : i32 to index
        %swap3A_835 = arith.index_cast %scan3A_729 : i32 to index
        %swap3A_836 = arith.constant 48 : index
        %swap3A_837 = tpu.vector_load %arg7[%swap3A_834, %swap3A_835, %swap3A_836] {strides = array<i32>} : memref<3x64x128xf32, #tpu.memory_space<vmem>>, vector<1x1x16xf32>,
        %swap3A_838 = vector.shape_cast %swap3A_837 : vector<1x1x16xf32> to vector<16xf32>
        %swap3A_839 = vector.shape_cast %mul3A_832 : vector<16xf32> to vector<1x1x16xf32>
        tpu.vector_store %arg7[%swap3A_834, %swap3A_835, %swap3A_836], %swap3A_839 {strides = array<i32>} : memref<3x64x128xf32, #tpu.memory_space<vmem>>, vector<1x1x16xf32>,
        %get3A_840 = arith.constant 0 : i32
        %get3A_841 = arith.index_cast %get3A_840 : i32 to index
        %get3A_842 = arith.index_cast %scan3A_729 : i32 to index
        %get3A_843 = arith.constant 64 : index
        %get3A_844 = tpu.vector_load %arg7[%get3A_841, %get3A_842, %get3A_843] {strides = array<i32>} : memref<3x64x128xf32, #tpu.memory_space<vmem>>, vector<1x1x16xf32>,
        %get3A_845 = vector.shape_cast %get3A_844 : vector<1x1x16xf32> to vector<16xf32>
        %get3A_846 = arith.constant 1 : i32
        %get3A_847 = arith.index_cast %get3A_846 : i32 to index
        %get3A_848 = arith.index_cast %scan3A_729 : i32 to index
        %get3A_849 = arith.constant 64 : index
        %get3A_850 = tpu.vector_load %arg7[%get3A_847, %get3A_848, %get3A_849] {strides = array<i32>} : memref<3x64x128xf32, #tpu.memory_space<vmem>>, vector<1x1x16xf32>,
        %get3A_851 = vector.shape_cast %get3A_850 : vector<1x1x16xf32> to vector<16xf32>
        %add3A_852 = arith.addf %get3A_845, %get3A_851 : vector<16xf32>
        %get3A_853 = arith.constant 2 : i32
        %get3A_854 = arith.index_cast %get3A_853 : i32 to index
        %get3A_855 = arith.index_cast %scan3A_729 : i32 to index
        %get3A_856 = arith.constant 64 : index
        %get3A_857 = tpu.vector_load %arg7[%get3A_854, %get3A_855, %get3A_856] {strides = array<i32>} : memref<3x64x128xf32, #tpu.memory_space<vmem>>, vector<1x1x16xf32>,
        %get3A_858 = vector.shape_cast %get3A_857 : vector<1x1x16xf32> to vector<16xf32>
        %add3A_859 = arith.addf %add3A_852, %get3A_858 : vector<16xf32>
        %mul3A_860 = arith.mulf %add3A_859, %broadcast_in_dim3A_3 : vector<16xf32>
        %swap3A_861 = arith.constant 0 : i32
        %swap3A_862 = arith.index_cast %swap3A_861 : i32 to index
        %swap3A_863 = arith.index_cast %scan3A_729 : i32 to index
        %swap3A_864 = arith.constant 64 : index
        %swap3A_865 = tpu.vector_load %arg7[%swap3A_862, %swap3A_863, %swap3A_864] {strides = array<i32>} : memref<3x64x128xf32, #tpu.memory_space<vmem>>, vector<1x1x16xf32>,
        %swap3A_866 = vector.shape_cast %swap3A_865 : vector<1x1x16xf32> to vector<16xf32>
        %swap3A_867 = vector.shape_cast %mul3A_860 : vector<16xf32> to vector<1x1x16xf32>
        tpu.vector_store %arg7[%swap3A_862, %swap3A_863, %swap3A_864], %swap3A_867 {strides = array<i32>} : memref<3x64x128xf32, #tpu.memory_space<vmem>>, vector<1x1x16xf32>,
        %get3A_868 = arith.constant 0 : i32
        %get3A_869 = arith.index_cast %get3A_868 : i32 to index
        %get3A_870 = arith.index_cast %scan3A_729 : i32 to index
        %get3A_871 = arith.constant 80 : index
        %get3A_872 = tpu.vector_load %arg7[%get3A_869, %get3A_870, %get3A_871] {strides = array<i32>} : memref<3x64x128xf32, #tpu.memory_space<vmem>>, vector<1x1x16xf32>,
        %get3A_873 = vector.shape_cast %get3A_872 : vector<1x1x16xf32> to vector<16xf32>
        %get3A_874 = arith.constant 1 : i32
        %get3A_875 = arith.index_cast %get3A_874 : i32 to index
        %get3A_876 = arith.index_cast %scan3A_729 : i32 to index
        %get3A_877 = arith.constant 80 : index
        %get3A_878 = tpu.vector_load %arg7[%get3A_875, %get3A_876, %get3A_877] {strides = array<i32>} : memref<3x64x128xf32, #tpu.memory_space<vmem>>, vector<1x1x16xf32>,
        %get3A_879 = vector.shape_cast %get3A_878 : vector<1x1x16xf32> to vector<16xf32>
        %add3A_880 = arith.addf %get3A_873, %get3A_879 : vector<16xf32>
        %get3A_881 = arith.constant 2 : i32
        %get3A_882 = arith.index_cast %get3A_881 : i32 to index
        %get3A_883 = arith.index_cast %scan3A_729 : i32 to index
        %get3A_884 = arith.constant 80 : index
        %get3A_885 = tpu.vector_load %arg7[%get3A_882, %get3A_883, %get3A_884] {strides = array<i32>} : memref<3x64x128xf32, #tpu.memory_space<vmem>>, vector<1x1x16xf32>,
        %get3A_886 = vector.shape_cast %get3A_885 : vector<1x1x16xf32> to vector<16xf32>
        %add3A_887 = arith.addf %add3A_880, %get3A_886 : vector<16xf32>
        %mul3A_888 = arith.mulf %add3A_887, %broadcast_in_dim3A_3 : vector<16xf32>
        %swap3A_889 = arith.constant 0 : i32
        %swap3A_890 = arith.index_cast %swap3A_889 : i32 to index
        %swap3A_891 = arith.index_cast %scan3A_729 : i32 to index
        %swap3A_892 = arith.constant 80 : index
        %swap3A_893 = tpu.vector_load %arg7[%swap3A_890, %swap3A_891, %swap3A_892] {strides = array<i32>} : memref<3x64x128xf32, #tpu.memory_space<vmem>>, vector<1x1x16xf32>,
        %swap3A_894 = vector.shape_cast %swap3A_893 : vector<1x1x16xf32> to vector<16xf32>
        %swap3A_895 = vector.shape_cast %mul3A_888 : vector<16xf32> to vector<1x1x16xf32>
        tpu.vector_store %arg7[%swap3A_890, %swap3A_891, %swap3A_892], %swap3A_895 {strides = array<i32>} : memref<3x64x128xf32, #tpu.memory_space<vmem>>, vector<1x1x16xf32>,
        %get3A_896 = arith.constant 0 : i32
        %get3A_897 = arith.index_cast %get3A_896 : i32 to index
        %get3A_898 = arith.index_cast %scan3A_729 : i32 to index
        %get3A_899 = arith.constant 96 : index
        %get3A_900 = tpu.vector_load %arg7[%get3A_897, %get3A_898, %get3A_899] {strides = array<i32>} : memref<3x64x128xf32, #tpu.memory_space<vmem>>, vector<1x1x16xf32>,
        %get3A_901 = vector.shape_cast %get3A_900 : vector<1x1x16xf32> to vector<16xf32>
        %get3A_902 = arith.constant 1 : i32
        %get3A_903 = arith.index_cast %get3A_902 : i32 to index
        %get3A_904 = arith.index_cast %scan3A_729 : i32 to index
        %get3A_905 = arith.constant 96 : index
        %get3A_906 = tpu.vector_load %arg7[%get3A_903, %get3A_904, %get3A_905] {strides = array<i32>} : memref<3x64x128xf32, #tpu.memory_space<vmem>>, vector<1x1x16xf32>,
        %get3A_907 = vector.shape_cast %get3A_906 : vector<1x1x16xf32> to vector<16xf32>
        %add3A_908 = arith.addf %get3A_901, %get3A_907 : vector<16xf32>
        %get3A_909 = arith.constant 2 : i32
        %get3A_910 = arith.index_cast %get3A_909 : i32 to index
        %get3A_911 = arith.index_cast %scan3A_729 : i32 to index
        %get3A_912 = arith.constant 96 : index
        %get3A_913 = tpu.vector_load %arg7[%get3A_910, %get3A_911, %get3A_912] {strides = array<i32>} : memref<3x64x128xf32, #tpu.memory_space<vmem>>, vector<1x1x16xf32>,
        %get3A_914 = vector.shape_cast %get3A_913 : vector<1x1x16xf32> to vector<16xf32>
        %add3A_915 = arith.addf %add3A_908, %get3A_914 : vector<16xf32>
        %mul3A_916 = arith.mulf %add3A_915, %broadcast_in_dim3A_3 : vector<16xf32>
        %swap3A_917 = arith.constant 0 : i32
        %swap3A_918 = arith.index_cast %swap3A_917 : i32 to index
        %swap3A_919 = arith.index_cast %scan3A_729 : i32 to index
        %swap3A_920 = arith.constant 96 : index
        %swap3A_921 = tpu.vector_load %arg7[%swap3A_918, %swap3A_919, %swap3A_920] {strides = array<i32>} : memref<3x64x128xf32, #tpu.memory_space<vmem>>, vector<1x1x16xf32>,
        %swap3A_922 = vector.shape_cast %swap3A_921 : vector<1x1x16xf32> to vector<16xf32>
        %swap3A_923 = vector.shape_cast %mul3A_916 : vector<16xf32> to vector<1x1x16xf32>
        tpu.vector_store %arg7[%swap3A_918, %swap3A_919, %swap3A_920], %swap3A_923 {strides = array<i32>} : memref<3x64x128xf32, #tpu.memory_space<vmem>>, vector<1x1x16xf32>,
        %get3A_924 = arith.constant 0 : i32
        %get3A_925 = arith.index_cast %get3A_924 : i32 to index
        %get3A_926 = arith.index_cast %scan3A_729 : i32 to index
        %get3A_927 = arith.constant 112 : index
        %get3A_928 = tpu.vector_load %arg7[%get3A_925, %get3A_926, %get3A_927] {strides = array<i32>} : memref<3x64x128xf32, #tpu.memory_space<vmem>>, vector<1x1x16xf32>,
        %get3A_929 = vector.shape_cast %get3A_928 : vector<1x1x16xf32> to vector<16xf32>
        %get3A_930 = arith.constant 1 : i32
        %get3A_931 = arith.index_cast %get3A_930 : i32 to index
        %get3A_932 = arith.index_cast %scan3A_729 : i32 to index
        %get3A_933 = arith.constant 112 : index
        %get3A_934 = tpu.vector_load %arg7[%get3A_931, %get3A_932, %get3A_933] {strides = array<i32>} : memref<3x64x128xf32, #tpu.memory_space<vmem>>, vector<1x1x16xf32>,
        %get3A_935 = vector.shape_cast %get3A_934 : vector<1x1x16xf32> to vector<16xf32>
        %add3A_936 = arith.addf %get3A_929, %get3A_935 : vector<16xf32>
        %get3A_937 = arith.constant 2 : i32
        %get3A_938 = arith.index_cast %get3A_937 : i32 to index
        %get3A_939 = arith.index_cast %scan3A_729 : i32 to index
        %get3A_940 = arith.constant 112 : index
        %get3A_941 = tpu.vector_load %arg7[%get3A_938, %get3A_939, %get3A_940] {strides = array<i32>} : memref<3x64x128xf32, #tpu.memory_space<vmem>>, vector<1x1x16xf32>,
        %get3A_942 = vector.shape_cast %get3A_941 : vector<1x1x16xf32> to vector<16xf32>
        %add3A_943 = arith.addf %add3A_936, %get3A_942 : vector<16xf32>
        %mul3A_944 = arith.mulf %add3A_943, %broadcast_in_dim3A_3 : vector<16xf32>
        %swap3A_945 = arith.constant 0 : i32
        %swap3A_946 = arith.index_cast %swap3A_945 : i32 to index
        %swap3A_947 = arith.index_cast %scan3A_729 : i32 to index
        %swap3A_948 = arith.constant 112 : index
        %swap3A_949 = tpu.vector_load %arg7[%swap3A_946, %swap3A_947, %swap3A_948] {strides = array<i32>} : memref<3x64x128xf32, #tpu.memory_space<vmem>>, vector<1x1x16xf32>,
        %swap3A_950 = vector.shape_cast %swap3A_949 : vector<1x1x16xf32> to vector<16xf32>
        %swap3A_951 = vector.shape_cast %mul3A_944 : vector<16xf32> to vector<1x1x16xf32>
        tpu.vector_store %arg7[%swap3A_946, %swap3A_947, %swap3A_948], %swap3A_951 {strides = array<i32>} : memref<3x64x128xf32, #tpu.memory_space<vmem>>, vector<1x1x16xf32>,
      }
      %scan3A_584 = arith.constant 64 : i32
      %mul3A_585 = arith.constant 64 : i32
      %mul3A_586 = arith.muli %add3A_476, %mul3A_585 : i32
      %add3A_587 = arith.addi %mul3A_2, %mul3A_586 : i32
      %dma_start3A_588 = arith.constant 0 : i32
      %dma_start3A_589 = arith.constant 0 : i32
      %dma_start3A_590 = arith.constant 0 : i32
      %dma_start3A_591 = tpu.memref_slice %arg7[%dma_start3A_588, %dma_start3A_589, %dma_start3A_590] : memref<3x64x128xf32, #tpu.memory_space<vmem>> -> memref<1x64x128xf32, #tpu.memory_space<vmem>>
      %dma_start3A_592 = tpu.memref_squeeze %dma_start3A_591 : memref<1x64x128xf32, #tpu.memory_space<vmem>> -> memref<64x128xf32, #tpu.memory_space<vmem>>
      %dma_start3A_593 = arith.constant 0 : i32
      %dma_start3A_594 = tpu.memref_slice %arg4[%add3A_587, %dma_start3A_593] : memref<65536x128xf32, #tpu.memory_space<hbm>> -> memref<64x128xf32, #tpu.memory_space<hbm>>
      %dma_start3A_595 = arith.constant 0 : i32
      %dma_start3A_596 = tpu.memref_slice %arg4[%add3A_587, %dma_start3A_595] : memref<65536x128xf32, #tpu.memory_space<hbm>> -> memref<64x128xf32, #tpu.memory_space<hbm>>
      %dma_start3A_597 = arith.constant 0 : i32
      %dma_start3A_598 = arith.constant 0 : i32
      %dma_start3A_599 = tpu.memref_slice %arg7[%dma_start3A_588, %dma_start3A_597, %dma_start3A_598] : memref<3x64x128xf32, #tpu.memory_space<vmem>> -> memref<1x64x128xf32, #tpu.memory_space<vmem>>
      %dma_start3A_600 = tpu.memref_squeeze %dma_start3A_599 : memref<1x64x128xf32, #tpu.memory_space<vmem>> -> memref<64x128xf32, #tpu.memory_space<vmem>>
      tpu.enqueue_dma source(%dma_start3A_600 : memref<64x128xf32, #tpu.memory_space<vmem>>) target(%dma_start3A_596 : memref<64x128xf32, #tpu.memory_space<hbm>>) target_semaphore(%arg27 : memref<!tpu.dma_semaphore, #tpu.memory_space<semaphore_mem>>)
      %mul3A_601 = arith.constant 4 : i32
      %mul3A_602 = arith.muli %mul3A_601, %scan3A_220 : i32
      %add3A_603 = arith.constant 3 : i32
      %add3A_604 = arith.addi %mul3A_602, %add3A_603 : i32
      %ge3A_605 = arith.constant 2 : i32
      %ge3A_606 = arith.cmpi sge, %add3A_604, %ge3A_605 : i32
      %convert_element_type3A_607 = arith.extui %ge3A_606 : i1 to i32
      %cond3A_608 = arith.constant 0 : i32
      %cond3A_609 = arith.cmpi ne, %convert_element_type3A_607, %cond3A_608 : i32
      scf.if %cond3A_609 {
        %dma_wait3A_729 = arith.constant 0 : i32
        %dma_wait3A_730 = arith.constant 0 : i32
        %dma_wait3A_731 = arith.constant 0 : i32
        %dma_wait3A_732 = tpu.memref_slice %arg6[%dma_wait3A_729, %dma_wait3A_730, %dma_wait3A_731] : memref<3x64x128xf32, #tpu.memory_space<vmem>> -> memref<1x64x128xf32, #tpu.memory_space<vmem>>
        %dma_wait3A_733 = tpu.memref_squeeze %dma_wait3A_732 : memref<1x64x128xf32, #tpu.memory_space<vmem>> -> memref<64x128xf32, #tpu.memory_space<vmem>>
        %dma_wait3A_734 = arith.constant 0 : i32
        %dma_wait3A_735 = arith.constant 0 : i32
        %dma_wait3A_736 = tpu.memref_slice %arg3[%dma_wait3A_734, %dma_wait3A_735] : memref<65536x128xf32, #tpu.memory_space<hbm>> -> memref<64x128xf32, #tpu.memory_space<hbm>>
        %dma_wait3A_737 = arith.constant 0 : i32
        %dma_wait3A_738 = arith.constant 0 : i32
        %dma_wait3A_739 = tpu.memref_slice %arg6[%dma_wait3A_729, %dma_wait3A_737, %dma_wait3A_738] : memref<3x64x128xf32, #tpu.memory_space<vmem>> -> memref<1x64x128xf32, #tpu.memory_space<vmem>>
        %dma_wait3A_740 = tpu.memref_squeeze %dma_wait3A_739 : memref<1x64x128xf32, #tpu.memory_space<vmem>> -> memref<64x128xf32, #tpu.memory_space<vmem>>
        %dma_wait3A_741 = arith.constant 0 : i32
        %dma_wait3A_742 = arith.constant 0 : i32
        %dma_wait3A_743 = tpu.memref_slice %arg3[%dma_wait3A_741, %dma_wait3A_742] : memref<65536x128xf32, #tpu.memory_space<hbm>> -> memref<64x128xf32, #tpu.memory_space<hbm>>
        tpu.wait_dma2 semaphore(%arg26 : memref<!tpu.dma_semaphore, #tpu.memory_space<semaphore_mem>>) src(%dma_wait3A_743 : memref<64x128xf32, #tpu.memory_space<hbm>>) dst(%dma_wait3A_740 : memref<64x128xf32, #tpu.memory_space<vmem>>)
      } else {
      }
      %add3A_610 = arith.constant 2 : i32
      %add3A_611 = arith.addi %add3A_604, %add3A_610 : i32
      %rem3A_612 = arith.constant 32 : i32
      %rem3A_613 = arith.remsi %add3A_611, %rem3A_612 : i32
      %mul3A_614 = arith.constant 64 : i32
      %mul3A_615 = arith.muli %rem3A_613, %mul3A_614 : i32
      %multiple_of3A_616 = tpu.assume_multiple %mul3A_615, 64 : i32
      %add3A_617 = arith.constant 0 : i32
      %add3A_618 = arith.addi %add3A_617, %mul3A_2 : i32
      %add3A_619 = arith.addi %add3A_618, %multiple_of3A_616 : i32
      %dma_start3A_620 = tpu.memref_slice %arg2[%add3A_619] : memref<196608xi32, #tpu.memory_space<hbm>> -> memref<64xi32, #tpu.memory_space<hbm>>
      %dma_start3A_621 = tpu.memref_slice %arg2[%add3A_619] : memref<196608xi32, #tpu.memory_space<hbm>> -> memref<64xi32, #tpu.memory_space<hbm>>
      tpu.enqueue_dma source(%dma_start3A_621 : memref<64xi32, #tpu.memory_space<hbm>>) target(%arg12 : memref<64xi32, #tpu.memory_space<vmem>>) target_semaphore(%arg30 : memref<!tpu.dma_semaphore, #tpu.memory_space<semaphore_mem>>)
      %add3A_622 = arith.constant 65536 : i32
      %add3A_623 = arith.addi %add3A_622, %mul3A_2 : i32
      %add3A_624 = arith.addi %add3A_623, %multiple_of3A_616 : i32
      %dma_start3A_625 = tpu.memref_slice %arg2[%add3A_624] : memref<196608xi32, #tpu.memory_space<hbm>> -> memref<64xi32, #tpu.memory_space<hbm>>
      %dma_start3A_626 = tpu.memref_slice %arg2[%add3A_624] : memref<196608xi32, #tpu.memory_space<hbm>> -> memref<64xi32, #tpu.memory_space<hbm>>
      tpu.enqueue_dma source(%dma_start3A_626 : memref<64xi32, #tpu.memory_space<hbm>>) target(%arg13 : memref<64xi32, #tpu.memory_space<vmem>>) target_semaphore(%arg30 : memref<!tpu.dma_semaphore, #tpu.memory_space<semaphore_mem>>)
      %add3A_627 = arith.constant 131072 : i32
      %add3A_628 = arith.addi %add3A_627, %mul3A_2 : i32
      %add3A_629 = arith.addi %add3A_628, %multiple_of3A_616 : i32
      %dma_start3A_630 = tpu.memref_slice %arg2[%add3A_629] : memref<196608xi32, #tpu.memory_space<hbm>> -> memref<64xi32, #tpu.memory_space<hbm>>
      %dma_start3A_631 = tpu.memref_slice %arg2[%add3A_629] : memref<196608xi32, #tpu.memory_space<hbm>> -> memref<64xi32, #tpu.memory_space<hbm>>
      tpu.enqueue_dma source(%dma_start3A_631 : memref<64xi32, #tpu.memory_space<hbm>>) target(%arg14 : memref<64xi32, #tpu.memory_space<vmem>>) target_semaphore(%arg30 : memref<!tpu.dma_semaphore, #tpu.memory_space<semaphore_mem>>)
      %dma_wait3A_632 = tpu.memref_slice %arg2[%add3A_619] : memref<196608xi32, #tpu.memory_space<hbm>> -> memref<64xi32, #tpu.memory_space<hbm>>
      %dma_wait3A_633 = tpu.memref_slice %arg2[%add3A_619] : memref<196608xi32, #tpu.memory_space<hbm>> -> memref<64xi32, #tpu.memory_space<hbm>>
      tpu.wait_dma2 semaphore(%arg30 : memref<!tpu.dma_semaphore, #tpu.memory_space<semaphore_mem>>) src(%dma_wait3A_633 : memref<64xi32, #tpu.memory_space<hbm>>) dst(%arg12 : memref<64xi32, #tpu.memory_space<vmem>>)
      %dma_wait3A_634 = tpu.memref_slice %arg2[%add3A_624] : memref<196608xi32, #tpu.memory_space<hbm>> -> memref<64xi32, #tpu.memory_space<hbm>>
      %dma_wait3A_635 = tpu.memref_slice %arg2[%add3A_624] : memref<196608xi32, #tpu.memory_space<hbm>> -> memref<64xi32, #tpu.memory_space<hbm>>
      tpu.wait_dma2 semaphore(%arg30 : memref<!tpu.dma_semaphore, #tpu.memory_space<semaphore_mem>>) src(%dma_wait3A_635 : memref<64xi32, #tpu.memory_space<hbm>>) dst(%arg13 : memref<64xi32, #tpu.memory_space<vmem>>)
      %dma_wait3A_636 = tpu.memref_slice %arg2[%add3A_629] : memref<196608xi32, #tpu.memory_space<hbm>> -> memref<64xi32, #tpu.memory_space<hbm>>
      %dma_wait3A_637 = tpu.memref_slice %arg2[%add3A_629] : memref<196608xi32, #tpu.memory_space<hbm>> -> memref<64xi32, #tpu.memory_space<hbm>>
      tpu.wait_dma2 semaphore(%arg30 : memref<!tpu.dma_semaphore, #tpu.memory_space<semaphore_mem>>) src(%dma_wait3A_637 : memref<64xi32, #tpu.memory_space<hbm>>) dst(%arg14 : memref<64xi32, #tpu.memory_space<vmem>>)
      %dma_start3A_638 = arith.constant 0 : i32
      %dma_start3A_639 = arith.constant 0 : i32
      %dma_start3A_640 = arith.constant 0 : i32
      %dma_start3A_641 = tpu.memref_slice %arg6[%dma_start3A_638, %dma_start3A_639, %dma_start3A_640] : memref<3x64x128xf32, #tpu.memory_space<vmem>> -> memref<1x64x128xf32, #tpu.memory_space<vmem>>
      %dma_start3A_642 = tpu.memref_squeeze %dma_start3A_641 : memref<1x64x128xf32, #tpu.memory_space<vmem>> -> memref<64x128xf32, #tpu.memory_space<vmem>>
      %dma_start3A_643 = arith.constant 0 : i32
      %dma_start3A_644 = arith.constant 0 : i32
      %dma_start3A_645 = tpu.memref_slice %arg3[%dma_start3A_643, %dma_start3A_644] : memref<65536x128xf32, #tpu.memory_space<hbm>> -> memref<65536x128xf32, #tpu.memory_space<hbm>>
      tpu.enqueue_indirect_dma source(%dma_start3A_645 : memref<65536x128xf32, #tpu.memory_space<hbm>>) target(%dma_start3A_642 : memref<64x128xf32, #tpu.memory_space<vmem>>) offsets(%arg12 : memref<64xi32, #tpu.memory_space<vmem>>) semaphore(%arg22 : memref<!tpu.dma_semaphore, #tpu.memory_space<semaphore_mem>>)
      %dma_start3A_646 = arith.constant 1 : i32
      %dma_start3A_647 = arith.constant 0 : i32
      %dma_start3A_648 = arith.constant 0 : i32
      %dma_start3A_649 = tpu.memref_slice %arg6[%dma_start3A_646, %dma_start3A_647, %dma_start3A_648] : memref<3x64x128xf32, #tpu.memory_space<vmem>> -> memref<1x64x128xf32, #tpu.memory_space<vmem>>
      %dma_start3A_650 = tpu.memref_squeeze %dma_start3A_649 : memref<1x64x128xf32, #tpu.memory_space<vmem>> -> memref<64x128xf32, #tpu.memory_space<vmem>>
      %dma_start3A_651 = arith.constant 0 : i32
      %dma_start3A_652 = arith.constant 0 : i32
      %dma_start3A_653 = tpu.memref_slice %arg3[%dma_start3A_651, %dma_start3A_652] : memref<65536x128xf32, #tpu.memory_space<hbm>> -> memref<65536x128xf32, #tpu.memory_space<hbm>>
      tpu.enqueue_indirect_dma source(%dma_start3A_653 : memref<65536x128xf32, #tpu.memory_space<hbm>>) target(%dma_start3A_650 : memref<64x128xf32, #tpu.memory_space<vmem>>) offsets(%arg13 : memref<64xi32, #tpu.memory_space<vmem>>) semaphore(%arg22 : memref<!tpu.dma_semaphore, #tpu.memory_space<semaphore_mem>>)
      %dma_start3A_654 = arith.constant 2 : i32
      %dma_start3A_655 = arith.constant 0 : i32
      %dma_start3A_656 = arith.constant 0 : i32
      %dma_start3A_657 = tpu.memref_slice %arg6[%dma_start3A_654, %dma_start3A_655, %dma_start3A_656] : memref<3x64x128xf32, #tpu.memory_space<vmem>> -> memref<1x64x128xf32, #tpu.memory_space<vmem>>
      %dma_start3A_658 = tpu.memref_squeeze %dma_start3A_657 : memref<1x64x128xf32, #tpu.memory_space<vmem>> -> memref<64x128xf32, #tpu.memory_space<vmem>>
      %dma_start3A_659 = arith.constant 0 : i32
      %dma_start3A_660 = arith.constant 0 : i32
      %dma_start3A_661 = tpu.memref_slice %arg3[%dma_start3A_659, %dma_start3A_660] : memref<65536x128xf32, #tpu.memory_space<hbm>> -> memref<65536x128xf32, #tpu.memory_space<hbm>>
      tpu.enqueue_indirect_dma source(%dma_start3A_661 : memref<65536x128xf32, #tpu.memory_space<hbm>>) target(%dma_start3A_658 : memref<64x128xf32, #tpu.memory_space<vmem>>) offsets(%arg14 : memref<64xi32, #tpu.memory_space<vmem>>) semaphore(%arg22 : memref<!tpu.dma_semaphore, #tpu.memory_space<semaphore_mem>>)
      %dma_wait3A_662 = arith.constant 0 : i32
      %dma_wait3A_663 = arith.constant 0 : i32
      %dma_wait3A_664 = arith.constant 0 : i32
      %dma_wait3A_665 = tpu.memref_slice %arg8[%dma_wait3A_662, %dma_wait3A_663, %dma_wait3A_664] : memref<3x64x128xf32, #tpu.memory_space<vmem>> -> memref<1x64x128xf32, #tpu.memory_space<vmem>>
      %dma_wait3A_666 = tpu.memref_squeeze %dma_wait3A_665 : memref<1x64x128xf32, #tpu.memory_space<vmem>> -> memref<64x128xf32, #tpu.memory_space<vmem>>
      %dma_wait3A_667 = arith.constant 0 : i32
      %dma_wait3A_668 = arith.constant 0 : i32
      %dma_wait3A_669 = tpu.memref_slice %arg3[%dma_wait3A_667, %dma_wait3A_668] : memref<65536x128xf32, #tpu.memory_space<hbm>> -> memref<64x128xf32, #tpu.memory_space<hbm>>
      %dma_wait3A_670 = arith.constant 0 : i32
      %dma_wait3A_671 = arith.constant 0 : i32
      %dma_wait3A_672 = tpu.memref_slice %arg8[%dma_wait3A_662, %dma_wait3A_670, %dma_wait3A_671] : memref<3x64x128xf32, #tpu.memory_space<vmem>> -> memref<1x64x128xf32, #tpu.memory_space<vmem>>
      %dma_wait3A_673 = tpu.memref_squeeze %dma_wait3A_672 : memref<1x64x128xf32, #tpu.memory_space<vmem>> -> memref<64x128xf32, #tpu.memory_space<vmem>>
      %dma_wait3A_674 = arith.constant 0 : i32
      %dma_wait3A_675 = arith.constant 0 : i32
      %dma_wait3A_676 = tpu.memref_slice %arg3[%dma_wait3A_674, %dma_wait3A_675] : memref<65536x128xf32, #tpu.memory_space<hbm>> -> memref<64x128xf32, #tpu.memory_space<hbm>>
      tpu.wait_dma2 semaphore(%arg24 : memref<!tpu.dma_semaphore, #tpu.memory_space<semaphore_mem>>) src(%dma_wait3A_676 : memref<64x128xf32, #tpu.memory_space<hbm>>) dst(%dma_wait3A_673 : memref<64x128xf32, #tpu.memory_space<vmem>>)
      %dma_wait3A_677 = arith.constant 1 : i32
      %dma_wait3A_678 = arith.constant 0 : i32
      %dma_wait3A_679 = arith.constant 0 : i32
      %dma_wait3A_680 = tpu.memref_slice %arg8[%dma_wait3A_677, %dma_wait3A_678, %dma_wait3A_679] : memref<3x64x128xf32, #tpu.memory_space<vmem>> -> memref<1x64x128xf32, #tpu.memory_space<vmem>>
      %dma_wait3A_681 = tpu.memref_squeeze %dma_wait3A_680 : memref<1x64x128xf32, #tpu.memory_space<vmem>> -> memref<64x128xf32, #tpu.memory_space<vmem>>
      %dma_wait3A_682 = arith.constant 0 : i32
      %dma_wait3A_683 = arith.constant 0 : i32
      %dma_wait3A_684 = tpu.memref_slice %arg3[%dma_wait3A_682, %dma_wait3A_683] : memref<65536x128xf32, #tpu.memory_space<hbm>> -> memref<64x128xf32, #tpu.memory_space<hbm>>
      %dma_wait3A_685 = arith.constant 0 : i32
      %dma_wait3A_686 = arith.constant 0 : i32
      %dma_wait3A_687 = tpu.memref_slice %arg8[%dma_wait3A_677, %dma_wait3A_685, %dma_wait3A_686] : memref<3x64x128xf32, #tpu.memory_space<vmem>> -> memref<1x64x128xf32, #tpu.memory_space<vmem>>
      %dma_wait3A_688 = tpu.memref_squeeze %dma_wait3A_687 : memref<1x64x128xf32, #tpu.memory_space<vmem>> -> memref<64x128xf32, #tpu.memory_space<vmem>>
      %dma_wait3A_689 = arith.constant 0 : i32
      %dma_wait3A_690 = arith.constant 0 : i32
      %dma_wait3A_691 = tpu.memref_slice %arg3[%dma_wait3A_689, %dma_wait3A_690] : memref<65536x128xf32, #tpu.memory_space<hbm>> -> memref<64x128xf32, #tpu.memory_space<hbm>>
      tpu.wait_dma2 semaphore(%arg24 : memref<!tpu.dma_semaphore, #tpu.memory_space<semaphore_mem>>) src(%dma_wait3A_691 : memref<64x128xf32, #tpu.memory_space<hbm>>) dst(%dma_wait3A_688 : memref<64x128xf32, #tpu.memory_space<vmem>>)
      %dma_wait3A_692 = arith.constant 2 : i32
      %dma_wait3A_693 = arith.constant 0 : i32
      %dma_wait3A_694 = arith.constant 0 : i32
      %dma_wait3A_695 = tpu.memref_slice %arg8[%dma_wait3A_692, %dma_wait3A_693, %dma_wait3A_694] : memref<3x64x128xf32, #tpu.memory_space<vmem>> -> memref<1x64x128xf32, #tpu.memory_space<vmem>>
      %dma_wait3A_696 = tpu.memref_squeeze %dma_wait3A_695 : memref<1x64x128xf32, #tpu.memory_space<vmem>> -> memref<64x128xf32, #tpu.memory_space<vmem>>
      %dma_wait3A_697 = arith.constant 0 : i32
      %dma_wait3A_698 = arith.constant 0 : i32
      %dma_wait3A_699 = tpu.memref_slice %arg3[%dma_wait3A_697, %dma_wait3A_698] : memref<65536x128xf32, #tpu.memory_space<hbm>> -> memref<64x128xf32, #tpu.memory_space<hbm>>
      %dma_wait3A_700 = arith.constant 0 : i32
      %dma_wait3A_701 = arith.constant 0 : i32
      %dma_wait3A_702 = tpu.memref_slice %arg8[%dma_wait3A_692, %dma_wait3A_700, %dma_wait3A_701] : memref<3x64x128xf32, #tpu.memory_space<vmem>> -> memref<1x64x128xf32, #tpu.memory_space<vmem>>
      %dma_wait3A_703 = tpu.memref_squeeze %dma_wait3A_702 : memref<1x64x128xf32, #tpu.memory_space<vmem>> -> memref<64x128xf32, #tpu.memory_space<vmem>>
      %dma_wait3A_704 = arith.constant 0 : i32
      %dma_wait3A_705 = arith.constant 0 : i32
      %dma_wait3A_706 = tpu.memref_slice %arg3[%dma_wait3A_704, %dma_wait3A_705] : memref<65536x128xf32, #tpu.memory_space<hbm>> -> memref<64x128xf32, #tpu.memory_space<hbm>>
      tpu.wait_dma2 semaphore(%arg24 : memref<!tpu.dma_semaphore, #tpu.memory_space<semaphore_mem>>) src(%dma_wait3A_706 : memref<64x128xf32, #tpu.memory_space<hbm>>) dst(%dma_wait3A_703 : memref<64x128xf32, #tpu.memory_space<vmem>>)
      %scan3A_707 = arith.constant 0 : i32
      %scan3A_708 = arith.constant 0 : i32
      %scan3A_709 = arith.constant 64 : i32
      %scan3A_710 = arith.addi %scan3A_708, %scan3A_709 : i32
      %scan3A_711 = arith.constant 1 : i32
      scf.for %scan3A_729 = %scan3A_708 to %scan3A_710 step %scan3A_711  : i32 {
        %get3A = arith.constant 0 : i32
        %get3A_730 = arith.index_cast %get3A : i32 to index
        %get3A_731 = arith.index_cast %scan3A_729 : i32 to index
        %get3A_732 = arith.constant 0 : index
        %get3A_733 = tpu.vector_load %arg8[%get3A_730, %get3A_731, %get3A_732] {strides = array<i32>} : memref<3x64x128xf32, #tpu.memory_space<vmem>>, vector<1x1x16xf32>,
        %get3A_734 = vector.shape_cast %get3A_733 : vector<1x1x16xf32> to vector<16xf32>
        %get3A_735 = arith.constant 1 : i32
        %get3A_736 = arith.index_cast %get3A_735 : i32 to index
        %get3A_737 = arith.index_cast %scan3A_729 : i32 to index
        %get3A_738 = arith.constant 0 : index
        %get3A_739 = tpu.vector_load %arg8[%get3A_736, %get3A_737, %get3A_738] {strides = array<i32>} : memref<3x64x128xf32, #tpu.memory_space<vmem>>, vector<1x1x16xf32>,
        %get3A_740 = vector.shape_cast %get3A_739 : vector<1x1x16xf32> to vector<16xf32>
        %add3A_741 = arith.addf %get3A_734, %get3A_740 : vector<16xf32>
        %get3A_742 = arith.constant 2 : i32
        %get3A_743 = arith.index_cast %get3A_742 : i32 to index
        %get3A_744 = arith.index_cast %scan3A_729 : i32 to index
        %get3A_745 = arith.constant 0 : index
        %get3A_746 = tpu.vector_load %arg8[%get3A_743, %get3A_744, %get3A_745] {strides = array<i32>} : memref<3x64x128xf32, #tpu.memory_space<vmem>>, vector<1x1x16xf32>,
        %get3A_747 = vector.shape_cast %get3A_746 : vector<1x1x16xf32> to vector<16xf32>
        %add3A_748 = arith.addf %add3A_741, %get3A_747 : vector<16xf32>
        %mul3A_749 = arith.mulf %add3A_748, %broadcast_in_dim3A_3 : vector<16xf32>
        %swap3A = arith.constant 0 : i32
        %swap3A_750 = arith.index_cast %swap3A : i32 to index
        %swap3A_751 = arith.index_cast %scan3A_729 : i32 to index
        %swap3A_752 = arith.constant 0 : index
        %swap3A_753 = tpu.vector_load %arg8[%swap3A_750, %swap3A_751, %swap3A_752] {strides = array<i32>} : memref<3x64x128xf32, #tpu.memory_space<vmem>>, vector<1x1x16xf32>,
        %swap3A_754 = vector.shape_cast %swap3A_753 : vector<1x1x16xf32> to vector<16xf32>
        %swap3A_755 = vector.shape_cast %mul3A_749 : vector<16xf32> to vector<1x1x16xf32>
        tpu.vector_store %arg8[%swap3A_750, %swap3A_751, %swap3A_752], %swap3A_755 {strides = array<i32>} : memref<3x64x128xf32, #tpu.memory_space<vmem>>, vector<1x1x16xf32>,
        %get3A_756 = arith.constant 0 : i32
        %get3A_757 = arith.index_cast %get3A_756 : i32 to index
        %get3A_758 = arith.index_cast %scan3A_729 : i32 to index
        %get3A_759 = arith.constant 16 : index
        %get3A_760 = tpu.vector_load %arg8[%get3A_757, %get3A_758, %get3A_759] {strides = array<i32>} : memref<3x64x128xf32, #tpu.memory_space<vmem>>, vector<1x1x16xf32>,
        %get3A_761 = vector.shape_cast %get3A_760 : vector<1x1x16xf32> to vector<16xf32>
        %get3A_762 = arith.constant 1 : i32
        %get3A_763 = arith.index_cast %get3A_762 : i32 to index
        %get3A_764 = arith.index_cast %scan3A_729 : i32 to index
        %get3A_765 = arith.constant 16 : index
        %get3A_766 = tpu.vector_load %arg8[%get3A_763, %get3A_764, %get3A_765] {strides = array<i32>} : memref<3x64x128xf32, #tpu.memory_space<vmem>>, vector<1x1x16xf32>,
        %get3A_767 = vector.shape_cast %get3A_766 : vector<1x1x16xf32> to vector<16xf32>
        %add3A_768 = arith.addf %get3A_761, %get3A_767 : vector<16xf32>
        %get3A_769 = arith.constant 2 : i32
        %get3A_770 = arith.index_cast %get3A_769 : i32 to index
        %get3A_771 = arith.index_cast %scan3A_729 : i32 to index
        %get3A_772 = arith.constant 16 : index
        %get3A_773 = tpu.vector_load %arg8[%get3A_770, %get3A_771, %get3A_772] {strides = array<i32>} : memref<3x64x128xf32, #tpu.memory_space<vmem>>, vector<1x1x16xf32>,
        %get3A_774 = vector.shape_cast %get3A_773 : vector<1x1x16xf32> to vector<16xf32>
        %add3A_775 = arith.addf %add3A_768, %get3A_774 : vector<16xf32>
        %mul3A_776 = arith.mulf %add3A_775, %broadcast_in_dim3A_3 : vector<16xf32>
        %swap3A_777 = arith.constant 0 : i32
        %swap3A_778 = arith.index_cast %swap3A_777 : i32 to index
        %swap3A_779 = arith.index_cast %scan3A_729 : i32 to index
        %swap3A_780 = arith.constant 16 : index
        %swap3A_781 = tpu.vector_load %arg8[%swap3A_778, %swap3A_779, %swap3A_780] {strides = array<i32>} : memref<3x64x128xf32, #tpu.memory_space<vmem>>, vector<1x1x16xf32>,
        %swap3A_782 = vector.shape_cast %swap3A_781 : vector<1x1x16xf32> to vector<16xf32>
        %swap3A_783 = vector.shape_cast %mul3A_776 : vector<16xf32> to vector<1x1x16xf32>
        tpu.vector_store %arg8[%swap3A_778, %swap3A_779, %swap3A_780], %swap3A_783 {strides = array<i32>} : memref<3x64x128xf32, #tpu.memory_space<vmem>>, vector<1x1x16xf32>,
        %get3A_784 = arith.constant 0 : i32
        %get3A_785 = arith.index_cast %get3A_784 : i32 to index
        %get3A_786 = arith.index_cast %scan3A_729 : i32 to index
        %get3A_787 = arith.constant 32 : index
        %get3A_788 = tpu.vector_load %arg8[%get3A_785, %get3A_786, %get3A_787] {strides = array<i32>} : memref<3x64x128xf32, #tpu.memory_space<vmem>>, vector<1x1x16xf32>,
        %get3A_789 = vector.shape_cast %get3A_788 : vector<1x1x16xf32> to vector<16xf32>
        %get3A_790 = arith.constant 1 : i32
        %get3A_791 = arith.index_cast %get3A_790 : i32 to index
        %get3A_792 = arith.index_cast %scan3A_729 : i32 to index
        %get3A_793 = arith.constant 32 : index
        %get3A_794 = tpu.vector_load %arg8[%get3A_791, %get3A_792, %get3A_793] {strides = array<i32>} : memref<3x64x128xf32, #tpu.memory_space<vmem>>, vector<1x1x16xf32>,
        %get3A_795 = vector.shape_cast %get3A_794 : vector<1x1x16xf32> to vector<16xf32>
        %add3A_796 = arith.addf %get3A_789, %get3A_795 : vector<16xf32>
        %get3A_797 = arith.constant 2 : i32
        %get3A_798 = arith.index_cast %get3A_797 : i32 to index
        %get3A_799 = arith.index_cast %scan3A_729 : i32 to index
        %get3A_800 = arith.constant 32 : index
        %get3A_801 = tpu.vector_load %arg8[%get3A_798, %get3A_799, %get3A_800] {strides = array<i32>} : memref<3x64x128xf32, #tpu.memory_space<vmem>>, vector<1x1x16xf32>,
        %get3A_802 = vector.shape_cast %get3A_801 : vector<1x1x16xf32> to vector<16xf32>
        %add3A_803 = arith.addf %add3A_796, %get3A_802 : vector<16xf32>
        %mul3A_804 = arith.mulf %add3A_803, %broadcast_in_dim3A_3 : vector<16xf32>
        %swap3A_805 = arith.constant 0 : i32
        %swap3A_806 = arith.index_cast %swap3A_805 : i32 to index
        %swap3A_807 = arith.index_cast %scan3A_729 : i32 to index
        %swap3A_808 = arith.constant 32 : index
        %swap3A_809 = tpu.vector_load %arg8[%swap3A_806, %swap3A_807, %swap3A_808] {strides = array<i32>} : memref<3x64x128xf32, #tpu.memory_space<vmem>>, vector<1x1x16xf32>,
        %swap3A_810 = vector.shape_cast %swap3A_809 : vector<1x1x16xf32> to vector<16xf32>
        %swap3A_811 = vector.shape_cast %mul3A_804 : vector<16xf32> to vector<1x1x16xf32>
        tpu.vector_store %arg8[%swap3A_806, %swap3A_807, %swap3A_808], %swap3A_811 {strides = array<i32>} : memref<3x64x128xf32, #tpu.memory_space<vmem>>, vector<1x1x16xf32>,
        %get3A_812 = arith.constant 0 : i32
        %get3A_813 = arith.index_cast %get3A_812 : i32 to index
        %get3A_814 = arith.index_cast %scan3A_729 : i32 to index
        %get3A_815 = arith.constant 48 : index
        %get3A_816 = tpu.vector_load %arg8[%get3A_813, %get3A_814, %get3A_815] {strides = array<i32>} : memref<3x64x128xf32, #tpu.memory_space<vmem>>, vector<1x1x16xf32>,
        %get3A_817 = vector.shape_cast %get3A_816 : vector<1x1x16xf32> to vector<16xf32>
        %get3A_818 = arith.constant 1 : i32
        %get3A_819 = arith.index_cast %get3A_818 : i32 to index
        %get3A_820 = arith.index_cast %scan3A_729 : i32 to index
        %get3A_821 = arith.constant 48 : index
        %get3A_822 = tpu.vector_load %arg8[%get3A_819, %get3A_820, %get3A_821] {strides = array<i32>} : memref<3x64x128xf32, #tpu.memory_space<vmem>>, vector<1x1x16xf32>,
        %get3A_823 = vector.shape_cast %get3A_822 : vector<1x1x16xf32> to vector<16xf32>
        %add3A_824 = arith.addf %get3A_817, %get3A_823 : vector<16xf32>
        %get3A_825 = arith.constant 2 : i32
        %get3A_826 = arith.index_cast %get3A_825 : i32 to index
        %get3A_827 = arith.index_cast %scan3A_729 : i32 to index
        %get3A_828 = arith.constant 48 : index
        %get3A_829 = tpu.vector_load %arg8[%get3A_826, %get3A_827, %get3A_828] {strides = array<i32>} : memref<3x64x128xf32, #tpu.memory_space<vmem>>, vector<1x1x16xf32>,
        %get3A_830 = vector.shape_cast %get3A_829 : vector<1x1x16xf32> to vector<16xf32>
        %add3A_831 = arith.addf %add3A_824, %get3A_830 : vector<16xf32>
        %mul3A_832 = arith.mulf %add3A_831, %broadcast_in_dim3A_3 : vector<16xf32>
        %swap3A_833 = arith.constant 0 : i32
        %swap3A_834 = arith.index_cast %swap3A_833 : i32 to index
        %swap3A_835 = arith.index_cast %scan3A_729 : i32 to index
        %swap3A_836 = arith.constant 48 : index
        %swap3A_837 = tpu.vector_load %arg8[%swap3A_834, %swap3A_835, %swap3A_836] {strides = array<i32>} : memref<3x64x128xf32, #tpu.memory_space<vmem>>, vector<1x1x16xf32>,
        %swap3A_838 = vector.shape_cast %swap3A_837 : vector<1x1x16xf32> to vector<16xf32>
        %swap3A_839 = vector.shape_cast %mul3A_832 : vector<16xf32> to vector<1x1x16xf32>
        tpu.vector_store %arg8[%swap3A_834, %swap3A_835, %swap3A_836], %swap3A_839 {strides = array<i32>} : memref<3x64x128xf32, #tpu.memory_space<vmem>>, vector<1x1x16xf32>,
        %get3A_840 = arith.constant 0 : i32
        %get3A_841 = arith.index_cast %get3A_840 : i32 to index
        %get3A_842 = arith.index_cast %scan3A_729 : i32 to index
        %get3A_843 = arith.constant 64 : index
        %get3A_844 = tpu.vector_load %arg8[%get3A_841, %get3A_842, %get3A_843] {strides = array<i32>} : memref<3x64x128xf32, #tpu.memory_space<vmem>>, vector<1x1x16xf32>,
        %get3A_845 = vector.shape_cast %get3A_844 : vector<1x1x16xf32> to vector<16xf32>
        %get3A_846 = arith.constant 1 : i32
        %get3A_847 = arith.index_cast %get3A_846 : i32 to index
        %get3A_848 = arith.index_cast %scan3A_729 : i32 to index
        %get3A_849 = arith.constant 64 : index
        %get3A_850 = tpu.vector_load %arg8[%get3A_847, %get3A_848, %get3A_849] {strides = array<i32>} : memref<3x64x128xf32, #tpu.memory_space<vmem>>, vector<1x1x16xf32>,
        %get3A_851 = vector.shape_cast %get3A_850 : vector<1x1x16xf32> to vector<16xf32>
        %add3A_852 = arith.addf %get3A_845, %get3A_851 : vector<16xf32>
        %get3A_853 = arith.constant 2 : i32
        %get3A_854 = arith.index_cast %get3A_853 : i32 to index
        %get3A_855 = arith.index_cast %scan3A_729 : i32 to index
        %get3A_856 = arith.constant 64 : index
        %get3A_857 = tpu.vector_load %arg8[%get3A_854, %get3A_855, %get3A_856] {strides = array<i32>} : memref<3x64x128xf32, #tpu.memory_space<vmem>>, vector<1x1x16xf32>,
        %get3A_858 = vector.shape_cast %get3A_857 : vector<1x1x16xf32> to vector<16xf32>
        %add3A_859 = arith.addf %add3A_852, %get3A_858 : vector<16xf32>
        %mul3A_860 = arith.mulf %add3A_859, %broadcast_in_dim3A_3 : vector<16xf32>
        %swap3A_861 = arith.constant 0 : i32
        %swap3A_862 = arith.index_cast %swap3A_861 : i32 to index
        %swap3A_863 = arith.index_cast %scan3A_729 : i32 to index
        %swap3A_864 = arith.constant 64 : index
        %swap3A_865 = tpu.vector_load %arg8[%swap3A_862, %swap3A_863, %swap3A_864] {strides = array<i32>} : memref<3x64x128xf32, #tpu.memory_space<vmem>>, vector<1x1x16xf32>,
        %swap3A_866 = vector.shape_cast %swap3A_865 : vector<1x1x16xf32> to vector<16xf32>
        %swap3A_867 = vector.shape_cast %mul3A_860 : vector<16xf32> to vector<1x1x16xf32>
        tpu.vector_store %arg8[%swap3A_862, %swap3A_863, %swap3A_864], %swap3A_867 {strides = array<i32>} : memref<3x64x128xf32, #tpu.memory_space<vmem>>, vector<1x1x16xf32>,
        %get3A_868 = arith.constant 0 : i32
        %get3A_869 = arith.index_cast %get3A_868 : i32 to index
        %get3A_870 = arith.index_cast %scan3A_729 : i32 to index
        %get3A_871 = arith.constant 80 : index
        %get3A_872 = tpu.vector_load %arg8[%get3A_869, %get3A_870, %get3A_871] {strides = array<i32>} : memref<3x64x128xf32, #tpu.memory_space<vmem>>, vector<1x1x16xf32>,
        %get3A_873 = vector.shape_cast %get3A_872 : vector<1x1x16xf32> to vector<16xf32>
        %get3A_874 = arith.constant 1 : i32
        %get3A_875 = arith.index_cast %get3A_874 : i32 to index
        %get3A_876 = arith.index_cast %scan3A_729 : i32 to index
        %get3A_877 = arith.constant 80 : index
        %get3A_878 = tpu.vector_load %arg8[%get3A_875, %get3A_876, %get3A_877] {strides = array<i32>} : memref<3x64x128xf32, #tpu.memory_space<vmem>>, vector<1x1x16xf32>,
        %get3A_879 = vector.shape_cast %get3A_878 : vector<1x1x16xf32> to vector<16xf32>
        %add3A_880 = arith.addf %get3A_873, %get3A_879 : vector<16xf32>
        %get3A_881 = arith.constant 2 : i32
        %get3A_882 = arith.index_cast %get3A_881 : i32 to index
        %get3A_883 = arith.index_cast %scan3A_729 : i32 to index
        %get3A_884 = arith.constant 80 : index
        %get3A_885 = tpu.vector_load %arg8[%get3A_882, %get3A_883, %get3A_884] {strides = array<i32>} : memref<3x64x128xf32, #tpu.memory_space<vmem>>, vector<1x1x16xf32>,
        %get3A_886 = vector.shape_cast %get3A_885 : vector<1x1x16xf32> to vector<16xf32>
        %add3A_887 = arith.addf %add3A_880, %get3A_886 : vector<16xf32>
        %mul3A_888 = arith.mulf %add3A_887, %broadcast_in_dim3A_3 : vector<16xf32>
        %swap3A_889 = arith.constant 0 : i32
        %swap3A_890 = arith.index_cast %swap3A_889 : i32 to index
        %swap3A_891 = arith.index_cast %scan3A_729 : i32 to index
        %swap3A_892 = arith.constant 80 : index
        %swap3A_893 = tpu.vector_load %arg8[%swap3A_890, %swap3A_891, %swap3A_892] {strides = array<i32>} : memref<3x64x128xf32, #tpu.memory_space<vmem>>, vector<1x1x16xf32>,
        %swap3A_894 = vector.shape_cast %swap3A_893 : vector<1x1x16xf32> to vector<16xf32>
        %swap3A_895 = vector.shape_cast %mul3A_888 : vector<16xf32> to vector<1x1x16xf32>
        tpu.vector_store %arg8[%swap3A_890, %swap3A_891, %swap3A_892], %swap3A_895 {strides = array<i32>} : memref<3x64x128xf32, #tpu.memory_space<vmem>>, vector<1x1x16xf32>,
        %get3A_896 = arith.constant 0 : i32
        %get3A_897 = arith.index_cast %get3A_896 : i32 to index
        %get3A_898 = arith.index_cast %scan3A_729 : i32 to index
        %get3A_899 = arith.constant 96 : index
        %get3A_900 = tpu.vector_load %arg8[%get3A_897, %get3A_898, %get3A_899] {strides = array<i32>} : memref<3x64x128xf32, #tpu.memory_space<vmem>>, vector<1x1x16xf32>,
        %get3A_901 = vector.shape_cast %get3A_900 : vector<1x1x16xf32> to vector<16xf32>
        %get3A_902 = arith.constant 1 : i32
        %get3A_903 = arith.index_cast %get3A_902 : i32 to index
        %get3A_904 = arith.index_cast %scan3A_729 : i32 to index
        %get3A_905 = arith.constant 96 : index
        %get3A_906 = tpu.vector_load %arg8[%get3A_903, %get3A_904, %get3A_905] {strides = array<i32>} : memref<3x64x128xf32, #tpu.memory_space<vmem>>, vector<1x1x16xf32>,
        %get3A_907 = vector.shape_cast %get3A_906 : vector<1x1x16xf32> to vector<16xf32>
        %add3A_908 = arith.addf %get3A_901, %get3A_907 : vector<16xf32>
        %get3A_909 = arith.constant 2 : i32
        %get3A_910 = arith.index_cast %get3A_909 : i32 to index
        %get3A_911 = arith.index_cast %scan3A_729 : i32 to index
        %get3A_912 = arith.constant 96 : index
        %get3A_913 = tpu.vector_load %arg8[%get3A_910, %get3A_911, %get3A_912] {strides = array<i32>} : memref<3x64x128xf32, #tpu.memory_space<vmem>>, vector<1x1x16xf32>,
        %get3A_914 = vector.shape_cast %get3A_913 : vector<1x1x16xf32> to vector<16xf32>
        %add3A_915 = arith.addf %add3A_908, %get3A_914 : vector<16xf32>
        %mul3A_916 = arith.mulf %add3A_915, %broadcast_in_dim3A_3 : vector<16xf32>
        %swap3A_917 = arith.constant 0 : i32
        %swap3A_918 = arith.index_cast %swap3A_917 : i32 to index
        %swap3A_919 = arith.index_cast %scan3A_729 : i32 to index
        %swap3A_920 = arith.constant 96 : index
        %swap3A_921 = tpu.vector_load %arg8[%swap3A_918, %swap3A_919, %swap3A_920] {strides = array<i32>} : memref<3x64x128xf32, #tpu.memory_space<vmem>>, vector<1x1x16xf32>,
        %swap3A_922 = vector.shape_cast %swap3A_921 : vector<1x1x16xf32> to vector<16xf32>
        %swap3A_923 = vector.shape_cast %mul3A_916 : vector<16xf32> to vector<1x1x16xf32>
        tpu.vector_store %arg8[%swap3A_918, %swap3A_919, %swap3A_920], %swap3A_923 {strides = array<i32>} : memref<3x64x128xf32, #tpu.memory_space<vmem>>, vector<1x1x16xf32>,
        %get3A_924 = arith.constant 0 : i32
        %get3A_925 = arith.index_cast %get3A_924 : i32 to index
        %get3A_926 = arith.index_cast %scan3A_729 : i32 to index
        %get3A_927 = arith.constant 112 : index
        %get3A_928 = tpu.vector_load %arg8[%get3A_925, %get3A_926, %get3A_927] {strides = array<i32>} : memref<3x64x128xf32, #tpu.memory_space<vmem>>, vector<1x1x16xf32>,
        %get3A_929 = vector.shape_cast %get3A_928 : vector<1x1x16xf32> to vector<16xf32>
        %get3A_930 = arith.constant 1 : i32
        %get3A_931 = arith.index_cast %get3A_930 : i32 to index
        %get3A_932 = arith.index_cast %scan3A_729 : i32 to index
        %get3A_933 = arith.constant 112 : index
        %get3A_934 = tpu.vector_load %arg8[%get3A_931, %get3A_932, %get3A_933] {strides = array<i32>} : memref<3x64x128xf32, #tpu.memory_space<vmem>>, vector<1x1x16xf32>,
        %get3A_935 = vector.shape_cast %get3A_934 : vector<1x1x16xf32> to vector<16xf32>
        %add3A_936 = arith.addf %get3A_929, %get3A_935 : vector<16xf32>
        %get3A_937 = arith.constant 2 : i32
        %get3A_938 = arith.index_cast %get3A_937 : i32 to index
        %get3A_939 = arith.index_cast %scan3A_729 : i32 to index
        %get3A_940 = arith.constant 112 : index
        %get3A_941 = tpu.vector_load %arg8[%get3A_938, %get3A_939, %get3A_940] {strides = array<i32>} : memref<3x64x128xf32, #tpu.memory_space<vmem>>, vector<1x1x16xf32>,
        %get3A_942 = vector.shape_cast %get3A_941 : vector<1x1x16xf32> to vector<16xf32>
        %add3A_943 = arith.addf %add3A_936, %get3A_942 : vector<16xf32>
        %mul3A_944 = arith.mulf %add3A_943, %broadcast_in_dim3A_3 : vector<16xf32>
        %swap3A_945 = arith.constant 0 : i32
        %swap3A_946 = arith.index_cast %swap3A_945 : i32 to index
        %swap3A_947 = arith.index_cast %scan3A_729 : i32 to index
        %swap3A_948 = arith.constant 112 : index
        %swap3A_949 = tpu.vector_load %arg8[%swap3A_946, %swap3A_947, %swap3A_948] {strides = array<i32>} : memref<3x64x128xf32, #tpu.memory_space<vmem>>, vector<1x1x16xf32>,
        %swap3A_950 = vector.shape_cast %swap3A_949 : vector<1x1x16xf32> to vector<16xf32>
        %swap3A_951 = vector.shape_cast %mul3A_944 : vector<16xf32> to vector<1x1x16xf32>
        tpu.vector_store %arg8[%swap3A_946, %swap3A_947, %swap3A_948], %swap3A_951 {strides = array<i32>} : memref<3x64x128xf32, #tpu.memory_space<vmem>>, vector<1x1x16xf32>,
      }
      %scan3A_712 = arith.constant 64 : i32
      %mul3A_713 = arith.constant 64 : i32
      %mul3A_714 = arith.muli %add3A_604, %mul3A_713 : i32
      %add3A_715 = arith.addi %mul3A_2, %mul3A_714 : i32
      %dma_start3A_716 = arith.constant 0 : i32
      %dma_start3A_717 = arith.constant 0 : i32
      %dma_start3A_718 = arith.constant 0 : i32
      %dma_start3A_719 = tpu.memref_slice %arg8[%dma_start3A_716, %dma_start3A_717, %dma_start3A_718] : memref<3x64x128xf32, #tpu.memory_space<vmem>> -> memref<1x64x128xf32, #tpu.memory_space<vmem>>
      %dma_start3A_720 = tpu.memref_squeeze %dma_start3A_719 : memref<1x64x128xf32, #tpu.memory_space<vmem>> -> memref<64x128xf32, #tpu.memory_space<vmem>>
      %dma_start3A_721 = arith.constant 0 : i32
      %dma_start3A_722 = tpu.memref_slice %arg4[%add3A_715, %dma_start3A_721] : memref<65536x128xf32, #tpu.memory_space<hbm>> -> memref<64x128xf32, #tpu.memory_space<hbm>>
      %dma_start3A_723 = arith.constant 0 : i32
      %dma_start3A_724 = tpu.memref_slice %arg4[%add3A_715, %dma_start3A_723] : memref<65536x128xf32, #tpu.memory_space<hbm>> -> memref<64x128xf32, #tpu.memory_space<hbm>>
      %dma_start3A_725 = arith.constant 0 : i32
      %dma_start3A_726 = arith.constant 0 : i32
      %dma_start3A_727 = tpu.memref_slice %arg8[%dma_start3A_716, %dma_start3A_725, %dma_start3A_726] : memref<3x64x128xf32, #tpu.memory_space<vmem>> -> memref<1x64x128xf32, #tpu.memory_space<vmem>>
      %dma_start3A_728 = tpu.memref_squeeze %dma_start3A_727 : memref<1x64x128xf32, #tpu.memory_space<vmem>> -> memref<64x128xf32, #tpu.memory_space<vmem>>
      tpu.enqueue_dma source(%dma_start3A_728 : memref<64x128xf32, #tpu.memory_space<vmem>>) target(%dma_start3A_724 : memref<64x128xf32, #tpu.memory_space<hbm>>) target_semaphore(%arg28 : memref<!tpu.dma_semaphore, #tpu.memory_space<semaphore_mem>>)
    }
    %scan3A_99 = arith.constant 8 : i32
    %dma_wait3A_100 = arith.constant 0 : i32
    %dma_wait3A_101 = arith.constant 0 : i32
    %dma_wait3A_102 = arith.constant 0 : i32
    %dma_wait3A_103 = tpu.memref_slice %arg5[%dma_wait3A_100, %dma_wait3A_101, %dma_wait3A_102] : memref<3x64x128xf32, #tpu.memory_space<vmem>> -> memref<1x64x128xf32, #tpu.memory_space<vmem>>
    %dma_wait3A_104 = tpu.memref_squeeze %dma_wait3A_103 : memref<1x64x128xf32, #tpu.memory_space<vmem>> -> memref<64x128xf32, #tpu.memory_space<vmem>>
    %dma_wait3A_105 = arith.constant 0 : i32
    %dma_wait3A_106 = arith.constant 0 : i32
    %dma_wait3A_107 = tpu.memref_slice %arg3[%dma_wait3A_105, %dma_wait3A_106] : memref<65536x128xf32, #tpu.memory_space<hbm>> -> memref<64x128xf32, #tpu.memory_space<hbm>>
    %dma_wait3A_108 = arith.constant 0 : i32
    %dma_wait3A_109 = arith.constant 0 : i32
    %dma_wait3A_110 = tpu.memref_slice %arg5[%dma_wait3A_100, %dma_wait3A_108, %dma_wait3A_109] : memref<3x64x128xf32, #tpu.memory_space<vmem>> -> memref<1x64x128xf32, #tpu.memory_space<vmem>>
    %dma_wait3A_111 = tpu.memref_squeeze %dma_wait3A_110 : memref<1x64x128xf32, #tpu.memory_space<vmem>> -> memref<64x128xf32, #tpu.memory_space<vmem>>
    %dma_wait3A_112 = arith.constant 0 : i32
    %dma_wait3A_113 = arith.constant 0 : i32
    %dma_wait3A_114 = tpu.memref_slice %arg3[%dma_wait3A_112, %dma_wait3A_113] : memref<65536x128xf32, #tpu.memory_space<hbm>> -> memref<64x128xf32, #tpu.memory_space<hbm>>
    tpu.wait_dma2 semaphore(%arg21 : memref<!tpu.dma_semaphore, #tpu.memory_space<semaphore_mem>>) src(%dma_wait3A_114 : memref<64x128xf32, #tpu.memory_space<hbm>>) dst(%dma_wait3A_111 : memref<64x128xf32, #tpu.memory_space<vmem>>)
    %dma_wait3A_115 = arith.constant 1 : i32
    %dma_wait3A_116 = arith.constant 0 : i32
    %dma_wait3A_117 = arith.constant 0 : i32
    %dma_wait3A_118 = tpu.memref_slice %arg5[%dma_wait3A_115, %dma_wait3A_116, %dma_wait3A_117] : memref<3x64x128xf32, #tpu.memory_space<vmem>> -> memref<1x64x128xf32, #tpu.memory_space<vmem>>
    %dma_wait3A_119 = tpu.memref_squeeze %dma_wait3A_118 : memref<1x64x128xf32, #tpu.memory_space<vmem>> -> memref<64x128xf32, #tpu.memory_space<vmem>>
    %dma_wait3A_120 = arith.constant 0 : i32
    %dma_wait3A_121 = arith.constant 0 : i32
    %dma_wait3A_122 = tpu.memref_slice %arg3[%dma_wait3A_120, %dma_wait3A_121] : memref<65536x128xf32, #tpu.memory_space<hbm>> -> memref<64x128xf32, #tpu.memory_space<hbm>>
    %dma_wait3A_123 = arith.constant 0 : i32
    %dma_wait3A_124 = arith.constant 0 : i32
    %dma_wait3A_125 = tpu.memref_slice %arg5[%dma_wait3A_115, %dma_wait3A_123, %dma_wait3A_124] : memref<3x64x128xf32, #tpu.memory_space<vmem>> -> memref<1x64x128xf32, #tpu.memory_space<vmem>>
    %dma_wait3A_126 = tpu.memref_squeeze %dma_wait3A_125 : memref<1x64x128xf32, #tpu.memory_space<vmem>> -> memref<64x128xf32, #tpu.memory_space<vmem>>
    %dma_wait3A_127 = arith.constant 0 : i32
    %dma_wait3A_128 = arith.constant 0 : i32
    %dma_wait3A_129 = tpu.memref_slice %arg3[%dma_wait3A_127, %dma_wait3A_128] : memref<65536x128xf32, #tpu.memory_space<hbm>> -> memref<64x128xf32, #tpu.memory_space<hbm>>
    tpu.wait_dma2 semaphore(%arg21 : memref<!tpu.dma_semaphore, #tpu.memory_space<semaphore_mem>>) src(%dma_wait3A_129 : memref<64x128xf32, #tpu.memory_space<hbm>>) dst(%dma_wait3A_126 : memref<64x128xf32, #tpu.memory_space<vmem>>)
    %dma_wait3A_130 = arith.constant 2 : i32
    %dma_wait3A_131 = arith.constant 0 : i32
    %dma_wait3A_132 = arith.constant 0 : i32
    %dma_wait3A_133 = tpu.memref_slice %arg5[%dma_wait3A_130, %dma_wait3A_131, %dma_wait3A_132] : memref<3x64x128xf32, #tpu.memory_space<vmem>> -> memref<1x64x128xf32, #tpu.memory_space<vmem>>
    %dma_wait3A_134 = tpu.memref_squeeze %dma_wait3A_133 : memref<1x64x128xf32, #tpu.memory_space<vmem>> -> memref<64x128xf32, #tpu.memory_space<vmem>>
    %dma_wait3A_135 = arith.constant 0 : i32
    %dma_wait3A_136 = arith.constant 0 : i32
    %dma_wait3A_137 = tpu.memref_slice %arg3[%dma_wait3A_135, %dma_wait3A_136] : memref<65536x128xf32, #tpu.memory_space<hbm>> -> memref<64x128xf32, #tpu.memory_space<hbm>>
    %dma_wait3A_138 = arith.constant 0 : i32
    %dma_wait3A_139 = arith.constant 0 : i32
    %dma_wait3A_140 = tpu.memref_slice %arg5[%dma_wait3A_130, %dma_wait3A_138, %dma_wait3A_139] : memref<3x64x128xf32, #tpu.memory_space<vmem>> -> memref<1x64x128xf32, #tpu.memory_space<vmem>>
    %dma_wait3A_141 = tpu.memref_squeeze %dma_wait3A_140 : memref<1x64x128xf32, #tpu.memory_space<vmem>> -> memref<64x128xf32, #tpu.memory_space<vmem>>
    %dma_wait3A_142 = arith.constant 0 : i32
    %dma_wait3A_143 = arith.constant 0 : i32
    %dma_wait3A_144 = tpu.memref_slice %arg3[%dma_wait3A_142, %dma_wait3A_143] : memref<65536x128xf32, #tpu.memory_space<hbm>> -> memref<64x128xf32, #tpu.memory_space<hbm>>
    tpu.wait_dma2 semaphore(%arg21 : memref<!tpu.dma_semaphore, #tpu.memory_space<semaphore_mem>>) src(%dma_wait3A_144 : memref<64x128xf32, #tpu.memory_space<hbm>>) dst(%dma_wait3A_141 : memref<64x128xf32, #tpu.memory_space<vmem>>)
    %dma_wait3A_145 = arith.constant 0 : i32
    %dma_wait3A_146 = arith.constant 0 : i32
    %dma_wait3A_147 = arith.constant 0 : i32
    %dma_wait3A_148 = tpu.memref_slice %arg6[%dma_wait3A_145, %dma_wait3A_146, %dma_wait3A_147] : memref<3x64x128xf32, #tpu.memory_space<vmem>> -> memref<1x64x128xf32, #tpu.memory_space<vmem>>
    %dma_wait3A_149 = tpu.memref_squeeze %dma_wait3A_148 : memref<1x64x128xf32, #tpu.memory_space<vmem>> -> memref<64x128xf32, #tpu.memory_space<vmem>>
    %dma_wait3A_150 = arith.constant 0 : i32
    %dma_wait3A_151 = arith.constant 0 : i32
    %dma_wait3A_152 = tpu.memref_slice %arg3[%dma_wait3A_150, %dma_wait3A_151] : memref<65536x128xf32, #tpu.memory_space<hbm>> -> memref<64x128xf32, #tpu.memory_space<hbm>>
    %dma_wait3A_153 = arith.constant 0 : i32
    %dma_wait3A_154 = arith.constant 0 : i32
    %dma_wait3A_155 = tpu.memref_slice %arg6[%dma_wait3A_145, %dma_wait3A_153, %dma_wait3A_154] : memref<3x64x128xf32, #tpu.memory_space<vmem>> -> memref<1x64x128xf32, #tpu.memory_space<vmem>>
    %dma_wait3A_156 = tpu.memref_squeeze %dma_wait3A_155 : memref<1x64x128xf32, #tpu.memory_space<vmem>> -> memref<64x128xf32, #tpu.memory_space<vmem>>
    %dma_wait3A_157 = arith.constant 0 : i32
    %dma_wait3A_158 = arith.constant 0 : i32
    %dma_wait3A_159 = tpu.memref_slice %arg3[%dma_wait3A_157, %dma_wait3A_158] : memref<65536x128xf32, #tpu.memory_space<hbm>> -> memref<64x128xf32, #tpu.memory_space<hbm>>
    tpu.wait_dma2 semaphore(%arg22 : memref<!tpu.dma_semaphore, #tpu.memory_space<semaphore_mem>>) src(%dma_wait3A_159 : memref<64x128xf32, #tpu.memory_space<hbm>>) dst(%dma_wait3A_156 : memref<64x128xf32, #tpu.memory_space<vmem>>)
    %dma_wait3A_160 = arith.constant 1 : i32
    %dma_wait3A_161 = arith.constant 0 : i32
    %dma_wait3A_162 = arith.constant 0 : i32
    %dma_wait3A_163 = tpu.memref_slice %arg6[%dma_wait3A_160, %dma_wait3A_161, %dma_wait3A_162] : memref<3x64x128xf32, #tpu.memory_space<vmem>> -> memref<1x64x128xf32, #tpu.memory_space<vmem>>
    %dma_wait3A_164 = tpu.memref_squeeze %dma_wait3A_163 : memref<1x64x128xf32, #tpu.memory_space<vmem>> -> memref<64x128xf32, #tpu.memory_space<vmem>>
    %dma_wait3A_165 = arith.constant 0 : i32
    %dma_wait3A_166 = arith.constant 0 : i32
    %dma_wait3A_167 = tpu.memref_slice %arg3[%dma_wait3A_165, %dma_wait3A_166] : memref<65536x128xf32, #tpu.memory_space<hbm>> -> memref<64x128xf32, #tpu.memory_space<hbm>>
    %dma_wait3A_168 = arith.constant 0 : i32
    %dma_wait3A_169 = arith.constant 0 : i32
    %dma_wait3A_170 = tpu.memref_slice %arg6[%dma_wait3A_160, %dma_wait3A_168, %dma_wait3A_169] : memref<3x64x128xf32, #tpu.memory_space<vmem>> -> memref<1x64x128xf32, #tpu.memory_space<vmem>>
    %dma_wait3A_171 = tpu.memref_squeeze %dma_wait3A_170 : memref<1x64x128xf32, #tpu.memory_space<vmem>> -> memref<64x128xf32, #tpu.memory_space<vmem>>
    %dma_wait3A_172 = arith.constant 0 : i32
    %dma_wait3A_173 = arith.constant 0 : i32
    %dma_wait3A_174 = tpu.memref_slice %arg3[%dma_wait3A_172, %dma_wait3A_173] : memref<65536x128xf32, #tpu.memory_space<hbm>> -> memref<64x128xf32, #tpu.memory_space<hbm>>
    tpu.wait_dma2 semaphore(%arg22 : memref<!tpu.dma_semaphore, #tpu.memory_space<semaphore_mem>>) src(%dma_wait3A_174 : memref<64x128xf32, #tpu.memory_space<hbm>>) dst(%dma_wait3A_171 : memref<64x128xf32, #tpu.memory_space<vmem>>)
    %dma_wait3A_175 = arith.constant 2 : i32
    %dma_wait3A_176 = arith.constant 0 : i32
    %dma_wait3A_177 = arith.constant 0 : i32
    %dma_wait3A_178 = tpu.memref_slice %arg6[%dma_wait3A_175, %dma_wait3A_176, %dma_wait3A_177] : memref<3x64x128xf32, #tpu.memory_space<vmem>> -> memref<1x64x128xf32, #tpu.memory_space<vmem>>
    %dma_wait3A_179 = tpu.memref_squeeze %dma_wait3A_178 : memref<1x64x128xf32, #tpu.memory_space<vmem>> -> memref<64x128xf32, #tpu.memory_space<vmem>>
    %dma_wait3A_180 = arith.constant 0 : i32
    %dma_wait3A_181 = arith.constant 0 : i32
    %dma_wait3A_182 = tpu.memref_slice %arg3[%dma_wait3A_180, %dma_wait3A_181] : memref<65536x128xf32, #tpu.memory_space<hbm>> -> memref<64x128xf32, #tpu.memory_space<hbm>>
    %dma_wait3A_183 = arith.constant 0 : i32
    %dma_wait3A_184 = arith.constant 0 : i32
    %dma_wait3A_185 = tpu.memref_slice %arg6[%dma_wait3A_175, %dma_wait3A_183, %dma_wait3A_184] : memref<3x64x128xf32, #tpu.memory_space<vmem>> -> memref<1x64x128xf32, #tpu.memory_space<vmem>>
    %dma_wait3A_186 = tpu.memref_squeeze %dma_wait3A_185 : memref<1x64x128xf32, #tpu.memory_space<vmem>> -> memref<64x128xf32, #tpu.memory_space<vmem>>
    %dma_wait3A_187 = arith.constant 0 : i32
    %dma_wait3A_188 = arith.constant 0 : i32
    %dma_wait3A_189 = tpu.memref_slice %arg3[%dma_wait3A_187, %dma_wait3A_188] : memref<65536x128xf32, #tpu.memory_space<hbm>> -> memref<64x128xf32, #tpu.memory_space<hbm>>
    tpu.wait_dma2 semaphore(%arg22 : memref<!tpu.dma_semaphore, #tpu.memory_space<semaphore_mem>>) src(%dma_wait3A_189 : memref<64x128xf32, #tpu.memory_space<hbm>>) dst(%dma_wait3A_186 : memref<64x128xf32, #tpu.memory_space<vmem>>)
    %dma_wait3A_190 = arith.constant 0 : i32
    %dma_wait3A_191 = arith.constant 0 : i32
    %dma_wait3A_192 = arith.constant 0 : i32
    %dma_wait3A_193 = tpu.memref_slice %arg7[%dma_wait3A_190, %dma_wait3A_191, %dma_wait3A_192] : memref<3x64x128xf32, #tpu.memory_space<vmem>> -> memref<1x64x128xf32, #tpu.memory_space<vmem>>
    %dma_wait3A_194 = tpu.memref_squeeze %dma_wait3A_193 : memref<1x64x128xf32, #tpu.memory_space<vmem>> -> memref<64x128xf32, #tpu.memory_space<vmem>>
    %dma_wait3A_195 = arith.constant 0 : i32
    %dma_wait3A_196 = arith.constant 0 : i32
    %dma_wait3A_197 = tpu.memref_slice %arg3[%dma_wait3A_195, %dma_wait3A_196] : memref<65536x128xf32, #tpu.memory_space<hbm>> -> memref<64x128xf32, #tpu.memory_space<hbm>>
    %dma_wait3A_198 = arith.constant 0 : i32
    %dma_wait3A_199 = arith.constant 0 : i32
    %dma_wait3A_200 = tpu.memref_slice %arg7[%dma_wait3A_190, %dma_wait3A_198, %dma_wait3A_199] : memref<3x64x128xf32, #tpu.memory_space<vmem>> -> memref<1x64x128xf32, #tpu.memory_space<vmem>>
    %dma_wait3A_201 = tpu.memref_squeeze %dma_wait3A_200 : memref<1x64x128xf32, #tpu.memory_space<vmem>> -> memref<64x128xf32, #tpu.memory_space<vmem>>
    %dma_wait3A_202 = arith.constant 0 : i32
    %dma_wait3A_203 = arith.constant 0 : i32
    %dma_wait3A_204 = tpu.memref_slice %arg3[%dma_wait3A_202, %dma_wait3A_203] : memref<65536x128xf32, #tpu.memory_space<hbm>> -> memref<64x128xf32, #tpu.memory_space<hbm>>
    tpu.wait_dma2 semaphore(%arg27 : memref<!tpu.dma_semaphore, #tpu.memory_space<semaphore_mem>>) src(%dma_wait3A_204 : memref<64x128xf32, #tpu.memory_space<hbm>>) dst(%dma_wait3A_201 : memref<64x128xf32, #tpu.memory_space<vmem>>)
    %dma_wait3A_205 = arith.constant 0 : i32
    %dma_wait3A_206 = arith.constant 0 : i32
    %dma_wait3A_207 = arith.constant 0 : i32
    %dma_wait3A_208 = tpu.memref_slice %arg8[%dma_wait3A_205, %dma_wait3A_206, %dma_wait3A_207] : memref<3x64x128xf32, #tpu.memory_space<vmem>> -> memref<1x64x128xf32, #tpu.memory_space<vmem>>
    %dma_wait3A_209 = tpu.memref_squeeze %dma_wait3A_208 : memref<1x64x128xf32, #tpu.memory_space<vmem>> -> memref<64x128xf32, #tpu.memory_space<vmem>>
    %dma_wait3A_210 = arith.constant 0 : i32
    %dma_wait3A_211 = arith.constant 0 : i32
    %dma_wait3A_212 = tpu.memref_slice %arg3[%dma_wait3A_210, %dma_wait3A_211] : memref<65536x128xf32, #tpu.memory_space<hbm>> -> memref<64x128xf32, #tpu.memory_space<hbm>>
    %dma_wait3A_213 = arith.constant 0 : i32
    %dma_wait3A_214 = arith.constant 0 : i32
    %dma_wait3A_215 = tpu.memref_slice %arg8[%dma_wait3A_205, %dma_wait3A_213, %dma_wait3A_214] : memref<3x64x128xf32, #tpu.memory_space<vmem>> -> memref<1x64x128xf32, #tpu.memory_space<vmem>>
    %dma_wait3A_216 = tpu.memref_squeeze %dma_wait3A_215 : memref<1x64x128xf32, #tpu.memory_space<vmem>> -> memref<64x128xf32, #tpu.memory_space<vmem>>
    %dma_wait3A_217 = arith.constant 0 : i32
    %dma_wait3A_218 = arith.constant 0 : i32
    %dma_wait3A_219 = tpu.memref_slice %arg3[%dma_wait3A_217, %dma_wait3A_218] : memref<65536x128xf32, #tpu.memory_space<hbm>> -> memref<64x128xf32, #tpu.memory_space<hbm>>
    tpu.wait_dma2 semaphore(%arg28 : memref<!tpu.dma_semaphore, #tpu.memory_space<semaphore_mem>>) src(%dma_wait3A_219 : memref<64x128xf32, #tpu.memory_space<hbm>>) dst(%dma_wait3A_216 : memref<64x128xf32, #tpu.memory_space<vmem>>)
    return
  }
}

module attributes {stable_mosaic.version = 14 : i64} {
  func.func @_transpose_body(%arg0: i32, %arg1: memref<1x3x4096xf32, #tpu.memory_space<vmem>>, %arg2: memref<1x3x4096xf32, #tpu.memory_space<vmem>>, %arg3: memref<1x4096x3xf32, #tpu.memory_space<vmem>>, %arg4: memref<1x4096x3xf32, #tpu.memory_space<vmem>>) attributes {dimension_semantics = [#tpu.dimension_semantics<parallel>], iteration_bounds = array<i64: 16>, scalar_prefetch = 0 : i64, scratch_operands = 0 : i64, tpu.core_type = #tpu.core_type<tc>, window_params = [{transform_indices = @transform_0, window_bounds = array<i64: 1, 3, 4096>}, {transform_indices = @transform_1, window_bounds = array<i64: 1, 3, 4096>}, {transform_indices = @transform_2, window_bounds = array<i64: 1, 4096, 3>}, {transform_indices = @transform_3, window_bounds = array<i64: 1, 4096, 3>}]} {
    %get3A = arith.constant 0 : index
    %get3A_0 = arith.constant 0 : index
    %get3A_1 = arith.constant 0 : index
    %get3A_2 = vector.load %arg1[%get3A, %get3A_0, %get3A_1] : memref<1x3x4096xf32, #tpu.memory_space<vmem>>, vector<1x3x4096xf32>
    %get3A_3 = vector.shape_cast %get3A_2 : vector<1x3x4096xf32> to vector<3x4096xf32>
    %transpose3A = tpu.transpose %get3A_3, [1, 0] : vector<3x4096xf32> -> vector<4096x3xf32>
    %swap3A = arith.constant 0 : index
    %swap3A_4 = arith.constant 0 : index
    %swap3A_5 = arith.constant 0 : index
    %swap3A_6 = vector.load %arg3[%swap3A, %swap3A_4, %swap3A_5] : memref<1x4096x3xf32, #tpu.memory_space<vmem>>, vector<1x4096x3xf32>
    %swap3A_7 = vector.shape_cast %swap3A_6 : vector<1x4096x3xf32> to vector<4096x3xf32>
    %swap3A_8 = vector.shape_cast %transpose3A : vector<4096x3xf32> to vector<1x4096x3xf32>
    tpu.vector_store %arg3[%swap3A, %swap3A_4, %swap3A_5], %swap3A_8 {strides = array<i32>} : memref<1x4096x3xf32, #tpu.memory_space<vmem>>, vector<1x4096x3xf32>,
    %get3A_9 = arith.constant 0 : index
    %get3A_10 = arith.constant 0 : index
    %get3A_11 = arith.constant 0 : index
    %get3A_12 = vector.load %arg2[%get3A_9, %get3A_10, %get3A_11] : memref<1x3x4096xf32, #tpu.memory_space<vmem>>, vector<1x3x4096xf32>
    %get3A_13 = vector.shape_cast %get3A_12 : vector<1x3x4096xf32> to vector<3x4096xf32>
    %transpose3A_14 = tpu.transpose %get3A_13, [1, 0] : vector<3x4096xf32> -> vector<4096x3xf32>
    %mul3A = arith.constant -2.000000e+00 : f32
    %mul3A_15 = vector.broadcast %mul3A : f32 to vector<4096x3xf32>
    %mul3A_16 = arith.mulf %mul3A_15, %transpose3A_14 : vector<4096x3xf32>
    %swap3A_17 = arith.constant 0 : index
    %swap3A_18 = arith.constant 0 : index
    %swap3A_19 = arith.constant 0 : index
    %swap3A_20 = vector.load %arg4[%swap3A_17, %swap3A_18, %swap3A_19] : memref<1x4096x3xf32, #tpu.memory_space<vmem>>, vector<1x4096x3xf32>
    %swap3A_21 = vector.shape_cast %swap3A_20 : vector<1x4096x3xf32> to vector<4096x3xf32>
    %swap3A_22 = vector.shape_cast %mul3A_16 : vector<4096x3xf32> to vector<1x4096x3xf32>
    tpu.vector_store %arg4[%swap3A_17, %swap3A_18, %swap3A_19], %swap3A_22 {strides = array<i32>} : memref<1x4096x3xf32, #tpu.memory_space<vmem>>, vector<1x4096x3xf32>,
    return
  }
  func.func @transform_0(%arg0: i32) -> (i32, i32, i32) {
    %c0_i32 = arith.constant 0 : i32
    %c0_i32_0 = arith.constant 0 : i32
    %c0_i32_1 = arith.constant 0 : i32
    return %arg0, %c0_i32, %c0_i32_0 : i32, i32, i32
  }
  func.func @transform_1(%arg0: i32) -> (i32, i32, i32) {
    %c0_i32 = arith.constant 0 : i32
    %c0_i32_0 = arith.constant 0 : i32
    %c0_i32_1 = arith.constant 0 : i32
    return %arg0, %c0_i32, %c0_i32_0 : i32, i32, i32
  }
  func.func @transform_2(%arg0: i32) -> (i32, i32, i32) {
    %c0_i32 = arith.constant 0 : i32
    %c0_i32_0 = arith.constant 0 : i32
    %c0_i32_1 = arith.constant 0 : i32
    return %arg0, %c0_i32, %c0_i32_0 : i32, i32, i32
  }
  func.func @transform_3(%arg0: i32) -> (i32, i32, i32) {
    %c0_i32 = arith.constant 0 : i32
    %c0_i32_0 = arith.constant 0 : i32
    %c0_i32_1 = arith.constant 0 : i32
    return %arg0, %c0_i32, %c0_i32_0 : i32, i32, i32
  }
}

module attributes {stable_mosaic.version = 14 : i64} {
  func.func @_knn_body(%arg0: i32, %arg1: i32, %arg2: memref<1x512x3xf32, #tpu.memory_space<vmem>>, %arg3: memref<1x4096x3xf32, #tpu.memory_space<vmem>>, %arg4: memref<3x512xi32, #tpu.memory_space<vmem>>) attributes {dimension_semantics = [#tpu.dimension_semantics<parallel>, #tpu.dimension_semantics<parallel>], iteration_bounds = array<i64: 16, 8>, scalar_prefetch = 0 : i64, scratch_operands = 0 : i64, tpu.core_type = #tpu.core_type<tc>, window_params = [{transform_indices = @transform_0, window_bounds = array<i64: 1, 512, 3>}, {transform_indices = @transform_1, window_bounds = array<i64: 1, 4096, 3>}, {transform_indices = @transform_2, window_bounds = array<i64: 3, 512>}]} {
    %get3A = arith.constant 0 : index
    %get3A_0 = arith.constant 0 : index
    %get3A_1 = arith.constant 0 : index
    %get3A_2 = vector.load %arg2[%get3A, %get3A_0, %get3A_1] : memref<1x512x3xf32, #tpu.memory_space<vmem>>, vector<1x512x3xf32>
    %get3A_3 = vector.shape_cast %get3A_2 : vector<1x512x3xf32> to vector<512x3xf32>
    %get3A_4 = arith.constant 0 : index
    %get3A_5 = arith.constant 0 : index
    %get3A_6 = arith.constant 0 : index
    %get3A_7 = vector.load %arg3[%get3A_4, %get3A_5, %get3A_6] : memref<1x4096x3xf32, #tpu.memory_space<vmem>>, vector<1x4096x3xf32>
    %get3A_8 = vector.shape_cast %get3A_7 : vector<1x4096x3xf32> to vector<4096x3xf32>
    %dot_general3A = arith.constant dense<0.000000e+00> : vector<512x4096xf32>
    %dot_general3A_9 = tpu.matmul %get3A_3, %get3A_8, %dot_general3A {dimension_numbers = #tpu.dot_dimension_numbers<[1], [1], [0], [0], [0, 0, 1, 0], [], []>, transpose_lhs_hint = false} : vector<512x3xf32>, vector<4096x3xf32>, vector<512x4096xf32> -> vector<512x4096xf32>
    %mul3A = arith.mulf %get3A_8, %get3A_8 : vector<4096x3xf32>
    %reduce_sum3A = arith.constant dense<0.000000e+00> : vector<4096xf32>
    %reduce_sum3A_10 = vector.multi_reduction <add>, %mul3A, %reduce_sum3A [1] : vector<4096x3xf32> to vector<4096xf32>
    %broadcast_in_dim3A = vector.shape_cast %reduce_sum3A_10 : vector<4096xf32> to vector<1x4096xf32>
    %add3A = vector.broadcast %broadcast_in_dim3A : vector<1x4096xf32> to vector<512x4096xf32>
    %add3A_11 = arith.addf %dot_general3A_9, %add3A : vector<512x4096xf32>
    %iota3A = tpu.iota {dimensions = array<i32: 1>} : vector<512x4096xi32>
    %argmin3A = tpu.reduce_index %add3A_11 {axis = 1 : i32, kind = #tpu.reduction_kind<arg_min>} : vector<512x4096xf32> -> vector<512xi32>
    %broadcast_in_dim3A_12 = vector.shape_cast %argmin3A : vector<512xi32> to vector<512x1xi32>
    %eq3A = vector.broadcast %broadcast_in_dim3A_12 : vector<512x1xi32> to vector<512x4096xi32>
    %eq3A_13 = arith.cmpi eq, %iota3A, %eq3A : vector<512x4096xi32>
    %jit3A = arith.constant 0x7F800000 : f32
    %broadcast_in_dim3A_14 = vector.broadcast %jit3A : f32 to vector<512x4096xf32>
    %select_n3A = arith.select %eq3A_13, %broadcast_in_dim3A_14, %add3A_11 : vector<512x4096xi1>, vector<512x4096xf32>
    %argmin3A_15 = tpu.reduce_index %select_n3A {axis = 1 : i32, kind = #tpu.reduction_kind<arg_min>} : vector<512x4096xf32> -> vector<512xi32>
    %broadcast_in_dim3A_16 = vector.shape_cast %argmin3A_15 : vector<512xi32> to vector<512x1xi32>
    %eq3A_17 = vector.broadcast %broadcast_in_dim3A_16 : vector<512x1xi32> to vector<512x4096xi32>
    %eq3A_18 = arith.cmpi eq, %iota3A, %eq3A_17 : vector<512x4096xi32>
    %jit3A_19 = arith.constant 0x7F800000 : f32
    %broadcast_in_dim3A_20 = vector.broadcast %jit3A_19 : f32 to vector<512x4096xf32>
    %select_n3A_21 = arith.select %eq3A_18, %broadcast_in_dim3A_20, %select_n3A : vector<512x4096xi1>, vector<512x4096xf32>
    %argmin3A_22 = tpu.reduce_index %select_n3A_21 {axis = 1 : i32, kind = #tpu.reduction_kind<arg_min>} : vector<512x4096xf32> -> vector<512xi32>
    %stack3A = vector.shape_cast %argmin3A : vector<512xi32> to vector<1x512xi32>
    %stack3A_23 = vector.shape_cast %argmin3A_15 : vector<512xi32> to vector<1x512xi32>
    %stack3A_24 = vector.shape_cast %argmin3A_22 : vector<512xi32> to vector<1x512xi32>
    %stack3A_25 = tpu.concatenate %stack3A, %stack3A_23, %stack3A_24 in 0 : vector<1x512xi32>, vector<1x512xi32>, vector<1x512xi32> -> vector<3x512xi32>
    %mul3A_26 = arith.constant 4096 : i32
    %mul3A_27 = arith.muli %arg0, %mul3A_26 : i32
    %add3A_28 = vector.broadcast %mul3A_27 : i32 to vector<3x512xi32>
    %add3A_29 = arith.addi %stack3A_25, %add3A_28 : vector<3x512xi32>
    %swap3A = arith.constant 0 : index
    %swap3A_30 = arith.constant 0 : index
    %swap3A_31 = vector.load %arg4[%swap3A, %swap3A_30] : memref<3x512xi32, #tpu.memory_space<vmem>>, vector<3x512xi32>
    tpu.vector_store %arg4[%swap3A, %swap3A_30], %add3A_29 {strides = array<i32>} : memref<3x512xi32, #tpu.memory_space<vmem>>, vector<3x512xi32>,
    return
  }
  func.func @transform_0(%arg0: i32, %arg1: i32) -> (i32, i32, i32) {
    %c0_i32 = arith.constant 0 : i32
    %c0_i32_0 = arith.constant 0 : i32
    return %arg0, %arg1, %c0_i32 : i32, i32, i32
  }
  func.func @transform_1(%arg0: i32, %arg1: i32) -> (i32, i32, i32) {
    %c0_i32 = arith.constant 0 : i32
    %c0_i32_0 = arith.constant 0 : i32
    %c0_i32_1 = arith.constant 0 : i32
    return %arg0, %c0_i32, %c0_i32_0 : i32, i32, i32
  }
  func.func @transform_2(%arg0: i32, %arg1: i32) -> (i32, i32) {
    %mul3A = arith.constant 8 : i32
    %mul3A_0 = arith.muli %arg0, %mul3A : i32
    %add3A = arith.addi %mul3A_0, %arg1 : i32
    %c0_i32 = arith.constant 0 : i32
    %c0_i32_1 = arith.constant 0 : i32
    return %c0_i32, %add3A : i32, i32
  }
}

module attributes {stable_mosaic.version = 14 : i64} {
  func.func @_mlp_body(%arg0: i32, %arg1: i32, %arg2: memref<512x3xf32, #tpu.memory_space<vmem>>, %arg3: memref<3x64xf32, #tpu.memory_space<vmem>>, %arg4: memref<1x64xf32, #tpu.memory_space<vmem>>, %arg5: memref<64x128xf32, #tpu.memory_space<vmem>>, %arg6: memref<1x128xf32, #tpu.memory_space<vmem>>, %arg7: memref<128x256xf32, #tpu.memory_space<vmem>>, %arg8: memref<1x256xf32, #tpu.memory_space<vmem>>, %arg9: memref<256x512xf32, #tpu.memory_space<vmem>>, %arg10: memref<1x512xf32, #tpu.memory_space<vmem>>, %arg11: memref<512x128xf32, #tpu.memory_space<vmem>>, %arg12: memref<1x1x512xf32, #tpu.memory_space<vmem>>) attributes {dimension_semantics = [#tpu.dimension_semantics<parallel>, #tpu.dimension_semantics<arbitrary>], iteration_bounds = array<i64: 16, 8>, scalar_prefetch = 0 : i64, scratch_operands = 0 : i64, tpu.core_type = #tpu.core_type<tc>, window_params = [{transform_indices = @transform_0, window_bounds = array<i64: 512, 3>}, {pipeline_mode = #tpu.pipeline_mode<synchronous>, transform_indices = @transform_1, window_bounds = array<i64: 3, 64>}, {pipeline_mode = #tpu.pipeline_mode<synchronous>, transform_indices = @transform_2, window_bounds = array<i64: 1, 64>}, {pipeline_mode = #tpu.pipeline_mode<synchronous>, transform_indices = @transform_3, window_bounds = array<i64: 64, 128>}, {pipeline_mode = #tpu.pipeline_mode<synchronous>, transform_indices = @transform_4, window_bounds = array<i64: 1, 128>}, {pipeline_mode = #tpu.pipeline_mode<synchronous>, transform_indices = @transform_5, window_bounds = array<i64: 128, 256>}, {pipeline_mode = #tpu.pipeline_mode<synchronous>, transform_indices = @transform_6, window_bounds = array<i64: 1, 256>}, {pipeline_mode = #tpu.pipeline_mode<synchronous>, transform_indices = @transform_7, window_bounds = array<i64: 256, 512>}, {pipeline_mode = #tpu.pipeline_mode<synchronous>, transform_indices = @transform_8, window_bounds = array<i64: 1, 512>}, {transform_indices = @transform_9, window_bounds = array<i64: 512, 128>}, {transform_indices = @transform_10, window_bounds = array<i64: 1, 1, 512>}]} {
    %get3A = arith.constant 0 : index
    %get3A_0 = arith.constant 0 : index
    %get3A_1 = vector.load %arg2[%get3A, %get3A_0] : memref<512x3xf32, #tpu.memory_space<vmem>>, vector<512x3xf32>
    %get3A_2 = arith.constant 0 : index
    %get3A_3 = arith.constant 0 : index
    %get3A_4 = vector.load %arg3[%get3A_2, %get3A_3] : memref<3x64xf32, #tpu.memory_space<vmem>>, vector<3x64xf32>
    %dot_general3A = arith.constant dense<0.000000e+00> : vector<512x64xf32>
    %dot_general3A_5 = tpu.matmul %get3A_1, %get3A_4, %dot_general3A {dimension_numbers = #tpu.dot_dimension_numbers<[1], [0], [0], [1], [0, 0, 1, 1], [], []>, transpose_lhs_hint = false} : vector<512x3xf32>, vector<3x64xf32>, vector<512x64xf32> -> vector<512x64xf32>
    %get3A_6 = arith.constant 0 : index
    %get3A_7 = arith.constant 0 : index
    %get3A_8 = vector.load %arg4[%get3A_6, %get3A_7] : memref<1x64xf32, #tpu.memory_space<vmem>>, vector<1x64xf32>
    %add3A = vector.broadcast %get3A_8 : vector<1x64xf32> to vector<512x64xf32>
    %add3A_9 = arith.addf %dot_general3A_5, %add3A : vector<512x64xf32>
    %max3A = arith.constant 0.000000e+00 : f32
    %max3A_10 = vector.broadcast %max3A : f32 to vector<512x64xf32>
    %max3A_11 = arith.maximumf %add3A_9, %max3A_10 : vector<512x64xf32>
    %get3A_12 = arith.constant 0 : index
    %get3A_13 = arith.constant 0 : index
    %get3A_14 = vector.load %arg5[%get3A_12, %get3A_13] : memref<64x128xf32, #tpu.memory_space<vmem>>, vector<64x128xf32>
    %dot_general3A_15 = arith.constant dense<0.000000e+00> : vector<512x128xf32>
    %dot_general3A_16 = tpu.matmul %max3A_11, %get3A_14, %dot_general3A_15 {dimension_numbers = #tpu.dot_dimension_numbers<[1], [0], [0], [1], [0, 0, 1, 1], [], []>, transpose_lhs_hint = false} : vector<512x64xf32>, vector<64x128xf32>, vector<512x128xf32> -> vector<512x128xf32>
    %get3A_17 = arith.constant 0 : index
    %get3A_18 = arith.constant 0 : index
    %get3A_19 = vector.load %arg6[%get3A_17, %get3A_18] : memref<1x128xf32, #tpu.memory_space<vmem>>, vector<1x128xf32>
    %add3A_20 = vector.broadcast %get3A_19 : vector<1x128xf32> to vector<512x128xf32>
    %add3A_21 = arith.addf %dot_general3A_16, %add3A_20 : vector<512x128xf32>
    %max3A_22 = arith.constant 0.000000e+00 : f32
    %max3A_23 = vector.broadcast %max3A_22 : f32 to vector<512x128xf32>
    %max3A_24 = arith.maximumf %add3A_21, %max3A_23 : vector<512x128xf32>
    %swap3A = arith.constant 0 : index
    %swap3A_25 = arith.constant 0 : index
    %swap3A_26 = vector.load %arg11[%swap3A, %swap3A_25] : memref<512x128xf32, #tpu.memory_space<vmem>>, vector<512x128xf32>
    tpu.vector_store %arg11[%swap3A, %swap3A_25], %max3A_24 {strides = array<i32>} : memref<512x128xf32, #tpu.memory_space<vmem>>, vector<512x128xf32>,
    %get3A_27 = arith.constant 0 : index
    %get3A_28 = arith.constant 0 : index
    %get3A_29 = vector.load %arg7[%get3A_27, %get3A_28] : memref<128x256xf32, #tpu.memory_space<vmem>>, vector<128x256xf32>
    %dot_general3A_30 = arith.constant dense<0.000000e+00> : vector<512x256xf32>
    %dot_general3A_31 = tpu.matmul %max3A_24, %get3A_29, %dot_general3A_30 {dimension_numbers = #tpu.dot_dimension_numbers<[1], [0], [0], [1], [0, 0, 1, 1], [], []>, transpose_lhs_hint = false} : vector<512x128xf32>, vector<128x256xf32>, vector<512x256xf32> -> vector<512x256xf32>
    %get3A_32 = arith.constant 0 : index
    %get3A_33 = arith.constant 0 : index
    %get3A_34 = vector.load %arg8[%get3A_32, %get3A_33] : memref<1x256xf32, #tpu.memory_space<vmem>>, vector<1x256xf32>
    %add3A_35 = vector.broadcast %get3A_34 : vector<1x256xf32> to vector<512x256xf32>
    %add3A_36 = arith.addf %dot_general3A_31, %add3A_35 : vector<512x256xf32>
    %max3A_37 = arith.constant 0.000000e+00 : f32
    %max3A_38 = vector.broadcast %max3A_37 : f32 to vector<512x256xf32>
    %max3A_39 = arith.maximumf %add3A_36, %max3A_38 : vector<512x256xf32>
    %get3A_40 = arith.constant 0 : index
    %get3A_41 = arith.constant 0 : index
    %get3A_42 = vector.load %arg9[%get3A_40, %get3A_41] : memref<256x512xf32, #tpu.memory_space<vmem>>, vector<256x512xf32>
    %dot_general3A_43 = arith.constant dense<0.000000e+00> : vector<512x512xf32>
    %dot_general3A_44 = tpu.matmul %max3A_39, %get3A_42, %dot_general3A_43 {dimension_numbers = #tpu.dot_dimension_numbers<[1], [0], [0], [1], [0, 0, 1, 1], [], []>, transpose_lhs_hint = false} : vector<512x256xf32>, vector<256x512xf32>, vector<512x512xf32> -> vector<512x512xf32>
    %get3A_45 = arith.constant 0 : index
    %get3A_46 = arith.constant 0 : index
    %get3A_47 = vector.load %arg10[%get3A_45, %get3A_46] : memref<1x512xf32, #tpu.memory_space<vmem>>, vector<1x512xf32>
    %add3A_48 = vector.broadcast %get3A_47 : vector<1x512xf32> to vector<512x512xf32>
    %add3A_49 = arith.addf %dot_general3A_44, %add3A_48 : vector<512x512xf32>
    %reduce_max3A = arith.constant dense<0xFF800000> : vector<512xf32>
    %reduce_max3A_50 = vector.multi_reduction <maximumf>, %add3A_49, %reduce_max3A [0] : vector<512x512xf32> to vector<512xf32>
    %broadcast_in_dim3A = vector.shape_cast %reduce_max3A_50 : vector<512xf32> to vector<1x512xf32>
    %broadcast_in_dim3A_51 = vector.shape_cast %broadcast_in_dim3A : vector<1x512xf32> to vector<1x1x512xf32>
    %eq3A = arith.constant 0 : i32
    %eq3A_52 = arith.cmpi eq, %arg1, %eq3A : i32
    %convert_element_type3A = arith.extui %eq3A_52 : i1 to i32
    %cond3A = arith.constant 0 : i32
    %cond3A_53 = arith.cmpi ne, %convert_element_type3A, %cond3A : i32
    scf.if %cond3A_53 {
      %swap3A_58 = arith.constant 0 : index
      %swap3A_59 = arith.constant 0 : index
      %swap3A_60 = arith.constant 0 : index
      %swap3A_61 = vector.load %arg12[%swap3A_58, %swap3A_59, %swap3A_60] : memref<1x1x512xf32, #tpu.memory_space<vmem>>, vector<1x1x512xf32>
      tpu.vector_store %arg12[%swap3A_58, %swap3A_59, %swap3A_60], %broadcast_in_dim3A_51 {strides = array<i32>} : memref<1x1x512xf32, #tpu.memory_space<vmem>>, vector<1x1x512xf32>,
    } else {
    }
    %ne3A = arith.constant 0 : i32
    %ne3A_54 = arith.cmpi ne, %arg1, %ne3A : i32
    %convert_element_type3A_55 = arith.extui %ne3A_54 : i1 to i32
    %cond3A_56 = arith.constant 0 : i32
    %cond3A_57 = arith.cmpi ne, %convert_element_type3A_55, %cond3A_56 : i32
    scf.if %cond3A_57 {
      %get3A_58 = arith.constant 0 : index
      %get3A_59 = arith.constant 0 : index
      %get3A_60 = arith.constant 0 : index
      %get3A_61 = vector.load %arg12[%get3A_58, %get3A_59, %get3A_60] : memref<1x1x512xf32, #tpu.memory_space<vmem>>, vector<1x1x512xf32>
      %max3A_62 = arith.maximumf %get3A_61, %broadcast_in_dim3A_51 : vector<1x1x512xf32>
      %swap3A_63 = arith.constant 0 : index
      %swap3A_64 = arith.constant 0 : index
      %swap3A_65 = arith.constant 0 : index
      %swap3A_66 = vector.load %arg12[%swap3A_63, %swap3A_64, %swap3A_65] : memref<1x1x512xf32, #tpu.memory_space<vmem>>, vector<1x1x512xf32>
      tpu.vector_store %arg12[%swap3A_63, %swap3A_64, %swap3A_65], %max3A_62 {strides = array<i32>} : memref<1x1x512xf32, #tpu.memory_space<vmem>>, vector<1x1x512xf32>,
    } else {
    }
    return
  }
  func.func @transform_0(%arg0: i32, %arg1: i32) -> (i32, i32) {
    %mul3A = arith.constant 8 : i32
    %mul3A_0 = arith.muli %arg0, %mul3A : i32
    %add3A = arith.addi %mul3A_0, %arg1 : i32
    %c0_i32 = arith.constant 0 : i32
    %c0_i32_1 = arith.constant 0 : i32
    return %add3A, %c0_i32 : i32, i32
  }
  func.func @transform_1(%arg0: i32, %arg1: i32) -> (i32, i32) {
    %c0_i32 = arith.constant 0 : i32
    %c0_i32_0 = arith.constant 0 : i32
    %c0_i32_1 = arith.constant 0 : i32
    return %c0_i32, %c0_i32_0 : i32, i32
  }
  func.func @transform_2(%arg0: i32, %arg1: i32) -> (i32, i32) {
    %c0_i32 = arith.constant 0 : i32
    %c0_i32_0 = arith.constant 0 : i32
    %c0_i32_1 = arith.constant 0 : i32
    return %c0_i32, %c0_i32_0 : i32, i32
  }
  func.func @transform_3(%arg0: i32, %arg1: i32) -> (i32, i32) {
    %c0_i32 = arith.constant 0 : i32
    %c0_i32_0 = arith.constant 0 : i32
    %c0_i32_1 = arith.constant 0 : i32
    return %c0_i32, %c0_i32_0 : i32, i32
  }
  func.func @transform_4(%arg0: i32, %arg1: i32) -> (i32, i32) {
    %c0_i32 = arith.constant 0 : i32
    %c0_i32_0 = arith.constant 0 : i32
    %c0_i32_1 = arith.constant 0 : i32
    return %c0_i32, %c0_i32_0 : i32, i32
  }
  func.func @transform_5(%arg0: i32, %arg1: i32) -> (i32, i32) {
    %c0_i32 = arith.constant 0 : i32
    %c0_i32_0 = arith.constant 0 : i32
    %c0_i32_1 = arith.constant 0 : i32
    return %c0_i32, %c0_i32_0 : i32, i32
  }
  func.func @transform_6(%arg0: i32, %arg1: i32) -> (i32, i32) {
    %c0_i32 = arith.constant 0 : i32
    %c0_i32_0 = arith.constant 0 : i32
    %c0_i32_1 = arith.constant 0 : i32
    return %c0_i32, %c0_i32_0 : i32, i32
  }
  func.func @transform_7(%arg0: i32, %arg1: i32) -> (i32, i32) {
    %c0_i32 = arith.constant 0 : i32
    %c0_i32_0 = arith.constant 0 : i32
    %c0_i32_1 = arith.constant 0 : i32
    return %c0_i32, %c0_i32_0 : i32, i32
  }
  func.func @transform_8(%arg0: i32, %arg1: i32) -> (i32, i32) {
    %c0_i32 = arith.constant 0 : i32
    %c0_i32_0 = arith.constant 0 : i32
    %c0_i32_1 = arith.constant 0 : i32
    return %c0_i32, %c0_i32_0 : i32, i32
  }
  func.func @transform_9(%arg0: i32, %arg1: i32) -> (i32, i32) {
    %mul3A = arith.constant 8 : i32
    %mul3A_0 = arith.muli %arg0, %mul3A : i32
    %add3A = arith.addi %mul3A_0, %arg1 : i32
    %c0_i32 = arith.constant 0 : i32
    %c0_i32_1 = arith.constant 0 : i32
    return %add3A, %c0_i32 : i32, i32
  }
  func.func @transform_10(%arg0: i32, %arg1: i32) -> (i32, i32, i32) {
    %c0_i32 = arith.constant 0 : i32
    %c0_i32_0 = arith.constant 0 : i32
    %c0_i32_1 = arith.constant 0 : i32
    return %arg0, %c0_i32, %c0_i32_0 : i32, i32, i32
  }
}

module attributes {stable_mosaic.version = 14 : i64} {
  func.func @_assemble_body(%arg0: i32, %arg1: i32, %arg2: memref<1x512x1xf32, #tpu.memory_space<vmem>>, %arg3: memref<512x128xf32, #tpu.memory_space<vmem>>, %arg4: memref<1x640x512xf32, #tpu.memory_space<vmem>>) attributes {dimension_semantics = [#tpu.dimension_semantics<parallel>, #tpu.dimension_semantics<parallel>], iteration_bounds = array<i64: 16, 8>, scalar_prefetch = 0 : i64, scratch_operands = 0 : i64, tpu.core_type = #tpu.core_type<tc>, window_params = [{transform_indices = @transform_0, window_bounds = array<i64: 1, 512, 1>}, {transform_indices = @transform_1, window_bounds = array<i64: 512, 128>}, {transform_indices = @transform_2, window_bounds = array<i64: 1, 640, 512>}]} {
    %get3A = arith.constant 0 : index
    %get3A_0 = arith.constant 0 : index
    %get3A_1 = arith.constant 0 : index
    %get3A_2 = vector.load %arg2[%get3A, %get3A_0, %get3A_1] : memref<1x512x1xf32, #tpu.memory_space<vmem>>, vector<1x512x1xf32>
    %get3A_3 = vector.shape_cast %get3A_2 : vector<1x512x1xf32> to vector<512x1xf32>
    %broadcast_in_dim3A = vector.shape_cast %get3A_3 : vector<512x1xf32> to vector<512x1xf32>
    %broadcast_in_dim3A_4 = vector.broadcast %broadcast_in_dim3A : vector<512x1xf32> to vector<512x512xf32>
    %swap3A = arith.constant 0 : index
    %swap3A_5 = arith.constant 0 : index
    %swap3A_6 = arith.constant 0 : index
    %swap3A_7 = vector.load %arg4[%swap3A, %swap3A_5, %swap3A_6] : memref<1x640x512xf32, #tpu.memory_space<vmem>>, vector<1x512x512xf32>
    %swap3A_8 = vector.shape_cast %swap3A_7 : vector<1x512x512xf32> to vector<512x512xf32>
    %swap3A_9 = vector.shape_cast %broadcast_in_dim3A_4 : vector<512x512xf32> to vector<1x512x512xf32>
    tpu.vector_store %arg4[%swap3A, %swap3A_5, %swap3A_6], %swap3A_9 {strides = array<i32>} : memref<1x640x512xf32, #tpu.memory_space<vmem>>, vector<1x512x512xf32>,
    %get3A_10 = arith.constant 0 : index
    %get3A_11 = arith.constant 0 : index
    %get3A_12 = vector.load %arg3[%get3A_10, %get3A_11] : memref<512x128xf32, #tpu.memory_space<vmem>>, vector<512x128xf32>
    %transpose3A = tpu.transpose %get3A_12, [1, 0] : vector<512x128xf32> -> vector<128x512xf32>
    %swap3A_13 = arith.constant 0 : index
    %swap3A_14 = arith.constant 512 : index
    %swap3A_15 = arith.constant 0 : index
    %swap3A_16 = vector.load %arg4[%swap3A_13, %swap3A_14, %swap3A_15] : memref<1x640x512xf32, #tpu.memory_space<vmem>>, vector<1x128x512xf32>
    %swap3A_17 = vector.shape_cast %swap3A_16 : vector<1x128x512xf32> to vector<128x512xf32>
    %swap3A_18 = vector.shape_cast %transpose3A : vector<128x512xf32> to vector<1x128x512xf32>
    tpu.vector_store %arg4[%swap3A_13, %swap3A_14, %swap3A_15], %swap3A_18 {strides = array<i32>} : memref<1x640x512xf32, #tpu.memory_space<vmem>>, vector<1x128x512xf32>,
    return
  }
  func.func @transform_0(%arg0: i32, %arg1: i32) -> (i32, i32, i32) {
    %c0_i32 = arith.constant 0 : i32
    %c0_i32_0 = arith.constant 0 : i32
    %c0_i32_1 = arith.constant 0 : i32
    return %arg0, %c0_i32, %c0_i32_0 : i32, i32, i32
  }
  func.func @transform_1(%arg0: i32, %arg1: i32) -> (i32, i32) {
    %mul3A = arith.constant 8 : i32
    %mul3A_0 = arith.muli %arg0, %mul3A : i32
    %add3A = arith.addi %mul3A_0, %arg1 : i32
    %c0_i32 = arith.constant 0 : i32
    %c0_i32_1 = arith.constant 0 : i32
    return %add3A, %c0_i32 : i32, i32
  }
  func.func @transform_2(%arg0: i32, %arg1: i32) -> (i32, i32, i32) {
    %c0_i32 = arith.constant 0 : i32
    %c0_i32_0 = arith.constant 0 : i32
    return %arg0, %c0_i32, %arg1 : i32, i32, i32
  }
}

</mosaic_0001>

<sc_bundles>
// kernel: kernel.7.cloned.1.call-start
scs
__scs_entry_jumppad:
0x0: {  	(pc) =	sbr.rel $0x88, $3  }
0x1: {  	(tag) =	ssettag $0x0;
	lr =	simm.s32 $0x1  }
0x2: {  	[smem:$0x3F96] =	sst lr;
	_ =	strace $0xD0000000  }
0x3: {  	_ = 	snop  }
0x4: {  	_ = 	snop  }
0x5: {  	_ = 	snop  }
0x6: {  	_ = 	snop  }
0x7: {  	_ = 	snop  }
__scs_overlays_trampoline_lowered:
0x8: {  	[smem:$0x3FA5] =	sst s0  }
0x9: {  	[smem:$0x3FA6] =	sst s1  }
0xa: {  	[smem:$0x3FA7] =	sst s2  }
0xb: {  	[smem:$0x3FA8] =	sst s3  }
0xc: {  	[smem:$0x3FA9] =	sst s4  }
0xd: {  	[smem:$0x3FAA] =	sst s5  }
0xe: {  	[smem:$0x3FAB] =	sst s6  }
0xf: {  	[smem:$0x3FAC] =	sst s7  }
0x10: {  	[smem:$0x3FAD] =	sst s8  }
0x11: {  	[smem:$0x3FAE] =	sst s9;
	s0 =	simm.s32 @!p0 $0x0  }
0x12: {  	s1 =	sld [smem:$0x3F94];
	s0 =	simm.s32 @p0 $0x1  }
0x13: {  	[smem:$0x3FAF] =	sst s0;
	s0 =	simm.s32 @!p1 $0x0  }
0x14: {  	s2 =	sld [smem:$0x3F93];
	s0 =	simm.s32 @p1 $0x1  }
0x15: {  	[smem:$0x3FB0] =	sst s0;
	s0 =	simm.s32 @!p2 $0x0  }
0x16: {  	s3 =	sld [smem:$0x3FDB];
	s0 =	simm.s32 @p2 $0x1  }
0x17: {  	s4 =	simm.s32 $0x1BF5;
	[smem:$0x3FB2] =	sst s0  }
0x18: {  	s0 =	sld [smem:$0x3F95];
	_ =	swait.ge [sflag:s4], $0x0  }
0x19: {  	s7 =	sld [smem:$0x3F96]  }
0x1a: {  	s8 =	sadd.s32 $0xFFFFE003, lr  }
0x1b: {  	s9 =	sadd.s32 $0xFFFFFEF7, lr;
	s5 =	simm.s32 $0xFFFFFFFF;
	p2 =	slt.u32 s8, $0xFFFFF086  }
0x1c: {  	p1 =	slt.u32 s9, $0xF7A;
	s5 =	simm.s32 @!p2 $0x0  }
0x1d: {  	s5 =	simm.s32 @p1 $0x1;
	p0 =	seq.s32 s7, s2  }
0x1e: {  	s7 =	smul.u32 @!p0 $0xF7A, s2;
	p2 =	seq.s32 @!p0 s5, $0x0  }
0x1f: {  	s9 =	smul.u32 $0xF7A, s1;
	s8 =	simm.s32 @!p0 $0x1BF5;
	p2 =	por !p2, p0  }
0x20: {  	[sflag:s8] =	ssyncset.s32 @!p0 $0xFFFFF086;
	s6 =	sadd.s32 @!p0 s3, s7;
	s7 =	simm.s32 @!p0 $0x108  }
0x21: {  	s3 =	sadd.s32 s3, s9;
	s6 =	sadd.s32 @!p0 $0x88, s6;
	s7 =	simm.s32 @p2 $0x1082  }
0x22: {  	[simem:s7], [sflag:s8] =	dma.local @!p0 [hbm:s6], $0xF7A  }
0x23: {  	s9 =	sor.u32 $0xD0000000, s2;
	s6 =	simm.s32 $0x108;
	_ =	swait.ge @!p0 [sflag:s8], $0x0  }
0x24: {  	s3 =	sadd.s32 $0x88, s3;
	s6 =	simm.s32 @!p1 $0x1082;
	[sflag:s4] =	ssyncset.s32 $0xFFFFF086  }
0x25: {  	[simem:s6], [sflag:s4] =	dma.local [hbm:s3], $0xF7A  }
0x26: {  	[smem:$0x3F96] =	sst s1;
	(tag) =	ssettag s2;
	_ =	strace s9  }
0x27: {  	s1 =	sld [smem:$0x3FA6]  }
0x28: {  	s2 =	sld [smem:$0x3FA7]  }
0x29: {  	s4 =	sld [smem:$0x3FA9]  }
0x2a: {  	p0 =	seq.s32 s5, $0x0;
	s5 =	sld [smem:$0x3FAA]  }
0x2b: {  	s6 =	sld [smem:$0x3FAB]  }
0x2c: {  	s7 =	sld [smem:$0x3FAC]  }
0x2d: {  	s3 =	simm.s32 $0x108;
	s8 =	sld [smem:$0x3FAD]  }
0x2e: {  	s3 =	simm.s32 @!p0 $0x1082;
	s9 =	sld [smem:$0x3FAE]  }
0x2f: {  	lr =	sadd.s32 s0, s3;
	s0 =	sld [smem:$0x3FA5]  }
0x30: {  	s3 =	sld [smem:$0x3FA8]  }
0x31: {  	[smem:$0x3FB1] =	sst s10  }
0x32: {  	s10 =	sld [smem:$0x3FAF];
	_ =	sdelay $0x3  }
0x33: {  	p0 =	seq.s32 s10, $0x1;
	s10 =	sld [smem:$0x3FB1];
	_ =	sdelay $0x3  }
0x34: {  	[smem:$0x3FB1] =	sst s10  }
0x35: {  	s10 =	sld [smem:$0x3FB0];
	_ =	sdelay $0x3  }
0x36: {  	p1 =	seq.s32 s10, $0x1;
	s10 =	sld [smem:$0x3FB1];
	_ =	sdelay $0x3  }
0x37: {  	[smem:$0x3FB1] =	sst s10  }
0x38: {  	s10 =	sld [smem:$0x3FB2]  }
0x39: {  	_ = 	snop;
	(pc) =	sbr.ind lr, $3  }
0x3a: {  	_ = 	snop  }
0x3b: {  	_ = 	snop  }
0x3c: {  	p2 =	seq.s32 s10, $0x1;
	s10 =	sld [smem:$0x3FB1]  }
0x3d: {  	_ =	shalt  }
0x3e: {  	_ =	shalt  }
0x3f: {  	_ =	shalt  }
0x40: {  	_ =	shalt  }
0x41: {  	_ =	shalt  }
0x42: {  	_ =	shalt  }
0x43: {  	_ =	shalt  }
0x44: {  	_ =	shalt  }
0x45: {  	_ =	shalt  }
0x46: {  	_ =	shalt  }
0x47: {  	_ =	shalt  }
0x48: {  	_ =	shalt  }
0x49: {  	_ =	shalt  }
0x4a: {  	_ =	shalt  }
0x4b: {  	_ =	shalt  }
0x4c: {  	_ =	shalt  }
0x4d: {  	_ =	shalt  }
0x4e: {  	_ =	shalt  }
0x4f: {  	_ =	shalt  }
0x50: {  	_ =	shalt  }
0x51: {  	_ =	shalt  }
0x52: {  	_ =	shalt  }
0x53: {  	_ =	shalt  }
0x54: {  	_ =	shalt  }
0x55: {  	_ =	shalt  }
0x56: {  	_ =	shalt  }
0x57: {  	_ =	shalt  }
0x58: {  	_ =	shalt  }
0x59: {  	_ =	shalt  }
0x5a: {  	_ =	shalt  }
0x5b: {  	_ =	shalt  }
0x5c: {  	_ =	shalt  }
0x5d: {  	_ =	shalt  }
0x5e: {  	_ =	shalt  }
0x5f: {  	_ =	shalt  }
0x60: {  	_ =	shalt  }
0x61: {  	_ =	shalt  }
0x62: {  	_ =	shalt  }
0x63: {  	_ =	shalt  }
0x64: {  	_ =	shalt  }
0x65: {  	_ =	shalt  }
0x66: {  	_ =	shalt  }
0x67: {  	_ =	shalt  }
0x68: {  	_ =	shalt  }
0x69: {  	_ =	shalt  }
0x6a: {  	_ =	shalt  }
0x6b: {  	_ =	shalt  }
0x6c: {  	_ =	shalt  }
0x6d: {  	_ =	shalt  }
0x6e: {  	_ =	shalt  }
0x6f: {  	_ =	shalt  }
0x70: {  	_ =	shalt  }
0x71: {  	_ =	shalt  }
0x72: {  	_ =	shalt  }
0x73: {  	_ =	shalt  }
0x74: {  	_ =	shalt  }
0x75: {  	_ =	shalt  }
0x76: {  	_ =	shalt  }
0x77: {  	_ =	shalt  }
0x78: {  	_ =	shalt  }
0x79: {  	_ =	shalt  }
0x7a: {  	_ =	shalt  }
0x7b: {  	_ =	shalt  }
0x7c: {  	_ =	shalt  }
0x7d: {  	_ =	shalt  }
0x7e: {  	_ =	shalt  }
0x7f: {  	_ =	shalt  }
0x80: {  	_ =	shalt  }
0x81: {  	_ =	shalt  }
0x82: {  	_ =	shalt  }
0x83: {  	_ =	shalt  }
0x84: {  	_ =	shalt  }
0x85: {  	_ =	shalt  }
0x86: {  	_ =	shalt  }
0x87: {  	_ =	shalt  }
.Lfunc_end0:
.L_simem_size_0:
called_computation_lowered:
.L_overlay_start_0:
0x88: {  	s2 =	sld [smem:$0x3FD9]  }
0x89: {  	s3 =	sld [smem:$0x3FFE];
	_ =	sdelay $0x1  }
0x8a: {  	s1 =	srdreg.scid  }
0x8b: {  	s0 =	sand.u32 $0x1, s1  }
0x8c: {  	s16 =	sshll.u32 s0, $0xA;
	s2 =	sadd.s32 s3, s2  }
0x8d: {  	s2 =	sadd.s32 s2, s16  }
0x8e: {  	[smem:$0x3FBD] =	sst s2  }
0x8f: {  	_ = 	snop  }
0x90: {  	(tm) =	ssettm $0x1  }
0x91: {  	s17 =	sld [smem:$0x3FFB];
	_ =	sdelay $0x3  }
0x92: {  	_ =	strace s17  }
0x93: {  	s2 =	sld [smem:$0x3FFC];
	_ =	sdelay $0x3  }
0x94: {  	_ =	strace s2  }
0x95: {  	s2 =	sld [smem:$0x3FFD];
	_ =	sdelay $0x3  }
0x96: {  	_ =	strace s2  }
0x97: {  	_ =	strace $0x8FFFFFFF  }
0x98: {  	s18 =	sld [smem:$0x3FDB];
	_ =	sdelay $0x1  }
0x99: {  	s19 =	simm.s32 $_scs_section_size  }
0x9a: {  	s4 =	simm.s32 $_size__tile_overlayer_lowered;
	s5 =	simm.s32 $_tile_overlayer_lowered  }
0x9b: {  	s22 =	simm.s32 $0x1BFF;
	s21 =	sshll.u32 s5, $0x1;
	s2 =	sadd.s32 s19, s18  }
0x9c: {  	s6 =	simm.s32 $0x0;
	s20 =	sshll.u32 s4, $0x1;
	s4 =	sadd.s32 s21, s2  }
0x9d: {  	[timem:s6], [sflag:s22] =	dma.local [hbm:s4], s20  }
0x9e: {  	_ =	swait.ge [sflag:s22], s20  }
0x9f: {  	s3 =	ssub.s32 $0x0, s20;
	[sflag:s22] =	ssyncset.done $0x0  }
0xa0: {  	[sflag:s22] =	ssyncadd.s32 s3;
	_ =	sdelay $0x1  }
0xa1: {  	s23 =	simm.s32 $0x1B8B  }
0xa2: {  	_ =	swait.ge [sflag:s23], $0x1  }
0xa3: {  	[sflag:s23] =	ssyncset.done $0x0  }
0xa4: {  	s25 =	simm.s32 $0x1B8E;
	s24 =	sld [smem:$0x3FFE];
	[sflag:s23] =	ssyncadd.s32 $0xFFFFFFFF  }
0xa5: {  	s26 =	simm.s32 $execute0_lowered;
	[smem:$0x3FD2] =	sst s25  }
0xa6: {  	s4 =	sshll.u32 s26, $0x1;
	_ =	strace $0x80000046;
	[dreg:$0x1] =	wrdreg $0xFFFFFFFF  }
0xa7: {  	s28 =	simm.s32 $_size_execute0_lowered;
	s2 =	sadd.s32 s2, s4;
	[dreg:$0x0] =	wrdreg $0x0  }
0xa8: {  	s4 =	sshll.u32 s28, $0x1;
	[dreg:$0x2] =	wrdreg s2  }
0xa9: {  	[dreg:$0x3] =	wrdreg s4  }
0xaa: {  	[dreg:$0x4] =	wrdreg $0xC0  }
0xab: {  	_ =	task [dreg:s6], $0x5FFFF  }
0xac: {  	[dreg:$0x1] =	wrdreg $0xFFFFFFFF  }
0xad: {  	[dreg:$0x0] =	wrdreg $0x60  }
0xae: {  	[dreg:$0x2] =	wrdreg s24  }
0xaf: {  	[dreg:$0x3] =	wrdreg $0x9  }
0xb0: {  	_ =	task.clear_ibuf [dreg:s6], $0x4FFFF;
	_ =	strace $0x90000046  }
0xb1: {  	s29 =	simm.s32 $0x9;
	_ =	strace $0x80000048  }
0xb2: {  	_ =	swait.ge [sflag:s29], $0x1  }
0xb3: {  	[sflag:s29] =	ssyncadd.s32 $0xFFFFFFFF  }
0xb4: {  	_ =	strace $0x90000048  }
0xb5: {  	_ =	sfence  }
0xb6: {  	s30 =	sld [smem:$0x0];
	_ =	sdelay $0x2  }
0xb7: {  	s31 =	sshll.u32 s1, $0xD;
	s1 =	sshrl.u32 s1, $0x2  }
0xb8: {  	s3 =	sand.u32 $0x4000, s31;
	s1 =	sadd.s32 s1, s30  }
0xb9: {  	s0 =	sor.u32 s3, s0;
	s1 =	sshll.u32 s1, $0x11  }
0xba: {  	s0 =	sor.u32 s1, s0  }
0xbb: {  	s0 =	sadd.s32 $0x8F2B, s0  }
0xbc: {  	[sflag:s0] =	ssyncadd.remote.s32 $0x1  }
0xbd: {  	_ =	sfence.sel $0xFFFF  }
0xbe: {  	[dreg:$0x0] =	wrdreg $0xFFFFFFFF;
	(pc) =	sbr.abs _section_cstart, $3  }
0xbf: {  	[dreg:$0x1] =	wrdreg $0xFFFFFFFF  }
0xc0: {  	_ =	task.clear_ibuf [dreg:s6], $0x2FFFF;
	_ =	strace $0x9FFFFFFF  }
0xc1: {  	(tm) =	ssettm $0x7FFFFFFF  }
tec
execute0_lowered:
.L_overlay_start_1:
0x0: {  	(tag) =	ssettag $0x1  }
0x1: {  	s0 =	rddreg [dreg:$0x0]  }
0x2: {  	s1 =	simm.s32 $0x0;
	s2 =	srdreg.scid;
	s7 =	stileid.u32  }
0x3: {  	s18 =	simm.s32 $0x18080;
	s19 =	simm.s32 $0x18100;
	s28 =	simm.s32 $0xA  }
0x4: {  	s11 =	simm.s32 $0xB;
	s16 =	simm.s32 $0x1;
	s30 =	simm.s32 $0x2  }
0x5: {  	s31 =	simm.s32 $0x5;
	s12 =	simm.s32 $0x0;
	[smem:$0x7FF] =	sst s1  }
0x6: {  	s3 =	sadd.s32 $0x1000, s0;
	s2 =	sand.u32 $0x1, s2;
	s4 =	sadd.s32 $0x7000, s0  }
0x7: {  	s7 =	sshll.u32 s7, $0xC;
	s9 =	sadd.s32 $0x107000, s0;
	s5 =	ssub.s32 $0x2, s2  }
0x8: {  	_ =	strace $0x80000047;
	s2 =	sshll.u32 s2, $0xB;
	s6 =	sshrl.u32 s5, $0x1  }
0x9: {  	[dreg:$0x2] =	wrdreg s9;
	s20 =	ssub.s32 s5, s6;
	s6 =	sor.u32 s2, s7  }
0xa: {  	s5 =	simm.s32 $0x3;
	s2 =	sshrl.u32 s6, $0x3;
	s7 =	sor.u32 $0x10000, s6  }
0xb: {  	s8 =	sor.u32 $0x20000, s6;
	s29 =	sshll.u32 s6, $0x4;
	s0 =	smax.u32 s20, $0x1  }
0xc: {  	s10 =	sadd.s32 s3, s2;
	s21 =	sshrl.u32 s7, $0x3;
	[dreg:$0x9] =	wrdreg s0  }
0xd: {  	s22 =	sshrl.u32 s8, $0x3;
	s2 =	sadd.s32 s3, s21;
	[dreg:$0x3] =	wrdreg s10  }
0xe: {  	s20 =	simm.s32 $0x9;
	s23 =	sadd.s32 s3, s22;
	[dreg:$0x4] =	wrdreg s2  }
0xf: {  	s15 =	sadd.s32 s9, s29;
	s24 =	sadd.s32 $0x8, s10;
	[dreg:$0x5] =	wrdreg s23  }
0x10: {  	s0 =	simm.s32 $0x6;
	s25 =	sadd.s32 $0x2008, s10;
	[dreg:$0x6] =	wrdreg s24  }
0x11: {  	s26 =	sadd.s32 $0x4008, s10;
	s21 =	simm.s32 $0x40;
	[dreg:$0x7] =	wrdreg s25  }
0x12: {  	s22 =	simm.s32 $0xC;
	[dreg:$0x8] =	wrdreg s26;
	s24 =	simm.s32 $0x18180  }
0x13: {  	s25 =	simm.s32 $0x18200;
	s26 =	simm.s32 $0x18280;
	s2 =	simm.s32 $0x4  }
.LBB2_1:
0x14: {  	[dreg:$0xa] =	wrdreg s12  }
0x15: {  	s9 =	rddreg [dreg:$0x3];
	s10 =	simm.s32 $0x18000  }
0x16: {  	[tilespmem:s10], [sflag:$0x9] =	stream.linear.gather [hbm4b:s9+s1], $0x40, $0x38;
	[tilespmem:$0x18600] =	vst v63  }
0x17: {  	s17 =	rddreg [dreg:$0x4]  }
0x18: {  	[tilespmem:s18], [sflag:$0x9] =	stream.linear.gather [hbm4b:s17+s1], $0x40, $0x38;
	[tilespmem:$0x18600] =	vst v63  }
0x19: {  	s23 =	rddreg [dreg:$0x5]  }
0x1a: {  	[tilespmem:s19], [sflag:$0x9] =	stream.linear.gather [hbm4b:s23+s1], $0x40, $0x38;
	[tilespmem:$0x18600] =	vst v63  }
0x1b: {  	_ =	swait.ge [sflag:s20], $0x40  }
0x1c: {  	[sflag:s20] =	ssyncset.done $0x0  }
0x1d: {  	[sflag:s20] =	ssyncadd.s32 $0xFFFFFFC0  }
0x1e: {  	_ =	swait.ge [sflag:s20], $0x40  }
0x1f: {  	[sflag:s20] =	ssyncset.done $0x0  }
0x20: {  	[sflag:s20] =	ssyncadd.s32 $0xFFFFFFC0  }
0x21: {  	_ =	swait.ge [sflag:s20], $0x40  }
0x22: {  	[sflag:s20] =	ssyncset.done $0x0  }
0x23: {  	[sflag:s20] =	ssyncadd.s32 $0xFFFFFFC0  }
0x24: {  	[tilespmem:s1], [sflag:$0x1] =	stream.indirect.gather [hbm4b:s4+s21], $0x80, s10, s21, $0xb8;
	[tilespmem:$0x18600] =	vst v63  }
0x25: {  	s29 =	simm.s32 $0x2000  }
0x26: {  	[tilespmem:s29], [sflag:$0x1] =	stream.indirect.gather [hbm4b:s4+s21], $0x80, s18, s21, $0xb8;
	[tilespmem:$0x18600] =	vst v63  }
0x27: {  	s10 =	simm.s32 $0x4000  }
0x28: {  	[tilespmem:s10], [sflag:$0x1] =	stream.indirect.gather [hbm4b:s4+s21], $0x80, s19, s21, $0xb8;
	[tilespmem:$0x18600] =	vst v63  }
0x29: {  	s12 =	rddreg [dreg:$0x6]  }
0x2a: {  	[tilespmem:s24], [sflag:$0xA] =	stream.linear.gather [hbm4b:s12+s1], $0x40, $0x38;
	[tilespmem:$0x18600] =	vst v63  }
0x2b: {  	s13 =	rddreg [dreg:$0x7]  }
0x2c: {  	[tilespmem:s25], [sflag:$0xA] =	stream.linear.gather [hbm4b:s13+s1], $0x40, $0x38;
	[tilespmem:$0x18600] =	vst v63  }
0x2d: {  	s14 =	rddreg [dreg:$0x8]  }
0x2e: {  	[tilespmem:s26], [sflag:$0xA] =	stream.linear.gather [hbm4b:s14+s1], $0x40, $0x38;
	[tilespmem:$0x18600] =	vst v63  }
0x2f: {  	_ =	swait.ge [sflag:s28], $0x40  }
0x30: {  	[sflag:s28] =	ssyncset.done $0x0  }
0x31: {  	[sflag:s28] =	ssyncadd.s32 $0xFFFFFFC0  }
0x32: {  	_ =	swait.ge [sflag:s28], $0x40  }
0x33: {  	[sflag:s28] =	ssyncset.done $0x0  }
0x34: {  	[sflag:s28] =	ssyncadd.s32 $0xFFFFFFC0  }
0x35: {  	_ =	swait.ge [sflag:s28], $0x40  }
0x36: {  	[sflag:s28] =	ssyncset.done $0x0  }
0x37: {  	s17 =	simm.s32 $0x6000;
	[sflag:s28] =	ssyncadd.s32 $0xFFFFFFC0  }
0x38: {  	[tilespmem:s17], [sflag:$0x2] =	stream.indirect.gather [hbm4b:s4+s21], $0x80, s24, s21, $0xb8;
	[tilespmem:$0x18600] =	vst v63  }
0x39: {  	s23 =	simm.s32 $0x8000  }
0x3a: {  	[tilespmem:s23], [sflag:$0x2] =	stream.indirect.gather [hbm4b:s4+s21], $0x80, s25, s21, $0xb8;
	[tilespmem:$0x18600] =	vst v63  }
0x3b: {  	s29 =	simm.s32 $0xA000;
	s10 =	simm.s32 $0x0  }
0x3c: {  	[tilespmem:s29], [sflag:$0x2] =	stream.indirect.gather [hbm4b:s4+s21], $0x80, s26, s21, $0xb8;
	[tilespmem:$0x18600] =	vst v63  }
.LBB2_2:
0x3d: {  	s9 =	sshll.u32 s10, $0x2  }
0x3e: {  	p0 =	seq.s32 s10, $0x0;
	s12 =	sor.u32 $0x2, s9  }
0x3f: {  	s13 =	simm.s32 @!p0 $0x7;
	s14 =	sshll.u32 s12, $0x6  }
0x40: {  	_ =	swait.ge @!p0 [sflag:s13], $0x2000;
	s29 =	sor.u32 s6, s14  }
0x41: {  	s23 =	simm.s32 $0x18300;
	[sflag:s13] =	ssyncset.done @!p0 $0x0;
	s29 =	sshrl.u32 s29, $0x3  }
0x42: {  	[sflag:s13] =	ssyncadd.s32 @!p0 $0xFFFFE000;
	s17 =	sadd.s32 s3, s29;
	s29 =	simm.s32 $0x0  }
0x43: {  	[tilespmem:s23], [sflag:$0xB] =	stream.linear.gather [hbm4b:s17+s29], $0x40, $0x38;
	[tilespmem:$0x18600] =	vst v63  }
0x44: {  	s17 =	sor.u32 s7, s14  }
0x45: {  	s13 =	sshrl.u32 s17, $0x3  }
0x46: {  	s14 =	sor.u32 s8, s14;
	s17 =	simm.s32 $0x18380;
	s13 =	sadd.s32 s3, s13  }
0x47: {  	[tilespmem:s17], [sflag:$0xB] =	stream.linear.gather [hbm4b:s13+s29], $0x40, $0x38;
	[tilespmem:$0x18600] =	vst v63  }
0x48: {  	s13 =	sshrl.u32 s14, $0x3  }
0x49: {  	s14 =	simm.s32 $0x18400;
	s13 =	sadd.s32 s3, s13  }
0x4a: {  	[tilespmem:s14], [sflag:$0xB] =	stream.linear.gather [hbm4b:s13+s29], $0x40, $0x38;
	[tilespmem:$0x18600] =	vst v63  }
0x4b: {  	_ =	swait.ge [sflag:s11], $0x40  }
0x4c: {  	[sflag:s11] =	ssyncset.done $0x0  }
0x4d: {  	[sflag:s11] =	ssyncadd.s32 $0xFFFFFFC0  }
0x4e: {  	_ =	swait.ge [sflag:s11], $0x40  }
0x4f: {  	[sflag:s11] =	ssyncset.done $0x0  }
0x50: {  	[sflag:s11] =	ssyncadd.s32 $0xFFFFFFC0  }
0x51: {  	_ =	swait.ge [sflag:s11], $0x40  }
0x52: {  	[sflag:s11] =	ssyncset.done $0x0  }
0x53: {  	s29 =	simm.s32 $0xC000;
	[sflag:s11] =	ssyncadd.s32 $0xFFFFFFC0  }
0x54: {  	[tilespmem:s29], [sflag:$0x3] =	stream.indirect.gather [hbm4b:s4+s21], $0x80, s23, s21, $0xb8;
	[tilespmem:$0x18600] =	vst v63  }
0x55: {  	s23 =	simm.s32 $0xE000  }
0x56: {  	[tilespmem:s23], [sflag:$0x3] =	stream.indirect.gather [hbm4b:s4+s21], $0x80, s17, s21, $0xb8;
	[tilespmem:$0x18600] =	vst v63  }
0x57: {  	s29 =	simm.s32 $0x10000  }
0x58: {  	[tilespmem:s29], [sflag:$0x3] =	stream.indirect.gather [hbm4b:s4+s21], $0x80, s14, s21, $0xb8;
	[tilespmem:$0x18600] =	vst v63  }
0x59: {  	_ =	swait.ge [sflag:s16], $0x2000  }
0x5a: {  	[sflag:s16] =	ssyncset.done $0x0  }
0x5b: {  	[sflag:s16] =	ssyncadd.s32 $0xFFFFE000  }
0x5c: {  	_ =	swait.ge [sflag:s16], $0x2000  }
0x5d: {  	[sflag:s16] =	ssyncset.done $0x0  }
0x5e: {  	[sflag:s16] =	ssyncadd.s32 $0xFFFFE000  }
0x5f: {  	_ =	swait.ge [sflag:s16], $0x2000  }
0x60: {  	[sflag:s16] =	ssyncset.done $0x0  }
0x61: {  	s13 =	simm.s32 $0x0;
	[sflag:s16] =	ssyncadd.s32 $0xFFFFE000  }
0x62: {  	v5 =	vld [tilespmem:s13+$0x4000]  }
0x63: {  	v4 =	vld [tilespmem:s13+$0x4010]  }
0x64: {  	v3 =	vld [tilespmem:s13+$0x4020]  }
0x65: {  	v2 =	vld [tilespmem:s13+$0x4030]  }
0x66: {  	v1 =	vld [tilespmem:s13+$0x4040]  }
0x67: {  	v0 =	vld [tilespmem:s13+$0x4050]  }
0x68: {  	v12 =	vld [tilespmem:s13+$0x2000]  }
0x69: {  	v17 =	vld [tilespmem:s13+$0x2010]  }
0x6a: {  	v11 =	vld [tilespmem:s13+$0x2020]  }
0x6b: {  	v10 =	vld [tilespmem:s13+$0x2030]  }
0x6c: {  	v9 =	vld [tilespmem:s13+$0x2040]  }
0x6d: {  	v8 =	vld [tilespmem:s13+$0x2050]  }
0x6e: {  	v7 =	vld [tilespmem:s13+$0x2060]  }
0x6f: {  	v6 =	vld [tilespmem:s13+$0x2070]  }
0x70: {  	v18 =	vld [tilespmem:s13+$0x0]  }
0x71: {  	v19 =	vld [tilespmem:s13+$0x10]  }
0x72: {  	v16 =	vld [tilespmem:s13+$0x20]  }
0x73: {  	v15 =	vld [tilespmem:s13+$0x30]  }
0x74: {  	v14 =	vld [tilespmem:s13+$0x40]  }
0x75: {  	v13 =	vld [tilespmem:s13+$0x50];
	v18 =	vadd.f32 v12, v18  }
0x76: {  	s14 =	simm.s32 $0x200;
	v17 =	vadd.f32 v17, v19;
	v12 =	vld [tilespmem:s13+$0x60]  }
.LBB2_3:
0x77: {  	p1 =	sne.s32 s14, $0x7E00;
	v5 =	vadd.f32 v5, v18;
	v11 =	vadd.f32 v11, v16;
	v16 =	vld [tilespmem:s13+$0x70]  }
0x78: {  	v4 =	vadd.f32 v4, v17;
	v10 =	vadd.f32 v10, v15;
	v15 =	vld [tilespmem:s13+$0x4060]  }
0x79: {  	s29 =	sshra.s32 s14, $0x2;
	v17 =	vmul.f32 $3.333333430e-01, v5;
	v3 =	vadd.f32 v3, v11;
	v9 =	vadd.f32 v9, v14;
	v11 =	vld [tilespmem:s13+$0x4070]  }
0x7a: {  	v5 =	vld [tilespmem:s29+$0x4000];
	v14 =	vmul.f32 $3.333333430e-01, v4;
	v2 =	vadd.f32 v2, v10;
	v8 =	vadd.f32 v8, v13  }
0x7b: {  	v4 =	vld [tilespmem:s29+$0x4010];
	[tilespmem:s13+$0x0] =	vst v17;
	v10 =	vmul.f32 $3.333333430e-01, v3;
	v1 =	vadd.f32 v1, v9;
	v7 =	vadd.f32 v7, v12  }
0x7c: {  	v3 =	vld [tilespmem:s29+$0x4020];
	[tilespmem:s13+$0x10] =	vst v14;
	v9 =	vmul.f32 $3.333333430e-01, v2;
	v0 =	vadd.f32 v0, v8;
	v6 =	vadd.f32 v6, v16  }
0x7d: {  	v2 =	vld [tilespmem:s29+$0x4030];
	[tilespmem:s13+$0x20] =	vst v10;
	v8 =	vmul.f32 $3.333333430e-01, v1;
	v7 =	vadd.f32 v15, v7  }
0x7e: {  	v1 =	vld [tilespmem:s29+$0x4040];
	[tilespmem:s13+$0x30] =	vst v9;
	v9 =	vmul.f32 $3.333333430e-01, v0;
	v6 =	vadd.f32 v11, v6  }
0x7f: {  	v0 =	vld [tilespmem:s29+$0x4050];
	[tilespmem:s13+$0x40] =	vst v8;
	v7 =	vmul.f32 $3.333333430e-01, v7  }
0x80: {  	v12 =	vld [tilespmem:s29+$0x2000];
	[tilespmem:s13+$0x50] =	vst v9;
	v6 =	vmul.f32 $3.333333430e-01, v6  }
0x81: {  	v17 =	vld [tilespmem:s29+$0x2010];
	[tilespmem:s13+$0x60] =	vst v7  }
0x82: {  	v11 =	vld [tilespmem:s29+$0x2020];
	[tilespmem:s13+$0x70] =	vst v6;
	s13 =	smov.u32 s29  }
0x83: {  	v10 =	vld [tilespmem:s13+$0x2030]  }
0x84: {  	v9 =	vld [tilespmem:s13+$0x2040]  }
0x85: {  	v8 =	vld [tilespmem:s13+$0x2050]  }
0x86: {  	v7 =	vld [tilespmem:s13+$0x2060]  }
0x87: {  	v6 =	vld [tilespmem:s13+$0x2070]  }
0x88: {  	v13 =	vld [tilespmem:s13+$0x0]  }
0x89: {  	v19 =	vld [tilespmem:s13+$0x10]  }
.Ltmp0:
0x8a: {  	v16 =	vld [tilespmem:s13+$0x20];
	(pc) =	sbr.rel @p1 .LBB2_3-.Ltmp0, $4  }
0x8b: {  	v15 =	vld [tilespmem:s13+$0x30]  }
0x8c: {  	v14 =	vld [tilespmem:s13+$0x40]  }
0x8d: {  	v18 =	vadd.f32 v12, v13;
	v13 =	vld [tilespmem:s13+$0x50]  }
0x8e: {  	s14 =	sadd.s32 $0x200, s14;
	v17 =	vadd.f32 v17, v19;
	v12 =	vld [tilespmem:s13+$0x60]  }
0x8f: {  	v5 =	vadd.f32 v5, v18;
	v11 =	vadd.f32 v11, v16;
	v16 =	vld [tilespmem:s13+$0x70]  }
0x90: {  	v4 =	vadd.f32 v4, v17;
	v10 =	vadd.f32 v10, v15;
	v15 =	vld [tilespmem:s13+$0x4060]  }
0x91: {  	v5 =	vmul.f32 $3.333333430e-01, v5;
	v3 =	vadd.f32 v3, v11;
	v9 =	vadd.f32 v9, v14;
	v11 =	vld [tilespmem:s13+$0x4070]  }
0x92: {  	v4 =	vmul.f32 $3.333333430e-01, v4;
	v2 =	vadd.f32 v2, v10;
	v8 =	vadd.f32 v8, v13  }
0x93: {  	[tilespmem:s13+$0x0] =	vst v5;
	v3 =	vmul.f32 $3.333333430e-01, v3;
	v1 =	vadd.f32 v1, v9;
	v5 =	vadd.f32 v7, v12  }
0x94: {  	[tilespmem:s13+$0x10] =	vst v4;
	v2 =	vmul.f32 $3.333333430e-01, v2;
	v0 =	vadd.f32 v0, v8;
	v4 =	vadd.f32 v6, v16  }
0x95: {  	[tilespmem:s13+$0x20] =	vst v3;
	v1 =	vmul.f32 $3.333333430e-01, v1;
	v3 =	vadd.f32 v15, v5  }
0x96: {  	[tilespmem:s13+$0x30] =	vst v2;
	v0 =	vmul.f32 $3.333333430e-01, v0;
	v2 =	vadd.f32 v11, v4  }
0x97: {  	[tilespmem:s13+$0x40] =	vst v1;
	v1 =	vmul.f32 $3.333333430e-01, v3  }
0x98: {  	s14 =	sshll.u32 s10, $0xC;
	s9 =	sor.u32 $0x3, s9;
	[tilespmem:s13+$0x50] =	vst v0;
	v0 =	vmul.f32 $3.333333430e-01, v2  }
0x99: {  	s17 =	sadd.s32 s14, s15;
	s14 =	sshll.u32 s9, $0x6;
	[tilespmem:s13+$0x60] =	vst v1  }
0x9a: {  	s29 =	sor.u32 s6, s14;
	[tilespmem:s13+$0x70] =	vst v0;
	s13 =	simm.s32 @!p0 $0x8  }
0x9b: {  	[hbm4b:s17+s1] =	stream.linear.scatter [tilespmem:s1], [sflag:$0x5], $0x2000, $0x38;
	[tilespmem:$0x18600] =	vst v63  }
0x9c: {  	s29 =	sshrl.u32 s29, $0x3;
	_ =	swait.ge @!p0 [sflag:s13], $0x2000  }
0x9d: {  	s23 =	sadd.s32 s3, s29;
	[sflag:s13] =	ssyncset.done @!p0 $0x0  }
0x9e: {  	s29 =	simm.s32 $0x0;
	s17 =	simm.s32 $0x18480;
	[sflag:s13] =	ssyncadd.s32 @!p0 $0xFFFFE000  }
0x9f: {  	[tilespmem:s17], [sflag:$0xC] =	stream.linear.gather [hbm4b:s23+s29], $0x40, $0x38;
	[tilespmem:$0x18600] =	vst v63  }
0xa0: {  	s23 =	sor.u32 s7, s14  }
0xa1: {  	s13 =	sshrl.u32 s23, $0x3  }
0xa2: {  	s14 =	sor.u32 s8, s14;
	s23 =	simm.s32 $0x18500;
	s13 =	sadd.s32 s3, s13  }
0xa3: {  	[tilespmem:s23], [sflag:$0xC] =	stream.linear.gather [hbm4b:s13+s29], $0x40, $0x38;
	[tilespmem:$0x18600] =	vst v63  }
0xa4: {  	s13 =	sshrl.u32 s14, $0x3  }
0xa5: {  	s14 =	simm.s32 $0x18580;
	s13 =	sadd.s32 s3, s13  }
0xa6: {  	[tilespmem:s14], [sflag:$0xC] =	stream.linear.gather [hbm4b:s13+s29], $0x40, $0x38;
	[tilespmem:$0x18600] =	vst v63  }
0xa7: {  	_ =	swait.ge [sflag:s22], $0x40  }
0xa8: {  	[sflag:s22] =	ssyncset.done $0x0  }
0xa9: {  	[sflag:s22] =	ssyncadd.s32 $0xFFFFFFC0  }
0xaa: {  	_ =	swait.ge [sflag:s22], $0x40  }
0xab: {  	[sflag:s22] =	ssyncset.done $0x0  }
0xac: {  	[sflag:s22] =	ssyncadd.s32 $0xFFFFFFC0  }
0xad: {  	_ =	swait.ge [sflag:s22], $0x40  }
0xae: {  	[sflag:s22] =	ssyncset.done $0x0  }
0xaf: {  	s29 =	simm.s32 $0x12000;
	[sflag:s22] =	ssyncadd.s32 $0xFFFFFFC0  }
0xb0: {  	[tilespmem:s29], [sflag:$0x4] =	stream.indirect.gather [hbm4b:s4+s21], $0x80, s17, s21, $0xb8;
	[tilespmem:$0x18600] =	vst v63  }
0xb1: {  	s17 =	simm.s32 $0x14000  }
0xb2: {  	[tilespmem:s17], [sflag:$0x4] =	stream.indirect.gather [hbm4b:s4+s21], $0x80, s23, s21, $0xb8;
	[tilespmem:$0x18600] =	vst v63  }
0xb3: {  	s29 =	simm.s32 $0x16000  }
0xb4: {  	[tilespmem:s29], [sflag:$0x4] =	stream.indirect.gather [hbm4b:s4+s21], $0x80, s14, s21, $0xb8;
	[tilespmem:$0x18600] =	vst v63  }
0xb5: {  	_ =	swait.ge [sflag:s30], $0x2000  }
0xb6: {  	[sflag:s30] =	ssyncset.done $0x0  }
0xb7: {  	[sflag:s30] =	ssyncadd.s32 $0xFFFFE000  }
0xb8: {  	_ =	swait.ge [sflag:s30], $0x2000  }
0xb9: {  	[sflag:s30] =	ssyncset.done $0x0  }
0xba: {  	[sflag:s30] =	ssyncadd.s32 $0xFFFFE000  }
0xbb: {  	_ =	swait.ge [sflag:s30], $0x2000  }
0xbc: {  	[sflag:s30] =	ssyncset.done $0x0  }
0xbd: {  	s14 =	simm.s32 $0x0;
	[sflag:s30] =	ssyncadd.s32 $0xFFFFE000  }
0xbe: {  	v5 =	vld [tilespmem:s14+$0xA000]  }
0xbf: {  	v4 =	vld [tilespmem:s14+$0xA010]  }
0xc0: {  	v3 =	vld [tilespmem:s14+$0xA020]  }
0xc1: {  	v2 =	vld [tilespmem:s14+$0xA030]  }
0xc2: {  	v1 =	vld [tilespmem:s14+$0xA040]  }
0xc3: {  	v0 =	vld [tilespmem:s14+$0xA050]  }
0xc4: {  	v12 =	vld [tilespmem:s14+$0x8000]  }
0xc5: {  	v17 =	vld [tilespmem:s14+$0x8010]  }
0xc6: {  	v11 =	vld [tilespmem:s14+$0x8020]  }
0xc7: {  	v10 =	vld [tilespmem:s14+$0x8030]  }
0xc8: {  	v9 =	vld [tilespmem:s14+$0x8040]  }
0xc9: {  	v8 =	vld [tilespmem:s14+$0x8050]  }
0xca: {  	v7 =	vld [tilespmem:s14+$0x8060]  }
0xcb: {  	v6 =	vld [tilespmem:s14+$0x8070]  }
0xcc: {  	v18 =	vld [tilespmem:s14+$0x6000]  }
0xcd: {  	v19 =	vld [tilespmem:s14+$0x6010]  }
0xce: {  	v16 =	vld [tilespmem:s14+$0x6020]  }
0xcf: {  	v15 =	vld [tilespmem:s14+$0x6030]  }
0xd0: {  	v14 =	vld [tilespmem:s14+$0x6040]  }
0xd1: {  	v13 =	vld [tilespmem:s14+$0x6050];
	v18 =	vadd.f32 v12, v18  }
0xd2: {  	s13 =	simm.s32 $0x200;
	v17 =	vadd.f32 v17, v19;
	v12 =	vld [tilespmem:s14+$0x6060]  }
.LBB2_5:
0xd3: {  	p0 =	sne.s32 s13, $0x7E00;
	v5 =	vadd.f32 v5, v18;
	v11 =	vadd.f32 v11, v16;
	v16 =	vld [tilespmem:s14+$0x6070]  }
0xd4: {  	v4 =	vadd.f32 v4, v17;
	v10 =	vadd.f32 v10, v15;
	v15 =	vld [tilespmem:s14+$0xA060]  }
0xd5: {  	s29 =	sshra.s32 s13, $0x2;
	v17 =	vmul.f32 $3.333333430e-01, v5;
	v3 =	vadd.f32 v3, v11;
	v9 =	vadd.f32 v9, v14;
	v11 =	vld [tilespmem:s14+$0xA070]  }
0xd6: {  	v5 =	vld [tilespmem:s29+$0xA000];
	v14 =	vmul.f32 $3.333333430e-01, v4;
	v2 =	vadd.f32 v2, v10;
	v8 =	vadd.f32 v8, v13  }
0xd7: {  	v4 =	vld [tilespmem:s29+$0xA010];
	[tilespmem:s14+$0x6000] =	vst v17;
	v10 =	vmul.f32 $3.333333430e-01, v3;
	v1 =	vadd.f32 v1, v9;
	v7 =	vadd.f32 v7, v12  }
0xd8: {  	v3 =	vld [tilespmem:s29+$0xA020];
	[tilespmem:s14+$0x6010] =	vst v14;
	v9 =	vmul.f32 $3.333333430e-01, v2;
	v0 =	vadd.f32 v0, v8;
	v6 =	vadd.f32 v6, v16  }
0xd9: {  	v2 =	vld [tilespmem:s29+$0xA030];
	[tilespmem:s14+$0x6020] =	vst v10;
	v8 =	vmul.f32 $3.333333430e-01, v1;
	v7 =	vadd.f32 v15, v7  }
0xda: {  	v1 =	vld [tilespmem:s29+$0xA040];
	[tilespmem:s14+$0x6030] =	vst v9;
	v9 =	vmul.f32 $3.333333430e-01, v0;
	v6 =	vadd.f32 v11, v6  }
0xdb: {  	v0 =	vld [tilespmem:s29+$0xA050];
	[tilespmem:s14+$0x6040] =	vst v8;
	v7 =	vmul.f32 $3.333333430e-01, v7  }
0xdc: {  	v12 =	vld [tilespmem:s29+$0x8000];
	[tilespmem:s14+$0x6050] =	vst v9;
	v6 =	vmul.f32 $3.333333430e-01, v6  }
0xdd: {  	v17 =	vld [tilespmem:s29+$0x8010];
	[tilespmem:s14+$0x6060] =	vst v7  }
0xde: {  	v11 =	vld [tilespmem:s29+$0x8020];
	[tilespmem:s14+$0x6070] =	vst v6;
	s14 =	smov.u32 s29  }
0xdf: {  	v10 =	vld [tilespmem:s14+$0x8030]  }
0xe0: {  	v9 =	vld [tilespmem:s14+$0x8040]  }
0xe1: {  	v8 =	vld [tilespmem:s14+$0x8050]  }
0xe2: {  	v7 =	vld [tilespmem:s14+$0x8060]  }
0xe3: {  	v6 =	vld [tilespmem:s14+$0x8070]  }
0xe4: {  	v13 =	vld [tilespmem:s14+$0x6000]  }
0xe5: {  	v19 =	vld [tilespmem:s14+$0x6010]  }
.Ltmp1:
0xe6: {  	v16 =	vld [tilespmem:s14+$0x6020];
	(pc) =	sbr.rel @p0 .LBB2_5-.Ltmp1, $4  }
0xe7: {  	v15 =	vld [tilespmem:s14+$0x6030]  }
0xe8: {  	v14 =	vld [tilespmem:s14+$0x6040]  }
0xe9: {  	v18 =	vadd.f32 v12, v13;
	v13 =	vld [tilespmem:s14+$0x6050]  }
0xea: {  	s13 =	sadd.s32 $0x200, s13;
	v17 =	vadd.f32 v17, v19;
	v12 =	vld [tilespmem:s14+$0x6060]  }
0xeb: {  	v5 =	vadd.f32 v5, v18;
	v11 =	vadd.f32 v11, v16;
	v16 =	vld [tilespmem:s14+$0x6070]  }
0xec: {  	v4 =	vadd.f32 v4, v17;
	v10 =	vadd.f32 v10, v15;
	v15 =	vld [tilespmem:s14+$0xA060]  }
0xed: {  	v5 =	vmul.f32 $3.333333430e-01, v5;
	v3 =	vadd.f32 v3, v11;
	v9 =	vadd.f32 v9, v14;
	v11 =	vld [tilespmem:s14+$0xA070]  }
0xee: {  	v4 =	vmul.f32 $3.333333430e-01, v4;
	v2 =	vadd.f32 v2, v10;
	v8 =	vadd.f32 v8, v13  }
0xef: {  	[tilespmem:s14+$0x6000] =	vst v5;
	v3 =	vmul.f32 $3.333333430e-01, v3;
	v1 =	vadd.f32 v1, v9;
	v5 =	vadd.f32 v7, v12  }
0xf0: {  	[tilespmem:s14+$0x6010] =	vst v4;
	v2 =	vmul.f32 $3.333333430e-01, v2;
	v0 =	vadd.f32 v0, v8;
	v4 =	vadd.f32 v6, v16  }
0xf1: {  	[tilespmem:s14+$0x6020] =	vst v3;
	v1 =	vmul.f32 $3.333333430e-01, v1;
	v3 =	vadd.f32 v15, v5  }
0xf2: {  	s13 =	sshll.u32 s10, $0x8;
	[tilespmem:s14+$0x6030] =	vst v2;
	v0 =	vmul.f32 $3.333333430e-01, v0;
	v2 =	vadd.f32 v11, v4  }
0xf3: {  	s29 =	sadd.s32 s13, s6;
	[tilespmem:s14+$0x6040] =	vst v1;
	v1 =	vmul.f32 $3.333333430e-01, v3  }
0xf4: {  	s23 =	rddreg [dreg:$0x2];
	s29 =	sshll.u32 s29, $0x4;
	[tilespmem:s14+$0x6050] =	vst v0;
	v0 =	vmul.f32 $3.333333430e-01, v2  }
0xf5: {  	s29 =	sadd.s32 s23, s29;
	[tilespmem:s14+$0x6060] =	vst v1  }
0xf6: {  	s17 =	simm.s32 $0x6000;
	s23 =	sadd.s32 $0x400, s29;
	s29 =	simm.s32 $0x0;
	[tilespmem:s14+$0x6070] =	vst v0  }
0xf7: {  	[hbm4b:s23+s29] =	stream.linear.scatter [tilespmem:s17], [sflag:$0x6], $0x2000, $0x38;
	[tilespmem:$0x18600] =	vst v63  }
0xf8: {  	s23 =	sadd.s32 $0x100, s13  }
0xf9: {  	s14 =	sand.u32 $0x700, s23  }
0xfa: {  	_ =	swait.ge [sflag:s31], $0x2000;
	s17 =	sor.u32 s6, s14  }
0xfb: {  	[sflag:s31] =	ssyncset.done $0x0;
	s23 =	sshrl.u32 s17, $0x3  }
0xfc: {  	[sflag:s31] =	ssyncadd.s32 $0xFFFFE000;
	s17 =	simm.s32 $0x18000;
	s23 =	sadd.s32 s3, s23  }
0xfd: {  	[tilespmem:s17], [sflag:$0x9] =	stream.linear.gather [hbm4b:s23+s29], $0x40, $0x38;
	[tilespmem:$0x18600] =	vst v63  }
0xfe: {  	s23 =	sor.u32 s7, s14  }
0xff: {  	s14 =	sor.u32 s8, s14;
	s23 =	sshrl.u32 s23, $0x3  }
0x100: {  	s14 =	sshrl.u32 s14, $0x3;
	s23 =	sadd.s32 s3, s23  }
0x101: {  	[tilespmem:s18], [sflag:$0x9] =	stream.linear.gather [hbm4b:s23+s29], $0x40, $0x38;
	[tilespmem:$0x18600] =	vst v63  }
0x102: {  	s14 =	sadd.s32 s3, s14  }
0x103: {  	[tilespmem:s19], [sflag:$0x9] =	stream.linear.gather [hbm4b:s14+s29], $0x40, $0x38;
	[tilespmem:$0x18600] =	vst v63  }
0x104: {  	_ =	swait.ge [sflag:s20], $0x40  }
0x105: {  	[sflag:s20] =	ssyncset.done $0x0  }
0x106: {  	[sflag:s20] =	ssyncadd.s32 $0xFFFFFFC0  }
0x107: {  	_ =	swait.ge [sflag:s20], $0x40  }
0x108: {  	[sflag:s20] =	ssyncset.done $0x0  }
0x109: {  	[sflag:s20] =	ssyncadd.s32 $0xFFFFFFC0  }
0x10a: {  	_ =	swait.ge [sflag:s20], $0x40  }
0x10b: {  	[sflag:s20] =	ssyncset.done $0x0  }
0x10c: {  	[sflag:s20] =	ssyncadd.s32 $0xFFFFFFC0  }
0x10d: {  	[tilespmem:s29], [sflag:$0x1] =	stream.indirect.gather [hbm4b:s4+s21], $0x80, s17, s21, $0xb8;
	[tilespmem:$0x18600] =	vst v63  }
0x10e: {  	s17 =	simm.s32 $0x2000  }
0x10f: {  	[tilespmem:s17], [sflag:$0x1] =	stream.indirect.gather [hbm4b:s4+s21], $0x80, s18, s21, $0xb8;
	[tilespmem:$0x18600] =	vst v63  }
0x110: {  	s23 =	simm.s32 $0x4000  }
0x111: {  	[tilespmem:s23], [sflag:$0x1] =	stream.indirect.gather [hbm4b:s4+s21], $0x80, s19, s21, $0xb8;
	[tilespmem:$0x18600] =	vst v63  }
0x112: {  	_ =	swait.ge [sflag:s5], $0x2000  }
0x113: {  	[sflag:s5] =	ssyncset.done $0x0  }
0x114: {  	[sflag:s5] =	ssyncadd.s32 $0xFFFFE000  }
0x115: {  	_ =	swait.ge [sflag:s5], $0x2000  }
0x116: {  	[sflag:s5] =	ssyncset.done $0x0  }
0x117: {  	[sflag:s5] =	ssyncadd.s32 $0xFFFFE000  }
0x118: {  	_ =	swait.ge [sflag:s5], $0x2000  }
0x119: {  	[sflag:s5] =	ssyncset.done $0x0  }
0x11a: {  	s14 =	simm.s32 $0x0;
	[sflag:s5] =	ssyncadd.s32 $0xFFFFE000  }
0x11b: {  	v5 =	vld [tilespmem:s14+$0x10000]  }
0x11c: {  	v4 =	vld [tilespmem:s14+$0x10010]  }
0x11d: {  	v3 =	vld [tilespmem:s14+$0x10020]  }
0x11e: {  	v2 =	vld [tilespmem:s14+$0x10030]  }
0x11f: {  	v1 =	vld [tilespmem:s14+$0x10040]  }
0x120: {  	v0 =	vld [tilespmem:s14+$0x10050]  }
0x121: {  	v12 =	vld [tilespmem:s14+$0xE000]  }
0x122: {  	v17 =	vld [tilespmem:s14+$0xE010]  }
0x123: {  	v11 =	vld [tilespmem:s14+$0xE020]  }
0x124: {  	v10 =	vld [tilespmem:s14+$0xE030]  }
0x125: {  	v9 =	vld [tilespmem:s14+$0xE040]  }
0x126: {  	v8 =	vld [tilespmem:s14+$0xE050]  }
0x127: {  	v7 =	vld [tilespmem:s14+$0xE060]  }
0x128: {  	v6 =	vld [tilespmem:s14+$0xE070]  }
0x129: {  	v18 =	vld [tilespmem:s14+$0xC000]  }
0x12a: {  	v19 =	vld [tilespmem:s14+$0xC010]  }
0x12b: {  	v16 =	vld [tilespmem:s14+$0xC020]  }
0x12c: {  	v15 =	vld [tilespmem:s14+$0xC030]  }
0x12d: {  	v14 =	vld [tilespmem:s14+$0xC040]  }
0x12e: {  	v13 =	vld [tilespmem:s14+$0xC050];
	v18 =	vadd.f32 v12, v18  }
0x12f: {  	s29 =	simm.s32 $0x200;
	v17 =	vadd.f32 v17, v19;
	v12 =	vld [tilespmem:s14+$0xC060]  }
.LBB2_7:
0x130: {  	p0 =	sne.s32 s29, $0x7E00;
	v5 =	vadd.f32 v5, v18;
	v11 =	vadd.f32 v11, v16;
	v16 =	vld [tilespmem:s14+$0xC070]  }
0x131: {  	v4 =	vadd.f32 v4, v17;
	v10 =	vadd.f32 v10, v15;
	v15 =	vld [tilespmem:s14+$0x10060]  }
0x132: {  	s23 =	sshra.s32 s29, $0x2;
	v17 =	vmul.f32 $3.333333430e-01, v5;
	v3 =	vadd.f32 v3, v11;
	v9 =	vadd.f32 v9, v14;
	v11 =	vld [tilespmem:s14+$0x10070]  }
0x133: {  	v5 =	vld [tilespmem:s23+$0x10000];
	v14 =	vmul.f32 $3.333333430e-01, v4;
	v2 =	vadd.f32 v2, v10;
	v8 =	vadd.f32 v8, v13  }
0x134: {  	v4 =	vld [tilespmem:s23+$0x10010];
	[tilespmem:s14+$0xC000] =	vst v17;
	v10 =	vmul.f32 $3.333333430e-01, v3;
	v1 =	vadd.f32 v1, v9;
	v7 =	vadd.f32 v7, v12  }
0x135: {  	v3 =	vld [tilespmem:s23+$0x10020];
	[tilespmem:s14+$0xC010] =	vst v14;
	v9 =	vmul.f32 $3.333333430e-01, v2;
	v0 =	vadd.f32 v0, v8;
	v6 =	vadd.f32 v6, v16  }
0x136: {  	v2 =	vld [tilespmem:s23+$0x10030];
	[tilespmem:s14+$0xC020] =	vst v10;
	v8 =	vmul.f32 $3.333333430e-01, v1;
	v7 =	vadd.f32 v15, v7  }
0x137: {  	v1 =	vld [tilespmem:s23+$0x10040];
	[tilespmem:s14+$0xC030] =	vst v9;
	v9 =	vmul.f32 $3.333333430e-01, v0;
	v6 =	vadd.f32 v11, v6  }
0x138: {  	v0 =	vld [tilespmem:s23+$0x10050];
	[tilespmem:s14+$0xC040] =	vst v8;
	v7 =	vmul.f32 $3.333333430e-01, v7  }
0x139: {  	v12 =	vld [tilespmem:s23+$0xE000];
	[tilespmem:s14+$0xC050] =	vst v9;
	v6 =	vmul.f32 $3.333333430e-01, v6  }
0x13a: {  	v17 =	vld [tilespmem:s23+$0xE010];
	[tilespmem:s14+$0xC060] =	vst v7  }
0x13b: {  	v11 =	vld [tilespmem:s23+$0xE020];
	[tilespmem:s14+$0xC070] =	vst v6;
	s14 =	smov.u32 s23  }
0x13c: {  	v10 =	vld [tilespmem:s14+$0xE030]  }
0x13d: {  	v9 =	vld [tilespmem:s14+$0xE040]  }
0x13e: {  	v8 =	vld [tilespmem:s14+$0xE050]  }
0x13f: {  	v7 =	vld [tilespmem:s14+$0xE060]  }
0x140: {  	v6 =	vld [tilespmem:s14+$0xE070]  }
0x141: {  	v13 =	vld [tilespmem:s14+$0xC000]  }
0x142: {  	v19 =	vld [tilespmem:s14+$0xC010]  }
.Ltmp2:
0x143: {  	v16 =	vld [tilespmem:s14+$0xC020];
	(pc) =	sbr.rel @p0 .LBB2_7-.Ltmp2, $4  }
0x144: {  	v15 =	vld [tilespmem:s14+$0xC030]  }
0x145: {  	v14 =	vld [tilespmem:s14+$0xC040]  }
0x146: {  	v18 =	vadd.f32 v12, v13;
	v13 =	vld [tilespmem:s14+$0xC050]  }
0x147: {  	s29 =	sadd.s32 $0x200, s29;
	v17 =	vadd.f32 v17, v19;
	v12 =	vld [tilespmem:s14+$0xC060]  }
0x148: {  	v5 =	vadd.f32 v5, v18;
	v11 =	vadd.f32 v11, v16;
	v16 =	vld [tilespmem:s14+$0xC070]  }
0x149: {  	v4 =	vadd.f32 v4, v17;
	v10 =	vadd.f32 v10, v15;
	v15 =	vld [tilespmem:s14+$0x10060]  }
0x14a: {  	v5 =	vmul.f32 $3.333333430e-01, v5;
	v3 =	vadd.f32 v3, v11;
	v9 =	vadd.f32 v9, v14;
	v11 =	vld [tilespmem:s14+$0x10070]  }
0x14b: {  	v4 =	vmul.f32 $3.333333430e-01, v4;
	v2 =	vadd.f32 v2, v10;
	v8 =	vadd.f32 v8, v13  }
0x14c: {  	[tilespmem:s14+$0xC000] =	vst v5;
	v3 =	vmul.f32 $3.333333430e-01, v3;
	v1 =	vadd.f32 v1, v9;
	v5 =	vadd.f32 v7, v12  }
0x14d: {  	[tilespmem:s14+$0xC010] =	vst v4;
	v2 =	vmul.f32 $3.333333430e-01, v2;
	v0 =	vadd.f32 v0, v8;
	v4 =	vadd.f32 v6, v16  }
0x14e: {  	[tilespmem:s14+$0xC020] =	vst v3;
	v1 =	vmul.f32 $3.333333430e-01, v1;
	v3 =	vadd.f32 v15, v5  }
0x14f: {  	[tilespmem:s14+$0xC030] =	vst v2;
	v0 =	vmul.f32 $3.333333430e-01, v0;
	v2 =	vadd.f32 v11, v4  }
0x150: {  	[tilespmem:s14+$0xC040] =	vst v1;
	v1 =	vmul.f32 $3.333333430e-01, v3  }
0x151: {  	[tilespmem:s14+$0xC050] =	vst v0;
	v0 =	vmul.f32 $3.333333430e-01, v2  }
0x152: {  	s12 =	sshll.u32 s12, $0xA;
	[tilespmem:s14+$0xC060] =	vst v1  }
0x153: {  	s17 =	simm.s32 $0xC000;
	s12 =	sadd.s32 s12, s15;
	[tilespmem:s14+$0xC070] =	vst v0;
	s14 =	simm.s32 $0x0  }
0x154: {  	[hbm4b:s12+s14] =	stream.linear.scatter [tilespmem:s17], [sflag:$0x7], $0x2000, $0x38;
	[tilespmem:$0x18600] =	vst v63  }
0x155: {  	s17 =	sadd.s32 $0x140, s13  }
0x156: {  	s12 =	sand.u32 $0x740, s17  }
0x157: {  	_ =	swait.ge [sflag:s0], $0x2000;
	s23 =	sor.u32 s6, s12  }
0x158: {  	[sflag:s0] =	ssyncset.done $0x0;
	s13 =	sshrl.u32 s23, $0x3  }
0x159: {  	s29 =	sor.u32 s7, s12;
	[sflag:s0] =	ssyncadd.s32 $0xFFFFE000;
	s13 =	sadd.s32 s3, s13  }
0x15a: {  	[tilespmem:s24], [sflag:$0xA] =	stream.linear.gather [hbm4b:s13+s14], $0x40, $0x38;
	[tilespmem:$0x18600] =	vst v63  }
0x15b: {  	s12 =	sor.u32 s8, s12;
	s13 =	sshrl.u32 s29, $0x3  }
0x15c: {  	s12 =	sshrl.u32 s12, $0x3;
	s13 =	sadd.s32 s3, s13  }
0x15d: {  	[tilespmem:s25], [sflag:$0xA] =	stream.linear.gather [hbm4b:s13+s14], $0x40, $0x38;
	[tilespmem:$0x18600] =	vst v63  }
0x15e: {  	s12 =	sadd.s32 s3, s12  }
0x15f: {  	[tilespmem:s26], [sflag:$0xA] =	stream.linear.gather [hbm4b:s12+s14], $0x40, $0x38;
	[tilespmem:$0x18600] =	vst v63  }
0x160: {  	_ =	swait.ge [sflag:s28], $0x40  }
0x161: {  	[sflag:s28] =	ssyncset.done $0x0  }
0x162: {  	[sflag:s28] =	ssyncadd.s32 $0xFFFFFFC0  }
0x163: {  	_ =	swait.ge [sflag:s28], $0x40  }
0x164: {  	[sflag:s28] =	ssyncset.done $0x0  }
0x165: {  	[sflag:s28] =	ssyncadd.s32 $0xFFFFFFC0  }
0x166: {  	_ =	swait.ge [sflag:s28], $0x40  }
0x167: {  	[sflag:s28] =	ssyncset.done $0x0  }
0x168: {  	s17 =	simm.s32 $0x6000;
	[sflag:s28] =	ssyncadd.s32 $0xFFFFFFC0  }
0x169: {  	[tilespmem:s17], [sflag:$0x2] =	stream.indirect.gather [hbm4b:s4+s21], $0x80, s24, s21, $0xb8;
	[tilespmem:$0x18600] =	vst v63  }
0x16a: {  	s23 =	simm.s32 $0x8000  }
0x16b: {  	[tilespmem:s23], [sflag:$0x2] =	stream.indirect.gather [hbm4b:s4+s21], $0x80, s25, s21, $0xb8;
	[tilespmem:$0x18600] =	vst v63  }
0x16c: {  	s29 =	simm.s32 $0xA000  }
0x16d: {  	[tilespmem:s29], [sflag:$0x2] =	stream.indirect.gather [hbm4b:s4+s21], $0x80, s26, s21, $0xb8;
	[tilespmem:$0x18600] =	vst v63  }
0x16e: {  	_ =	swait.ge [sflag:s2], $0x2000  }
0x16f: {  	[sflag:s2] =	ssyncset.done $0x0  }
0x170: {  	[sflag:s2] =	ssyncadd.s32 $0xFFFFE000  }
0x171: {  	_ =	swait.ge [sflag:s2], $0x2000  }
0x172: {  	[sflag:s2] =	ssyncset.done $0x0  }
0x173: {  	[sflag:s2] =	ssyncadd.s32 $0xFFFFE000  }
0x174: {  	_ =	swait.ge [sflag:s2], $0x2000  }
0x175: {  	[sflag:s2] =	ssyncset.done $0x0  }
0x176: {  	s12 =	simm.s32 $0x0;
	[sflag:s2] =	ssyncadd.s32 $0xFFFFE000  }
0x177: {  	v5 =	vld [tilespmem:s12+$0x16000]  }
0x178: {  	v4 =	vld [tilespmem:s12+$0x16010]  }
0x179: {  	v3 =	vld [tilespmem:s12+$0x16020]  }
0x17a: {  	v2 =	vld [tilespmem:s12+$0x16030]  }
0x17b: {  	v1 =	vld [tilespmem:s12+$0x16040]  }
0x17c: {  	v0 =	vld [tilespmem:s12+$0x16050]  }
0x17d: {  	v12 =	vld [tilespmem:s12+$0x14000]  }
0x17e: {  	v17 =	vld [tilespmem:s12+$0x14010]  }
0x17f: {  	v11 =	vld [tilespmem:s12+$0x14020]  }
0x180: {  	v10 =	vld [tilespmem:s12+$0x14030]  }
0x181: {  	v9 =	vld [tilespmem:s12+$0x14040]  }
0x182: {  	v8 =	vld [tilespmem:s12+$0x14050]  }
0x183: {  	v7 =	vld [tilespmem:s12+$0x14060]  }
0x184: {  	v6 =	vld [tilespmem:s12+$0x14070]  }
0x185: {  	v18 =	vld [tilespmem:s12+$0x12000]  }
0x186: {  	v19 =	vld [tilespmem:s12+$0x12010]  }
0x187: {  	v16 =	vld [tilespmem:s12+$0x12020]  }
0x188: {  	v15 =	vld [tilespmem:s12+$0x12030]  }
0x189: {  	v14 =	vld [tilespmem:s12+$0x12040]  }
0x18a: {  	v13 =	vld [tilespmem:s12+$0x12050];
	v18 =	vadd.f32 v12, v18  }
0x18b: {  	s13 =	simm.s32 $0x200;
	v17 =	vadd.f32 v17, v19;
	v12 =	vld [tilespmem:s12+$0x12060]  }
.LBB2_9:
0x18c: {  	p0 =	sne.s32 s13, $0x7E00;
	v5 =	vadd.f32 v5, v18;
	v11 =	vadd.f32 v11, v16;
	v16 =	vld [tilespmem:s12+$0x12070]  }
0x18d: {  	v4 =	vadd.f32 v4, v17;
	v10 =	vadd.f32 v10, v15;
	v15 =	vld [tilespmem:s12+$0x16060]  }
0x18e: {  	s14 =	sshra.s32 s13, $0x2;
	v17 =	vmul.f32 $3.333333430e-01, v5;
	v3 =	vadd.f32 v3, v11;
	v9 =	vadd.f32 v9, v14;
	v11 =	vld [tilespmem:s12+$0x16070]  }
0x18f: {  	v5 =	vld [tilespmem:s14+$0x16000];
	v14 =	vmul.f32 $3.333333430e-01, v4;
	v2 =	vadd.f32 v2, v10;
	v8 =	vadd.f32 v8, v13  }
0x190: {  	v4 =	vld [tilespmem:s14+$0x16010];
	[tilespmem:s12+$0x12000] =	vst v17;
	v10 =	vmul.f32 $3.333333430e-01, v3;
	v1 =	vadd.f32 v1, v9;
	v7 =	vadd.f32 v7, v12  }
0x191: {  	v3 =	vld [tilespmem:s14+$0x16020];
	[tilespmem:s12+$0x12010] =	vst v14;
	v9 =	vmul.f32 $3.333333430e-01, v2;
	v0 =	vadd.f32 v0, v8;
	v6 =	vadd.f32 v6, v16  }
0x192: {  	v2 =	vld [tilespmem:s14+$0x16030];
	[tilespmem:s12+$0x12020] =	vst v10;
	v8 =	vmul.f32 $3.333333430e-01, v1;
	v7 =	vadd.f32 v15, v7  }
0x193: {  	v1 =	vld [tilespmem:s14+$0x16040];
	[tilespmem:s12+$0x12030] =	vst v9;
	v9 =	vmul.f32 $3.333333430e-01, v0;
	v6 =	vadd.f32 v11, v6  }
0x194: {  	v0 =	vld [tilespmem:s14+$0x16050];
	[tilespmem:s12+$0x12040] =	vst v8;
	v7 =	vmul.f32 $3.333333430e-01, v7  }
0x195: {  	v12 =	vld [tilespmem:s14+$0x14000];
	[tilespmem:s12+$0x12050] =	vst v9;
	v6 =	vmul.f32 $3.333333430e-01, v6  }
0x196: {  	v17 =	vld [tilespmem:s14+$0x14010];
	[tilespmem:s12+$0x12060] =	vst v7  }
0x197: {  	v11 =	vld [tilespmem:s14+$0x14020];
	[tilespmem:s12+$0x12070] =	vst v6;
	s12 =	smov.u32 s14  }
0x198: {  	v10 =	vld [tilespmem:s12+$0x14030]  }
0x199: {  	v9 =	vld [tilespmem:s12+$0x14040]  }
0x19a: {  	v8 =	vld [tilespmem:s12+$0x14050]  }
0x19b: {  	v7 =	vld [tilespmem:s12+$0x14060]  }
0x19c: {  	v6 =	vld [tilespmem:s12+$0x14070]  }
0x19d: {  	v13 =	vld [tilespmem:s12+$0x12000]  }
0x19e: {  	v19 =	vld [tilespmem:s12+$0x12010]  }
.Ltmp3:
0x19f: {  	v16 =	vld [tilespmem:s12+$0x12020];
	(pc) =	sbr.rel @p0 .LBB2_9-.Ltmp3, $4  }
0x1a0: {  	v15 =	vld [tilespmem:s12+$0x12030]  }
0x1a1: {  	v14 =	vld [tilespmem:s12+$0x12040]  }
0x1a2: {  	v18 =	vadd.f32 v12, v13;
	v13 =	vld [tilespmem:s12+$0x12050]  }
0x1a3: {  	s13 =	sadd.s32 $0x200, s13;
	v17 =	vadd.f32 v17, v19;
	v12 =	vld [tilespmem:s12+$0x12060]  }
0x1a4: {  	v5 =	vadd.f32 v5, v18;
	v11 =	vadd.f32 v11, v16;
	v55 =	vld [tilespmem:s12+$0x12070]  }
0x1a5: {  	v56 =	vld [tilespmem:s12+$0x16060];
	v4 =	vadd.f32 v4, v17;
	v10 =	vadd.f32 v10, v15  }
0x1a6: {  	v57 =	vld [tilespmem:s12+$0x16070];
	v5 =	vmul.f32 $3.333333430e-01, v5;
	v3 =	vadd.f32 v3, v11;
	v9 =	vadd.f32 v9, v14  }
0x1a7: {  	v4 =	vmul.f32 $3.333333430e-01, v4;
	v2 =	vadd.f32 v2, v10;
	v8 =	vadd.f32 v8, v13  }
0x1a8: {  	[tilespmem:s12+$0x12000] =	vst v5;
	v3 =	vmul.f32 $3.333333430e-01, v3;
	v1 =	vadd.f32 v1, v9;
	v58 =	vadd.f32 v7, v12  }
0x1a9: {  	[tilespmem:s12+$0x12010] =	vst v4;
	v2 =	vmul.f32 $3.333333430e-01, v2;
	v0 =	vadd.f32 v0, v8;
	v59 =	vadd.f32 v6, v55  }
0x1aa: {  	s10 =	sadd.s32 $0x1, s10;
	[tilespmem:s12+$0x12020] =	vst v3;
	v1 =	vmul.f32 $3.333333430e-01, v1;
	v60 =	vadd.f32 v56, v58  }
0x1ab: {  	p0 =	sne.s32 s10, $0x8;
	[tilespmem:s12+$0x12030] =	vst v2;
	v0 =	vmul.f32 $3.333333430e-01, v0;
	v61 =	vadd.f32 v57, v59  }
.Ltmp4:
0x1ac: {  	[tilespmem:s12+$0x12040] =	vst v1;
	v62 =	vmul.f32 $3.333333430e-01, v60;
	(pc) =	sbr.rel @p0 .LBB2_2-.Ltmp4, $4  }
0x1ad: {  	[tilespmem:s12+$0x12050] =	vst v0;
	v63 =	vmul.f32 $3.333333430e-01, v61  }
0x1ae: {  	s9 =	sshll.u32 s9, $0xA;
	[tilespmem:s12+$0x12060] =	vst v62  }
0x1af: {  	s29 =	simm.s32 $0x12000;
	s9 =	sadd.s32 s9, s15;
	[tilespmem:s12+$0x12070] =	vst v63  }
0x1b0: {  	[hbm4b:s9+s1] =	stream.linear.scatter [tilespmem:s29], [sflag:$0x8], $0x2000, $0x38;
	[tilespmem:$0x18600] =	vst v63  }
0x1b1: {  	_ =	swait.ge [sflag:s16], $0x2000  }
0x1b2: {  	[sflag:s16] =	ssyncset.done $0x0  }
0x1b3: {  	[sflag:s16] =	ssyncadd.s32 $0xFFFFE000  }
0x1b4: {  	_ =	swait.ge [sflag:s16], $0x2000  }
0x1b5: {  	[sflag:s16] =	ssyncset.done $0x0  }
0x1b6: {  	[sflag:s16] =	ssyncadd.s32 $0xFFFFE000  }
0x1b7: {  	_ =	swait.ge [sflag:s16], $0x2000  }
0x1b8: {  	[sflag:s16] =	ssyncset.done $0x0  }
0x1b9: {  	[sflag:s16] =	ssyncadd.s32 $0xFFFFE000  }
0x1ba: {  	_ =	swait.ge [sflag:s30], $0x2000  }
0x1bb: {  	[sflag:s30] =	ssyncset.done $0x0  }
0x1bc: {  	[sflag:s30] =	ssyncadd.s32 $0xFFFFE000  }
0x1bd: {  	_ =	swait.ge [sflag:s30], $0x2000  }
0x1be: {  	[sflag:s30] =	ssyncset.done $0x0  }
0x1bf: {  	[sflag:s30] =	ssyncadd.s32 $0xFFFFE000  }
0x1c0: {  	_ =	swait.ge [sflag:s30], $0x2000  }
0x1c1: {  	[sflag:s30] =	ssyncset.done $0x0  }
0x1c2: {  	s9 =	simm.s32 $0x7;
	[sflag:s30] =	ssyncadd.s32 $0xFFFFE000  }
0x1c3: {  	_ =	swait.ge [sflag:s9], $0x2000  }
0x1c4: {  	[sflag:s9] =	ssyncset.done $0x0  }
0x1c5: {  	s10 =	simm.s32 $0x8;
	[sflag:s9] =	ssyncadd.s32 $0xFFFFE000  }
0x1c6: {  	_ =	swait.ge [sflag:s10], $0x2000  }
0x1c7: {  	s12 =	rddreg [dreg:$0xa]  }
0x1c8: {  	s29 =	rddreg [dreg:$0x9];
	s12 =	sadd.s32 $0x1, s12  }
0x1c9: {  	p0 =	sne.s32 s12, s29  }
.Ltmp5:
0x1ca: {  	_ = 	snop;
	(pc) =	sbr.rel @p0 .LBB2_1-.Ltmp5, $3  }
0x1cb: {  	_ =	sdelay $0x1  }
0x1cc: {  	[sflag:s10] =	ssyncset.done $0x0  }
0x1cd: {  	[sflag:s10] =	ssyncadd.s32 $0xFFFFE000  }
0x1ce: {  	_ =	sfence.sel $0x180000  }
0x1cf: {  	[bflag:$0x0] =	sbarrier.arrive $0xFFFF  }
0x1d0: {  	_ =	strace $0x90000047  }
0x1d1: {  	s0 =	stileid.u32;
	[bflag:$0x2] =	sbarrier.arrive $0xFFFF  }
0x1d2: {  	p0 =	sne.s32 s0, $0x0;
	s0 =	rddreg [dreg:$0x1]  }
0x1d3: {  	s0 =	sadd.s32 @!p0 $0x100000, s0  }
0x1d4: {  	[sflag:s0] =	ssyncadd.tile.s32 @!p0 $0x1;
	_ =	shalt  }
.Lfunc_end2:
_tile_overlayer_lowered:
.L_overlay_start_2:
0x1d5: {  	(tag) =	ssettag $0x2  }
0x1d6: {  	s0 =	rddreg [dreg:$0x0];
	s2 =	stileid.u32  }
0x1d7: {  	s1 =	rddreg [dreg:$0x1];
	p0 =	sne.s32 s2, $0x0  }
0x1d8: {  	s3 =	rddreg [dreg:$0x2];
	[bflag:$0x3] =	sbarrier.arrive $0xFFFF;
	s2 =	simm.s32 @!p0 $0x1C0D  }
0x1d9: {  	[timem:s3], [sflag:s2] =	dma.local @!p0 [hbm:s0], s1  }
0x1da: {  	s0 =	simm.s32 @!p0 $0xD  }
0x1db: {  	_ =	swait.ge @!p0 [sflag:s0], s1  }
0x1dc: {  	s1 =	ssub.s32 @!p0 $0x0, s1;
	[sflag:s0] =	ssyncset.done @!p0 $0x0  }
0x1dd: {  	[sflag:s0] =	ssyncadd.s32 @!p0 s1  }
0x1de: {  	[bflag:$0x3] =	sbarrier.arrive $0xFFFF  }
0x1df: {  	_ =	shalt  }

</sc_bundles>
